<compile_context>
chip_gen: v7x
topology: tpu7x:2x2x1
jax: 0.10.2.dev20260603
libtpu: 0.0.44.dev20260713+nightly
codegen_flags: <defaults>
</compile_context>

<pallas_src>
import jax
import jax.numpy as jnp
from jax import lax
from jax.experimental import pallas as pl
from jax.experimental.pallas import tpu as pltpu
from jax.experimental.pallas import tpu_sc as plsc

N_ATOMS = 10000
N_EDGES = 320000
FEAT = 128
N_RBF = 64
CUTOFF = 5.0

NUM_SC = 2
NUM_SUBCORES = 16
NUM_TILES = NUM_SC * NUM_SUBCORES
EDGES_PER_TILE = N_EDGES // NUM_TILES
N_PAD = 10240
ROWS_PER_SUBCORE = N_PAD // NUM_SUBCORES
EDGE_WIN = 128

EBL = 12800
NEB = N_EDGES // EBL
CHUNK_BLOCKS = (13, 12)
WPS = 1
NB = 2000

_sc_mesh = plsc.VectorSubcoreMesh(core_axis_name="c", subcore_axis_name="s")


def _zc_gather(z1d, src1d):

    @pl.kernel(
        out_type=jax.ShapeDtypeStruct((N_EDGES,), jnp.int32),
        mesh=_sc_mesh,
        compiler_params=pltpu.CompilerParams(needs_layout_passes=False),
        scratch_types=[
            pltpu.VMEM((N_ATOMS,), jnp.int32),
            pltpu.VMEM((EDGES_PER_TILE,), jnp.int32),
            pltpu.VMEM((EDGES_PER_TILE,), jnp.int32),
        ],
    )
    def k(z_hbm, src_hbm, o_hbm, z_v, idx_v, out_v):
        wid = lax.axis_index("s") * NUM_SC + lax.axis_index("c")
        base = wid * EDGES_PER_TILE
        pltpu.sync_copy(z_hbm, z_v)
        pltpu.sync_copy(src_hbm.at[pl.ds(base, EDGES_PER_TILE)], idx_v)

        @pl.loop(0, EDGES_PER_TILE, step=16)
        def _(i):
            idx = idx_v[pl.ds(i, 16)]
            out_v[pl.ds(i, 16)] = plsc.load_gather(z_v, [idx])

        pltpu.sync_copy(out_v, o_hbm.at[pl.ds(base, EDGES_PER_TILE)])

    return k(z1d, src1d)


def _edge_feats_body(dist_ref, zc_ref, wd_ref, tpad_ref, o_ref):
    d = dist_ref[0]
    mu = lax.broadcasted_iota(jnp.int32, (N_RBF, 1), 0).astype(jnp.float32) * (
        CUTOFF / (N_RBF - 1)
    )
    inv_sigma = (N_RBF - 1) / CUTOFF
    t = (d - mu) * inv_sigma
    rbf = jnp.exp(-0.5 * t * t)
    h = d * (jnp.pi / (2.0 * CUTOFF))
    y = h * h
    s = h * (
        1.0
        + y
        * (
            -1.0 / 6.0
            + y * (1.0 / 120.0 + y * (-1.0 / 5040.0 + y * (1.0 / 362880.0)))
        )
    )
    env = jnp.where(d < CUTOFF, 1.0 - s * s, 0.0)
    rbf_env = (rbf * env).astype(jnp.bfloat16)
    dist_emb = lax.dot_general(
        rbf_env,
        wd_ref[...],
        (((0,), (0,)), ((), ())),
        preferred_element_type=jnp.float32,
    )
    zl = zc_ref[0]
    sub = lax.broadcasted_iota(jnp.int32, (FEAT, 1), 0)
    oh = (sub == zl).astype(jnp.bfloat16)
    nbr = lax.dot_general(
        oh,
        tpad_ref[...],
        (((0,), (0,)), ((), ())),
        preferred_element_type=jnp.float32,
    )
    o_ref[...] = dist_emb * nbr


def _edge_feats(dist3d, zc3d, w_dist_bf, t_pad_bf, block0, nblocks):
    return pl.pallas_call(
        _edge_feats_body,
        grid=(nblocks,),
        compiler_params=pltpu.CompilerParams(
            dimension_semantics=("parallel",)
        ),
        in_specs=[
            pl.BlockSpec((1, 1, EBL), lambda i: (i + block0, 0, 0)),
            pl.BlockSpec((1, 1, EBL), lambda i: (i + block0, 0, 0)),
            pl.BlockSpec((N_RBF, FEAT), lambda i: (0, 0)),
            pl.BlockSpec((FEAT, FEAT), lambda i: (0, 0)),
        ],
        out_specs=pl.BlockSpec((EBL, FEAT), lambda i: (i, 0)),
        out_shape=jax.ShapeDtypeStruct((nblocks * EBL, FEAT), jnp.float32),
    )(dist3d, zc3d, w_dist_bf, t_pad_bf)


def _scatter_add(ef_chunk, dst1d, init_parts, step0, nsteps):

    first = init_parts is None

    @pl.kernel(
        out_type=jax.ShapeDtypeStruct((NUM_SC, N_PAD, FEAT), jnp.float32),
        mesh=_sc_mesh,
        scratch_types=[pltpu.VMEM_SHARED((N_PAD, FEAT), jnp.float32)],
    )
    def k(ef_hbm, dst_hbm, init_hbm, o_hbm, acc):
        c = lax.axis_index("c")
        s = lax.axis_index("s")
        row0 = s * ROWS_PER_SUBCORE
        if first:
            pltpu.sync_copy(init_hbm, acc.at[pl.ds(row0, ROWS_PER_SUBCORE)])
        else:
            pltpu.sync_copy(
                init_hbm.at[c].at[pl.ds(row0, ROWS_PER_SUBCORE)],
                acc.at[pl.ds(row0, ROWS_PER_SUBCORE)],
            )
        plsc.subcore_barrier()

        def body(x_vmem, i_vmem):
            pltpu.sync_copy(x_vmem, acc.at[i_vmem], add=True)

        pltpu.emit_pipeline(
            body,
            grid=(nsteps,),
            in_specs=[
                pl.BlockSpec((WPS * EDGE_WIN, FEAT), lambda i: (i, 0)),
                pl.BlockSpec((WPS * EDGE_WIN,), lambda i: (i + step0,)),
            ],
            out_specs=[],
            core_axis_name=("c", "s"),
            dimension_semantics=(pltpu.PARALLEL,),
        )(ef_hbm, dst_hbm)
        plsc.subcore_barrier()
        pltpu.sync_copy(
            acc.at[pl.ds(row0, ROWS_PER_SUBCORE)],
            o_hbm.at[c].at[pl.ds(row0, ROWS_PER_SUBCORE)],
        )

    if first:
        init_parts = jnp.zeros((ROWS_PER_SUBCORE, FEAT), jnp.float32)
    return k(ef_chunk, dst1d, init_parts)


def _final_body(z_ref, p_ref, tpad_ref, wcat_ref, b_ref, o_ref):
    lane = lax.broadcasted_iota(jnp.int32, (NB, FEAT), 1)
    oh = (z_ref[...] == lane).astype(jnp.float32)
    tw1 = jnp.dot(
        tpad_ref[...], wcat_ref[0:FEAT, :], preferred_element_type=jnp.float32
    )
    aggr = p_ref[0] + p_ref[1]
    o_ref[...] = (
        jnp.dot(oh, tw1, preferred_element_type=jnp.float32)
        + jnp.dot(
            aggr,
            wcat_ref[FEAT : 2 * FEAT, :],
            preferred_element_type=jnp.float32,
        )
        + b_ref[...]
    )


def _final(z2d, p, t_pad, w_cat, b2d):
    return pl.pallas_call(
        _final_body,
        grid=(N_ATOMS // NB,),
        compiler_params=pltpu.CompilerParams(
            dimension_semantics=("parallel",)
        ),
        in_specs=[
            pl.BlockSpec((NB, 1), lambda i: (i, 0)),
            pl.BlockSpec((NUM_SC, NB, FEAT), lambda i: (0, i, 0)),
            pl.BlockSpec((FEAT, FEAT), lambda i: (0, 0)),
            pl.BlockSpec((2 * FEAT, FEAT), lambda i: (0, 0)),
            pl.BlockSpec((1, FEAT), lambda i: (0, 0)),
        ],
        out_specs=pl.BlockSpec((NB, FEAT), lambda i: (i, 0)),
        out_shape=jax.ShapeDtypeStruct((N_ATOMS, FEAT), jnp.float32),
    )(z2d, p, t_pad, w_cat, b2d)


def kernel(z_number, nbrs, dist, atom_table, W_dist, W_cat, b_cat):
    z = z_number.astype(jnp.int32)
    dst1d = nbrs[:, 0].astype(jnp.int32)
    src1d = nbrs[:, 1].astype(jnp.int32)
    t_pad = jnp.zeros((FEAT, FEAT), jnp.float32).at[:100].set(atom_table)
    t_pad_bf = t_pad.astype(jnp.bfloat16)
    w_dist_bf = W_dist.astype(jnp.bfloat16)

    zc1d = _zc_gather(z, src1d)
    dist3d = dist.reshape(NEB, 1, EBL)
    zc3d = zc1d.reshape(NEB, 1, EBL)

    part = None
    block0 = 0
    for nblocks in CHUNK_BLOCKS:
        ef = _edge_feats(dist3d, zc3d, w_dist_bf, t_pad_bf, block0, nblocks)
        step0 = block0 * (EBL // (WPS * EDGE_WIN))
        nsteps = nblocks * (EBL // (WPS * EDGE_WIN))
        part = _scatter_add(ef, dst1d, part, step0, nsteps)
        block0 += nblocks

    out = _final(
        z.reshape(N_ATOMS, 1),
        part,
        t_pad,
        W_cat,
        b_cat.reshape(1, FEAT),
    )
    return out

# --- scband reference (transcript-rebuilt; emitter-appended) ---
"""Pipeline reference for scband-embedding-block-13005160972650 (READ-ONLY COPY).

The authoritative reference and input builder live on the scoring server;
editing this copy changes nothing except your own understanding.
"""

import jax, jax.numpy as jnp
import numpy as np

N_ATOMS = 10000
N_EDGES = 320000
FEAT = 128
N_RBF = 64
CUTOFF = 5.0


def setup_inputs(seed: int = 0) -> dict:
    key = jax.random.key(seed)
    k1, k2, k3, k4, k5, k6 = jax.random.split(key, 6)
    z_number = jax.random.randint(k1, (N_ATOMS,), 0, 100)
    nbrs = jax.random.randint(k2, (N_EDGES, 2), 0, N_ATOMS)
    dist = jax.random.uniform(k3, (N_EDGES,), dtype=jnp.float32)
    atom_table = jax.random.normal(k4, (100, FEAT), dtype=jnp.float32) * 0.02
    atom_table = atom_table.at[0].set(0.0)  # padding_idx=0
    W_dist = jax.random.normal(k5, (N_RBF, FEAT), dtype=jnp.float32) * 0.05
    W_cat = jax.random.normal(k6, (2 * FEAT, FEAT), dtype=jnp.float32) * 0.05
    b_cat = jnp.zeros((FEAT,), dtype=jnp.float32)
    return {"z_number": z_number, "nbrs": nbrs, "dist": dist,
            "atom_table": atom_table, "W_dist": W_dist,
            "W_cat": W_cat, "b_cat": b_cat}


def reference(z_number, nbrs, dist, atom_table, W_dist, W_cat, b_cat):
    # RBF expansion (gaussian smearing with mu buffer, cutoff from rbf)
    mu = jnp.linspace(0.0, CUTOFF, N_RBF)
    sigma = mu[1] - mu[0]
    rbf_feats = jnp.exp(-0.5 * ((dist[:, None] - mu[None, :]) / sigma) ** 2)
    # Dense(n_rbf -> feat_dim, bias=False); dropout is identity in eval
    rbf_feats = rbf_feats @ W_dist
    # CosineEnvelope
    envelope = jnp.where(dist < CUTOFF,
                         0.5 * (jnp.cos(jnp.pi * dist / CUTOFF) + 1.0),
                         0.0).reshape(-1, 1)
    dist_emb = rbf_feats * envelope
    # atom embeddings (gather)
    node_embeddings = jnp.take(atom_table, z_number, axis=0)
    nbr_embeddings = jnp.take(atom_table, jnp.take(z_number, nbrs[:, 1], axis=0), axis=0)
    edge_feats = dist_emb * nbr_embeddings
    # scatter_add over destination nodes
    aggr_embeddings = jax.ops.segment_sum(edge_feats, nbrs[:, 0], num_segments=N_ATOMS)
    # concat Dense (bias=True, activation=None)
    final = jnp.concatenate([node_embeddings, aggr_embeddings], axis=-1) @ W_cat + b_cat
    return final

if __name__ == "__main__":
    import jax
    _d = setup_inputs()
    print(jax.jit(kernel)(*tuple(_d.values())))

</pallas_src>

<mosaic_0001>
#map = affine_map<(d0, d1) -> (0)>
module attributes {stable_mosaic.version = 14 : i64} {
  func.func @k(%arg0: i32, %arg1: i32, %arg2: memref<10000xi32, #tpu.memory_space<hbm>>, %arg3: memref<320000xi32, #tpu.memory_space<hbm>>, %arg4: memref<320000xi32, #tpu.memory_space<hbm>>, %arg5: memref<10000xi32, #tpu.memory_space<vmem>>, %arg6: memref<10000xi32, #tpu.memory_space<vmem>>, %arg7: memref<10000xi32, #tpu.memory_space<vmem>>) attributes {dimension_semantics = [#tpu.dimension_semantics<core_parallel>, #tpu.dimension_semantics<subcore_parallel>], iteration_bounds = array<i64: 2, 16>, scalar_prefetch = 0 : i64, scratch_operands = 3 : i64, tpu.core_type = #tpu.core_type<sc_vector_subcore>, window_params = [{transform_indices = #map}, {transform_indices = #map}, {transform_indices = #map}]} {
    %mul3A = arith.constant 2 : i32
    %mul3A_0 = arith.muli %arg1, %mul3A : i32
    %add3A = arith.addi %mul3A_0, %arg0 : i32
    %mul3A_1 = arith.constant 10000 : i32
    %mul3A_2 = arith.muli %add3A, %mul3A_1 : i32
    "tpu.region"() ({
      %run_scoped3A = tpu.sem_alloc : memref<!tpu.dma_semaphore, #tpu.memory_space<semaphore_mem>>
      tpu.enqueue_dma source(%arg2 : memref<10000xi32, #tpu.memory_space<hbm>>) target(%arg5 : memref<10000xi32, #tpu.memory_space<vmem>>) target_semaphore(%run_scoped3A : memref<!tpu.dma_semaphore, #tpu.memory_space<semaphore_mem>>)
      tpu.wait_dma2 semaphore(%run_scoped3A : memref<!tpu.dma_semaphore, #tpu.memory_space<semaphore_mem>>) src(%arg2 : memref<10000xi32, #tpu.memory_space<hbm>>) dst(%arg5 : memref<10000xi32, #tpu.memory_space<vmem>>)
      tpu.yield
    }) : () -> ()
    "tpu.region"() ({
      %run_scoped3A = tpu.sem_alloc : memref<!tpu.dma_semaphore, #tpu.memory_space<semaphore_mem>>
      %dma_start3A = tpu.memref_slice %arg3[%mul3A_2] : memref<320000xi32, #tpu.memory_space<hbm>> -> memref<10000xi32, #tpu.memory_space<hbm>>
      %dma_start3A_7 = tpu.memref_slice %arg3[%mul3A_2] : memref<320000xi32, #tpu.memory_space<hbm>> -> memref<10000xi32, #tpu.memory_space<hbm>>
      tpu.enqueue_dma source(%dma_start3A_7 : memref<10000xi32, #tpu.memory_space<hbm>>) target(%arg6 : memref<10000xi32, #tpu.memory_space<vmem>>) target_semaphore(%run_scoped3A : memref<!tpu.dma_semaphore, #tpu.memory_space<semaphore_mem>>)
      %dma_wait3A = tpu.memref_slice %arg3[%mul3A_2] : memref<320000xi32, #tpu.memory_space<hbm>> -> memref<10000xi32, #tpu.memory_space<hbm>>
      %dma_wait3A_8 = tpu.memref_slice %arg3[%mul3A_2] : memref<320000xi32, #tpu.memory_space<hbm>> -> memref<10000xi32, #tpu.memory_space<hbm>>
      tpu.wait_dma2 semaphore(%run_scoped3A : memref<!tpu.dma_semaphore, #tpu.memory_space<semaphore_mem>>) src(%dma_wait3A_8 : memref<10000xi32, #tpu.memory_space<hbm>>) dst(%arg6 : memref<10000xi32, #tpu.memory_space<vmem>>)
      tpu.yield
    }) : () -> ()
    %scan3A = arith.constant 0 : i32
    %scan3A_3 = arith.constant 625 : i32
    %scan3A_4 = arith.addi %scan3A, %scan3A_3 : i32
    %scan3A_5 = arith.constant 1 : i32
    scf.for %scan3A_7 = %scan3A to %scan3A_4 step %scan3A_5  : i32 {
      %mul3A_8 = arith.constant 16 : i32
      %mul3A_9 = arith.muli %scan3A_7, %mul3A_8 : i32
      %add3A_10 = arith.constant 0 : i32
      %add3A_11 = arith.addi %add3A_10, %mul3A_9 : i32
      %get3A = arith.index_cast %add3A_11 : i32 to index
      %get3A_12 = tpu.vector_load %arg6[%get3A] {strides = array<i32>} : memref<10000xi32, #tpu.memory_space<vmem>>, vector<16xi32>,
      %gather3A = tpu.vector_load_idx %arg5[%get3A_12] : memref<10000xi32, #tpu.memory_space<vmem>>[vector<16xi32>], vector<16xi32>,
      %swap3A = arith.index_cast %add3A_11 : i32 to index
      %swap3A_13 = tpu.vector_load %arg7[%swap3A] {strides = array<i32>} : memref<10000xi32, #tpu.memory_space<vmem>>, vector<16xi32>,
      tpu.vector_store %arg7[%swap3A], %gather3A {strides = array<i32>} : memref<10000xi32, #tpu.memory_space<vmem>>, vector<16xi32>,
    }
    %scan3A_6 = arith.constant 625 : i32
    "tpu.region"() ({
      %run_scoped3A = tpu.sem_alloc : memref<!tpu.dma_semaphore, #tpu.memory_space<semaphore_mem>>
      %dma_start3A = tpu.memref_slice %arg4[%mul3A_2] : memref<320000xi32, #tpu.memory_space<hbm>> -> memref<10000xi32, #tpu.memory_space<hbm>>
      %dma_start3A_7 = tpu.memref_slice %arg4[%mul3A_2] : memref<320000xi32, #tpu.memory_space<hbm>> -> memref<10000xi32, #tpu.memory_space<hbm>>
      tpu.enqueue_dma source(%arg7 : memref<10000xi32, #tpu.memory_space<vmem>>) target(%dma_start3A_7 : memref<10000xi32, #tpu.memory_space<hbm>>) target_semaphore(%run_scoped3A : memref<!tpu.dma_semaphore, #tpu.memory_space<semaphore_mem>>)
      %dma_wait3A = tpu.memref_slice %arg4[%mul3A_2] : memref<320000xi32, #tpu.memory_space<hbm>> -> memref<10000xi32, #tpu.memory_space<hbm>>
      %dma_wait3A_8 = tpu.memref_slice %arg4[%mul3A_2] : memref<320000xi32, #tpu.memory_space<hbm>> -> memref<10000xi32, #tpu.memory_space<hbm>>
      tpu.wait_dma2 semaphore(%run_scoped3A : memref<!tpu.dma_semaphore, #tpu.memory_space<semaphore_mem>>) src(%arg7 : memref<10000xi32, #tpu.memory_space<vmem>>) dst(%dma_wait3A_8 : memref<10000xi32, #tpu.memory_space<hbm>>)
      tpu.yield
    }) : () -> ()
    return
  }
}

#map = affine_map<(d0, d1) -> (0, 0)>
#map1 = affine_map<(d0, d1) -> (0)>
#map2 = affine_map<(d0, d1) -> (0, 0, 0)>
module attributes {stable_mosaic.version = 14 : i64} {
  func.func @k(%arg0: i32, %arg1: i32, %arg2: memref<166400x128xf32, #tpu.memory_space<hbm>>, %arg3: memref<320000xi32, #tpu.memory_space<hbm>>, %arg4: memref<640x128xf32, #tpu.memory_space<hbm>>, %arg5: memref<2x10240x128xf32, #tpu.memory_space<hbm>>, %arg6: memref<10240x128xf32, #tpu.memory_space<vmem_shared>>) attributes {dimension_semantics = [#tpu.dimension_semantics<core_parallel>, #tpu.dimension_semantics<subcore_parallel>], iteration_bounds = array<i64: 2, 16>, scalar_prefetch = 0 : i64, scratch_operands = 1 : i64, tpu.core_type = #tpu.core_type<sc_vector_subcore>, window_params = [{transform_indices = #map}, {transform_indices = #map1}, {transform_indices = #map}, {transform_indices = #map2}]} {
    %mul3A = arith.constant 640 : i32
    %mul3A_0 = arith.muli %arg1, %mul3A : i32
    "tpu.region"() ({
      %run_scoped3A = tpu.sem_alloc : memref<!tpu.dma_semaphore, #tpu.memory_space<semaphore_mem>>
      %dma_start3A = arith.constant 0 : i32
      %dma_start3A_20 = tpu.memref_slice %arg6[%mul3A_0, %dma_start3A] : memref<10240x128xf32, #tpu.memory_space<vmem_shared>> -> memref<640x128xf32, #tpu.memory_space<vmem_shared>>
      tpu.enqueue_dma source(%arg4 : memref<640x128xf32, #tpu.memory_space<hbm>>) target(%dma_start3A_20 : memref<640x128xf32, #tpu.memory_space<vmem_shared>>) target_semaphore(%run_scoped3A : memref<!tpu.dma_semaphore, #tpu.memory_space<semaphore_mem>>)
      %dma_wait3A = arith.constant 0 : i32
      %dma_wait3A_21 = tpu.memref_slice %arg6[%mul3A_0, %dma_wait3A] : memref<10240x128xf32, #tpu.memory_space<vmem_shared>> -> memref<640x128xf32, #tpu.memory_space<vmem_shared>>
      tpu.wait_dma2 semaphore(%run_scoped3A : memref<!tpu.dma_semaphore, #tpu.memory_space<semaphore_mem>>) src(%arg4 : memref<640x128xf32, #tpu.memory_space<hbm>>) dst(%dma_wait3A_21 : memref<640x128xf32, #tpu.memory_space<vmem_shared>>)
      tpu.yield
    }) : () -> ()
    %barrier3A = arith.constant 0 : index
    tpu.barrier barrier_id(%barrier3A)
    %mul3A_1 = arith.constant 1 : i32
    %mul3A_2 = arith.muli %arg1, %mul3A_1 : i32
    %add3A = arith.constant 0 : i32
    %add3A_3 = arith.addi %add3A, %mul3A_2 : i32
    %mul3A_4 = arith.constant 16 : i32
    %mul3A_5 = arith.muli %arg0, %mul3A_4 : i32
    %add3A_6 = arith.addi %add3A_3, %mul3A_5 : i32
    %lt3A = arith.constant 20 : i32
    %lt3A_7 = arith.cmpi slt, %add3A_6, %lt3A : i32
    %jit3A = arith.constant 41 : i32
    %jit3A_8 = arith.constant 40 : i32
    %select_n3A = arith.select %lt3A_7, %jit3A, %jit3A_8 : i32
    %lt3A_9 = arith.constant 20 : i32
    %lt3A_10 = arith.cmpi slt, %add3A_6, %lt3A_9 : i32
    %mul3A_11 = arith.muli %add3A_6, %select_n3A : i32
    %mul3A_12 = arith.constant 40 : i32
    %mul3A_13 = arith.muli %add3A_6, %mul3A_12 : i32
    %add3A_14 = arith.constant 20 : i32
    %add3A_15 = arith.addi %mul3A_13, %add3A_14 : i32
    %select_n3A_16 = arith.select %lt3A_10, %mul3A_11, %add3A_15 : i32
    %mul3A_17 = arith.constant 1 : i32
    %mul3A_18 = arith.muli %mul3A_17, %select_n3A : i32
    "tpu.region"() ({
      %run_scoped3A = memref.alloca() : memref<2x128x128xf32, #tpu.memory_space<vmem>>
      %run_scoped3A_20 = tpu.sem_alloc : memref<2x!tpu.dma_semaphore, #tpu.memory_space<semaphore_mem>>
      %run_scoped3A_21 = memref.alloca() : memref<256xi32, #tpu.memory_space<vmem>>
      %run_scoped3A_22 = tpu.sem_alloc : memref<2x!tpu.dma_semaphore, #tpu.memory_space<semaphore_mem>>
      %gt3A = arith.constant 0 : i32
      %gt3A_23 = arith.cmpi sgt, %mul3A_18, %gt3A : i32
      %convert_element_type3A = arith.extui %gt3A_23 : i1 to i32
      %cond3A = arith.constant 0 : i32
      %cond3A_24 = arith.cmpi ne, %convert_element_type3A, %cond3A : i32
      scf.if %cond3A_24 {
        %mul3A_25 = arith.constant 1 : i32
        %mul3A_26 = arith.muli %mul3A_25, %select_n3A : i32
        %sub3A = arith.constant 1 : i32
        %sub3A_27 = arith.subi %mul3A_26, %sub3A : i32
        %eq3A = arith.constant 0 : i32
        %eq3A_28 = arith.cmpi eq, %sub3A_27, %eq3A : i32
        %add3A_29 = arith.constant 0 : i32
        %add3A_30 = arith.addi %add3A_29, %select_n3A_16 : i32
        %select_n3A_31 = arith.constant true
        %select_n3A_32 = arith.constant 0 : i32
        %select_n3A_33 = arith.constant -1 : i32
        %select_n3A_34 = arith.select %select_n3A_31, %select_n3A_33, %select_n3A_32 : i32
        %eq3A_35 = arith.constant -1 : i32
        %eq3A_36 = arith.cmpi eq, %select_n3A_34, %eq3A_35 : i32
        %sub3A_37 = arith.constant 1 : i32
        %sub3A_38 = arith.subi %select_n3A, %sub3A_37 : i32
        %select_n3A_39 = arith.select %eq3A_36, %sub3A_38, %select_n3A_34 : i32
        %add3A_40 = arith.addi %select_n3A_39, %select_n3A_16 : i32
        %select_n3A_41 = arith.constant true
        %select_n3A_42 = arith.constant 0 : i32
        %select_n3A_43 = arith.constant 1 : i32
        %select_n3A_44 = arith.select %select_n3A_41, %select_n3A_43, %select_n3A_42 : i32
        %eq3A_45 = arith.cmpi eq, %select_n3A_44, %select_n3A : i32
        %select_n3A_46 = arith.constant 0 : i32
        %select_n3A_47 = arith.select %eq3A_45, %select_n3A_46, %select_n3A_44 : i32
        %add3A_48 = arith.addi %select_n3A_47, %select_n3A_16 : i32
        %add3A_49 = arith.constant 1 : i32
        %add3A_50 = arith.addi %select_n3A_47, %add3A_49 : i32
        %select_n3A_51 = arith.constant true
        %select_n3A_52 = arith.select %select_n3A_51, %add3A_50, %select_n3A_47 : i32
        %eq3A_53 = arith.cmpi eq, %select_n3A_52, %select_n3A : i32
        %select_n3A_54 = arith.constant 0 : i32
        %select_n3A_55 = arith.select %eq3A_53, %select_n3A_54, %select_n3A_52 : i32
        %add3A_56 = arith.addi %select_n3A_55, %select_n3A_16 : i32
        "tpu.trace_start"() <{level = 10 : i32, message = "ep_initialize_0"}> : () -> ()
        %rem3A = arith.constant 0 : i32
        %rem3A_57 = arith.constant 2 : i32
        %rem3A_58 = arith.remui %rem3A, %rem3A_57 : i32
        %mul3A_59 = arith.constant 128 : i32
        %mul3A_60 = arith.muli %mul3A_59, %add3A_30 : i32
        %dma_start3A = arith.constant 0 : i32
        %dma_start3A_61 = arith.constant 0 : i32
        %dma_start3A_62 = tpu.memref_slice %run_scoped3A[%rem3A_58, %dma_start3A, %dma_start3A_61] : memref<2x128x128xf32, #tpu.memory_space<vmem>> -> memref<1x128x128xf32, #tpu.memory_space<vmem>>
        %dma_start3A_63 = tpu.memref_squeeze %dma_start3A_62 : memref<1x128x128xf32, #tpu.memory_space<vmem>> -> memref<128x128xf32, #tpu.memory_space<vmem>>
        %dma_start3A_64 = arith.constant 0 : i32
        %dma_start3A_65 = tpu.memref_slice %arg2[%mul3A_60, %dma_start3A_64] : memref<166400x128xf32, #tpu.memory_space<hbm>> -> memref<128x128xf32, #tpu.memory_space<hbm>>
        %dma_start3A_66 = tpu.memref_slice %run_scoped3A_20[%rem3A_58] : memref<2x!tpu.dma_semaphore, #tpu.memory_space<semaphore_mem>> -> memref<1x!tpu.dma_semaphore, #tpu.memory_space<semaphore_mem>>
        %dma_start3A_67 = tpu.memref_squeeze %dma_start3A_66 : memref<1x!tpu.dma_semaphore, #tpu.memory_space<semaphore_mem>> -> memref<!tpu.dma_semaphore, #tpu.memory_space<semaphore_mem>>
        %dma_start3A_68 = arith.constant 0 : i32
        %dma_start3A_69 = arith.constant 0 : i32
        %dma_start3A_70 = tpu.memref_slice %run_scoped3A[%rem3A_58, %dma_start3A_68, %dma_start3A_69] : memref<2x128x128xf32, #tpu.memory_space<vmem>> -> memref<1x128x128xf32, #tpu.memory_space<vmem>>
        %dma_start3A_71 = tpu.memref_squeeze %dma_start3A_70 : memref<1x128x128xf32, #tpu.memory_space<vmem>> -> memref<128x128xf32, #tpu.memory_space<vmem>>
        %dma_start3A_72 = arith.constant 0 : i32
        %dma_start3A_73 = tpu.memref_slice %arg2[%mul3A_60, %dma_start3A_72] : memref<166400x128xf32, #tpu.memory_space<hbm>> -> memref<128x128xf32, #tpu.memory_space<hbm>>
        tpu.enqueue_dma source(%dma_start3A_73 : memref<128x128xf32, #tpu.memory_space<hbm>>) target(%dma_start3A_71 : memref<128x128xf32, #tpu.memory_space<vmem>>) target_semaphore(%dma_start3A_67 : memref<!tpu.dma_semaphore, #tpu.memory_space<semaphore_mem>>)
        %add3A_74 = arith.constant 0 : i32
        %add3A_75 = arith.constant 1 : i32
        %add3A_76 = arith.addi %add3A_74, %add3A_75 : i32
        %select_n3A_77 = arith.constant true
        %select_n3A_78 = arith.constant 0 : i32
        %select_n3A_79 = arith.select %select_n3A_77, %add3A_76, %select_n3A_78 : i32
        %rem3A_80 = arith.constant 0 : i32
        %rem3A_81 = arith.constant 2 : i32
        %rem3A_82 = arith.remui %rem3A_80, %rem3A_81 : i32
        %add3A_83 = arith.constant 0 : i32
        %add3A_84 = arith.addi %add3A_30, %add3A_83 : i32
        %mul3A_85 = arith.constant 128 : i32
        %mul3A_86 = arith.muli %mul3A_85, %add3A_84 : i32
        %mul3A_87 = arith.constant 128 : i32
        %mul3A_88 = arith.muli %rem3A_82, %mul3A_87 : i32
        %add3A_89 = arith.constant 0 : i32
        %add3A_90 = arith.addi %mul3A_88, %add3A_89 : i32
        %dma_start3A_91 = tpu.memref_slice %run_scoped3A_21[%add3A_90] : memref<256xi32, #tpu.memory_space<vmem>> -> memref<128xi32, #tpu.memory_space<vmem>>
        %dma_start3A_92 = tpu.memref_slice %arg3[%mul3A_86] : memref<320000xi32, #tpu.memory_space<hbm>> -> memref<128xi32, #tpu.memory_space<hbm>>
        %dma_start3A_93 = tpu.memref_slice %run_scoped3A_22[%rem3A_82] : memref<2x!tpu.dma_semaphore, #tpu.memory_space<semaphore_mem>> -> memref<1x!tpu.dma_semaphore, #tpu.memory_space<semaphore_mem>>
        %dma_start3A_94 = tpu.memref_squeeze %dma_start3A_93 : memref<1x!tpu.dma_semaphore, #tpu.memory_space<semaphore_mem>> -> memref<!tpu.dma_semaphore, #tpu.memory_space<semaphore_mem>>
        %dma_start3A_95 = tpu.memref_slice %run_scoped3A_21[%add3A_90] : memref<256xi32, #tpu.memory_space<vmem>> -> memref<128xi32, #tpu.memory_space<vmem>>
        %dma_start3A_96 = tpu.memref_slice %arg3[%mul3A_86] : memref<320000xi32, #tpu.memory_space<hbm>> -> memref<128xi32, #tpu.memory_space<hbm>>
        tpu.enqueue_dma source(%dma_start3A_96 : memref<128xi32, #tpu.memory_space<hbm>>) target(%dma_start3A_95 : memref<128xi32, #tpu.memory_space<vmem>>) target_semaphore(%dma_start3A_94 : memref<!tpu.dma_semaphore, #tpu.memory_space<semaphore_mem>>)
        %add3A_97 = arith.constant 0 : i32
        %add3A_98 = arith.constant 1 : i32
        %add3A_99 = arith.addi %add3A_97, %add3A_98 : i32
        %select_n3A_100 = arith.constant true
        %select_n3A_101 = arith.constant 0 : i32
        %select_n3A_102 = arith.select %select_n3A_100, %add3A_99, %select_n3A_101 : i32
        %while3A = arith.constant 0 : i32
        %while3A_103 = arith.constant 0 : i32
        %while3A_104 = arith.constant 0 : i32
        %while3A_105 = arith.constant 0 : i32
        "tpu.trace_stop"() : () -> ()
        %while3A_106 = arith.subi %mul3A_18, %while3A : i32
        %while3A_107 = arith.addi %while3A, %while3A_106 : i32
        %while3A_108 = arith.constant 1 : i32
        %while3A_109 = arith.divsi %while3A_106, %while3A_108 : i32
        %while3A_110 = arith.muli %while3A_109, %while3A_108 : i32
        %while3A_111 = arith.addi %while3A, %while3A_110 : i32
        %while3A_112 = arith.constant 1 : i32
        %while3A_113:5 = scf.for %while3A_167 = %while3A to %while3A_111 step %while3A_112 iter_args(%while3A_168 = %select_n3A_79, %while3A_169 = %while3A_103, %while3A_170 = %select_n3A_102, %while3A_171 = %while3A_104, %while3A_172 = %while3A_105) -> (i32, i32, i32, i32, i32)  : i32 {
          %mul3A_173 = arith.constant 1 : i32
          %mul3A_174 = arith.muli %mul3A_173, %select_n3A : i32
          %eq3A_175 = arith.constant 0 : i32
          %eq3A_176 = arith.cmpi eq, %while3A_167, %eq3A_175 : i32
          %sub3A_177 = arith.constant 1 : i32
          %sub3A_178 = arith.subi %mul3A_174, %sub3A_177 : i32
          %eq3A_179 = arith.cmpi eq, %while3A_167, %sub3A_178 : i32
          %add3A_180 = arith.addi %while3A_172, %select_n3A_16 : i32
          %sub3A_181 = arith.constant 1 : i32
          %sub3A_182 = arith.subi %while3A_172, %sub3A_181 : i32
          %select_n3A_183 = arith.constant true
          %select_n3A_184 = arith.select %select_n3A_183, %sub3A_182, %while3A_172 : i32
          %eq3A_185 = arith.constant -1 : i32
          %eq3A_186 = arith.cmpi eq, %select_n3A_184, %eq3A_185 : i32
          %sub3A_187 = arith.constant 1 : i32
          %sub3A_188 = arith.subi %select_n3A, %sub3A_187 : i32
          %select_n3A_189 = arith.select %eq3A_186, %sub3A_188, %select_n3A_184 : i32
          %add3A_190 = arith.addi %select_n3A_189, %select_n3A_16 : i32
          %add3A_191 = arith.constant 1 : i32
          %add3A_192 = arith.addi %while3A_172, %add3A_191 : i32
          %select_n3A_193 = arith.constant true
          %select_n3A_194 = arith.select %select_n3A_193, %add3A_192, %while3A_172 : i32
          %eq3A_195 = arith.cmpi eq, %select_n3A_194, %select_n3A : i32
          %select_n3A_196 = arith.constant 0 : i32
          %select_n3A_197 = arith.select %eq3A_195, %select_n3A_196, %select_n3A_194 : i32
          %add3A_198 = arith.addi %select_n3A_197, %select_n3A_16 : i32
          %add3A_199 = arith.constant 1 : i32
          %add3A_200 = arith.addi %select_n3A_197, %add3A_199 : i32
          %select_n3A_201 = arith.constant true
          %select_n3A_202 = arith.select %select_n3A_201, %add3A_200, %select_n3A_197 : i32
          %eq3A_203 = arith.cmpi eq, %select_n3A_202, %select_n3A : i32
          %select_n3A_204 = arith.constant 0 : i32
          %select_n3A_205 = arith.select %eq3A_203, %select_n3A_204, %select_n3A_202 : i32
          %add3A_206 = arith.addi %select_n3A_205, %select_n3A_16 : i32
          %ne3A = arith.cmpi ne, %add3A_180, %add3A_198 : i32
          %or3A = arith.constant false
          %or3A_207 = arith.ori %or3A, %ne3A : i1
          %or3A_208 = arith.constant false
          %or3A_209 = arith.ori %or3A_207, %or3A_208 : i1
          %sub3A_210 = arith.constant 2 : i32
          %sub3A_211 = arith.subi %mul3A_174, %sub3A_210 : i32
          %add3A_212 = arith.constant 1 : i32
          %add3A_213 = arith.addi %sub3A_211, %add3A_212 : i32
          %ge3A = arith.cmpi sge, %while3A_167, %add3A_213 : i32
          %not3A = arith.constant true
          %not3A_214 = arith.xori %ge3A, %not3A : i1
          %and3A = arith.andi %or3A_209, %not3A_214 : i1
          %convert_element_type3A_215 = arith.extui %and3A : i1 to i32
          %cond3A_216 = arith.constant 0 : i32
          %cond3A_217 = arith.cmpi ne, %convert_element_type3A_215, %cond3A_216 : i32
          scf.if %cond3A_217 {
            "tpu.trace_start"() <{level = 10 : i32, message = "ep_copy_in"}> : () -> ()
            %rem3A_351 = arith.constant 2 : i32
            %rem3A_352 = arith.remui %while3A_168, %rem3A_351 : i32
            %mul3A_353 = arith.constant 128 : i32
            %mul3A_354 = arith.muli %mul3A_353, %add3A_198 : i32
            %dma_start3A_355 = arith.constant 0 : i32
            %dma_start3A_356 = arith.constant 0 : i32
            %dma_start3A_357 = tpu.memref_slice %run_scoped3A[%rem3A_352, %dma_start3A_355, %dma_start3A_356] : memref<2x128x128xf32, #tpu.memory_space<vmem>> -> memref<1x128x128xf32, #tpu.memory_space<vmem>>
            %dma_start3A_358 = tpu.memref_squeeze %dma_start3A_357 : memref<1x128x128xf32, #tpu.memory_space<vmem>> -> memref<128x128xf32, #tpu.memory_space<vmem>>
            %dma_start3A_359 = arith.constant 0 : i32
            %dma_start3A_360 = tpu.memref_slice %arg2[%mul3A_354, %dma_start3A_359] : memref<166400x128xf32, #tpu.memory_space<hbm>> -> memref<128x128xf32, #tpu.memory_space<hbm>>
            %dma_start3A_361 = tpu.memref_slice %run_scoped3A_20[%rem3A_352] : memref<2x!tpu.dma_semaphore, #tpu.memory_space<semaphore_mem>> -> memref<1x!tpu.dma_semaphore, #tpu.memory_space<semaphore_mem>>
            %dma_start3A_362 = tpu.memref_squeeze %dma_start3A_361 : memref<1x!tpu.dma_semaphore, #tpu.memory_space<semaphore_mem>> -> memref<!tpu.dma_semaphore, #tpu.memory_space<semaphore_mem>>
            %dma_start3A_363 = arith.constant 0 : i32
            %dma_start3A_364 = arith.constant 0 : i32
            %dma_start3A_365 = tpu.memref_slice %run_scoped3A[%rem3A_352, %dma_start3A_363, %dma_start3A_364] : memref<2x128x128xf32, #tpu.memory_space<vmem>> -> memref<1x128x128xf32, #tpu.memory_space<vmem>>
            %dma_start3A_366 = tpu.memref_squeeze %dma_start3A_365 : memref<1x128x128xf32, #tpu.memory_space<vmem>> -> memref<128x128xf32, #tpu.memory_space<vmem>>
            %dma_start3A_367 = arith.constant 0 : i32
            %dma_start3A_368 = tpu.memref_slice %arg2[%mul3A_354, %dma_start3A_367] : memref<166400x128xf32, #tpu.memory_space<hbm>> -> memref<128x128xf32, #tpu.memory_space<hbm>>
            tpu.enqueue_dma source(%dma_start3A_368 : memref<128x128xf32, #tpu.memory_space<hbm>>) target(%dma_start3A_366 : memref<128x128xf32, #tpu.memory_space<vmem>>) target_semaphore(%dma_start3A_362 : memref<!tpu.dma_semaphore, #tpu.memory_space<semaphore_mem>>)
            "tpu.trace_stop"() : () -> ()
          } else {
          }
          %and3A_218 = arith.constant true
          %and3A_219 = arith.andi %and3A, %and3A_218 : i1
          %add3A_220 = arith.constant 1 : i32
          %add3A_221 = arith.addi %while3A_168, %add3A_220 : i32
          %select_n3A_222 = arith.select %and3A_219, %add3A_221, %while3A_168 : i32
          %add3A_223 = arith.constant 0 : i32
          %add3A_224 = arith.addi %add3A_180, %add3A_223 : i32
          %add3A_225 = arith.constant 0 : i32
          %add3A_226 = arith.addi %add3A_198, %add3A_225 : i32
          %ne3A_227 = arith.cmpi ne, %add3A_224, %add3A_226 : i32
          %or3A_228 = arith.constant false
          %or3A_229 = arith.ori %or3A_228, %ne3A_227 : i1
          %sub3A_230 = arith.constant 2 : i32
          %sub3A_231 = arith.subi %mul3A_174, %sub3A_230 : i32
          %add3A_232 = arith.constant 1 : i32
          %add3A_233 = arith.addi %sub3A_231, %add3A_232 : i32
          %ge3A_234 = arith.cmpi sge, %while3A_167, %add3A_233 : i32
          %not3A_235 = arith.constant true
          %not3A_236 = arith.xori %ge3A_234, %not3A_235 : i1
          %and3A_237 = arith.andi %or3A_229, %not3A_236 : i1
          %convert_element_type3A_238 = arith.extui %and3A_237 : i1 to i32
          %cond3A_239 = arith.constant 0 : i32
          %cond3A_240 = arith.cmpi ne, %convert_element_type3A_238, %cond3A_239 : i32
          scf.if %cond3A_240 {
            "tpu.trace_start"() <{level = 10 : i32, message = "ep_copy_in"}> : () -> ()
            %rem3A_351 = arith.constant 2 : i32
            %rem3A_352 = arith.remui %while3A_170, %rem3A_351 : i32
            %add3A_353 = arith.constant 0 : i32
            %add3A_354 = arith.addi %add3A_198, %add3A_353 : i32
            %mul3A_355 = arith.constant 128 : i32
            %mul3A_356 = arith.muli %mul3A_355, %add3A_354 : i32
            %mul3A_357 = arith.constant 128 : i32
            %mul3A_358 = arith.muli %rem3A_352, %mul3A_357 : i32
            %add3A_359 = arith.constant 0 : i32
            %add3A_360 = arith.addi %mul3A_358, %add3A_359 : i32
            %dma_start3A_361 = tpu.memref_slice %run_scoped3A_21[%add3A_360] : memref<256xi32, #tpu.memory_space<vmem>> -> memref<128xi32, #tpu.memory_space<vmem>>
            %dma_start3A_362 = tpu.memref_slice %arg3[%mul3A_356] : memref<320000xi32, #tpu.memory_space<hbm>> -> memref<128xi32, #tpu.memory_space<hbm>>
            %dma_start3A_363 = tpu.memref_slice %run_scoped3A_22[%rem3A_352] : memref<2x!tpu.dma_semaphore, #tpu.memory_space<semaphore_mem>> -> memref<1x!tpu.dma_semaphore, #tpu.memory_space<semaphore_mem>>
            %dma_start3A_364 = tpu.memref_squeeze %dma_start3A_363 : memref<1x!tpu.dma_semaphore, #tpu.memory_space<semaphore_mem>> -> memref<!tpu.dma_semaphore, #tpu.memory_space<semaphore_mem>>
            %dma_start3A_365 = tpu.memref_slice %run_scoped3A_21[%add3A_360] : memref<256xi32, #tpu.memory_space<vmem>> -> memref<128xi32, #tpu.memory_space<vmem>>
            %dma_start3A_366 = tpu.memref_slice %arg3[%mul3A_356] : memref<320000xi32, #tpu.memory_space<hbm>> -> memref<128xi32, #tpu.memory_space<hbm>>
            tpu.enqueue_dma source(%dma_start3A_366 : memref<128xi32, #tpu.memory_space<hbm>>) target(%dma_start3A_365 : memref<128xi32, #tpu.memory_space<vmem>>) target_semaphore(%dma_start3A_364 : memref<!tpu.dma_semaphore, #tpu.memory_space<semaphore_mem>>)
            "tpu.trace_stop"() : () -> ()
          } else {
          }
          %and3A_241 = arith.constant true
          %and3A_242 = arith.andi %and3A_237, %and3A_241 : i1
          %add3A_243 = arith.constant 1 : i32
          %add3A_244 = arith.addi %while3A_170, %add3A_243 : i32
          %select_n3A_245 = arith.select %and3A_242, %add3A_244, %while3A_170 : i32
          %ne3A_246 = arith.cmpi ne, %add3A_180, %add3A_190 : i32
          %or3A_247 = arith.constant false
          %or3A_248 = arith.ori %or3A_247, %ne3A_246 : i1
          %or3A_249 = arith.constant false
          %or3A_250 = arith.ori %or3A_248, %or3A_249 : i1
          %or3A_251 = arith.ori %or3A_250, %eq3A_176 : i1
          %convert_element_type3A_252 = arith.extui %or3A_251 : i1 to i32
          %cond3A_253 = arith.constant 0 : i32
          %cond3A_254 = arith.cmpi ne, %convert_element_type3A_252, %cond3A_253 : i32
          scf.if %cond3A_254 {
            "tpu.trace_start"() <{level = 10 : i32, message = "ep_wait_in"}> : () -> ()
            %mul3A_351 = arith.constant 128 : i32
            %mul3A_352 = arith.muli %mul3A_351, %add3A_180 : i32
            %rem3A_353 = arith.constant 2 : i32
            %rem3A_354 = arith.remui %while3A_169, %rem3A_353 : i32
            %dma_wait3A = arith.constant 0 : i32
            %dma_wait3A_355 = arith.constant 0 : i32
            %dma_wait3A_356 = tpu.memref_slice %run_scoped3A[%rem3A_354, %dma_wait3A, %dma_wait3A_355] : memref<2x128x128xf32, #tpu.memory_space<vmem>> -> memref<1x128x128xf32, #tpu.memory_space<vmem>>
            %dma_wait3A_357 = tpu.memref_squeeze %dma_wait3A_356 : memref<1x128x128xf32, #tpu.memory_space<vmem>> -> memref<128x128xf32, #tpu.memory_space<vmem>>
            %dma_wait3A_358 = arith.constant 0 : i32
            %dma_wait3A_359 = tpu.memref_slice %arg2[%mul3A_352, %dma_wait3A_358] : memref<166400x128xf32, #tpu.memory_space<hbm>> -> memref<128x128xf32, #tpu.memory_space<hbm>>
            %dma_wait3A_360 = tpu.memref_slice %run_scoped3A_20[%rem3A_354] : memref<2x!tpu.dma_semaphore, #tpu.memory_space<semaphore_mem>> -> memref<1x!tpu.dma_semaphore, #tpu.memory_space<semaphore_mem>>
            %dma_wait3A_361 = tpu.memref_squeeze %dma_wait3A_360 : memref<1x!tpu.dma_semaphore, #tpu.memory_space<semaphore_mem>> -> memref<!tpu.dma_semaphore, #tpu.memory_space<semaphore_mem>>
            %dma_wait3A_362 = arith.constant 0 : i32
            %dma_wait3A_363 = arith.constant 0 : i32
            %dma_wait3A_364 = tpu.memref_slice %run_scoped3A[%rem3A_354, %dma_wait3A_362, %dma_wait3A_363] : memref<2x128x128xf32, #tpu.memory_space<vmem>> -> memref<1x128x128xf32, #tpu.memory_space<vmem>>
            %dma_wait3A_365 = tpu.memref_squeeze %dma_wait3A_364 : memref<1x128x128xf32, #tpu.memory_space<vmem>> -> memref<128x128xf32, #tpu.memory_space<vmem>>
            %dma_wait3A_366 = arith.constant 0 : i32
            %dma_wait3A_367 = tpu.memref_slice %arg2[%mul3A_352, %dma_wait3A_366] : memref<166400x128xf32, #tpu.memory_space<hbm>> -> memref<128x128xf32, #tpu.memory_space<hbm>>
            tpu.wait_dma2 semaphore(%dma_wait3A_361 : memref<!tpu.dma_semaphore, #tpu.memory_space<semaphore_mem>>) src(%dma_wait3A_367 : memref<128x128xf32, #tpu.memory_space<hbm>>) dst(%dma_wait3A_365 : memref<128x128xf32, #tpu.memory_space<vmem>>)
            "tpu.trace_stop"() : () -> ()
          } else {
          }
          %add3A_255 = arith.constant 0 : i32
          %add3A_256 = arith.addi %add3A_180, %add3A_255 : i32
          %add3A_257 = arith.constant 0 : i32
          %add3A_258 = arith.addi %add3A_190, %add3A_257 : i32
          %ne3A_259 = arith.cmpi ne, %add3A_256, %add3A_258 : i32
          %or3A_260 = arith.constant false
          %or3A_261 = arith.ori %or3A_260, %ne3A_259 : i1
          %or3A_262 = arith.ori %or3A_261, %eq3A_176 : i1
          %convert_element_type3A_263 = arith.extui %or3A_262 : i1 to i32
          %cond3A_264 = arith.constant 0 : i32
          %cond3A_265 = arith.cmpi ne, %convert_element_type3A_263, %cond3A_264 : i32
          scf.if %cond3A_265 {
            "tpu.trace_start"() <{level = 10 : i32, message = "ep_wait_in"}> : () -> ()
            %add3A_351 = arith.constant 0 : i32
            %add3A_352 = arith.addi %add3A_180, %add3A_351 : i32
            %mul3A_353 = arith.constant 128 : i32
            %mul3A_354 = arith.muli %mul3A_353, %add3A_352 : i32
            %rem3A_355 = arith.constant 2 : i32
            %rem3A_356 = arith.remui %while3A_171, %rem3A_355 : i32
            %mul3A_357 = arith.constant 128 : i32
            %mul3A_358 = arith.muli %rem3A_356, %mul3A_357 : i32
            %add3A_359 = arith.constant 0 : i32
            %add3A_360 = arith.addi %mul3A_358, %add3A_359 : i32
            %dma_wait3A = tpu.memref_slice %run_scoped3A_21[%add3A_360] : memref<256xi32, #tpu.memory_space<vmem>> -> memref<128xi32, #tpu.memory_space<vmem>>
            %dma_wait3A_361 = tpu.memref_slice %arg3[%mul3A_354] : memref<320000xi32, #tpu.memory_space<hbm>> -> memref<128xi32, #tpu.memory_space<hbm>>
            %dma_wait3A_362 = tpu.memref_slice %run_scoped3A_22[%rem3A_356] : memref<2x!tpu.dma_semaphore, #tpu.memory_space<semaphore_mem>> -> memref<1x!tpu.dma_semaphore, #tpu.memory_space<semaphore_mem>>
            %dma_wait3A_363 = tpu.memref_squeeze %dma_wait3A_362 : memref<1x!tpu.dma_semaphore, #tpu.memory_space<semaphore_mem>> -> memref<!tpu.dma_semaphore, #tpu.memory_space<semaphore_mem>>
            %dma_wait3A_364 = tpu.memref_slice %run_scoped3A_21[%add3A_360] : memref<256xi32, #tpu.memory_space<vmem>> -> memref<128xi32, #tpu.memory_space<vmem>>
            %dma_wait3A_365 = tpu.memref_slice %arg3[%mul3A_354] : memref<320000xi32, #tpu.memory_space<hbm>> -> memref<128xi32, #tpu.memory_space<hbm>>
            tpu.wait_dma2 semaphore(%dma_wait3A_363 : memref<!tpu.dma_semaphore, #tpu.memory_space<semaphore_mem>>) src(%dma_wait3A_365 : memref<128xi32, #tpu.memory_space<hbm>>) dst(%dma_wait3A_364 : memref<128xi32, #tpu.memory_space<vmem>>)
            "tpu.trace_stop"() : () -> ()
          } else {
          }
          %rem3A_266 = arith.constant 2 : i32
          %rem3A_267 = arith.remui %while3A_169, %rem3A_266 : i32
          %rem3A_268 = arith.constant 2 : i32
          %rem3A_269 = arith.remui %while3A_171, %rem3A_268 : i32
          %mul3A_270 = arith.constant 128 : i32
          %mul3A_271 = arith.muli %rem3A_269, %mul3A_270 : i32
          "tpu.trace_start"() <{level = 10 : i32, message = "ep_run_kernel"}> : () -> ()
          "tpu.region"() ({
            %run_scoped3A_351 = tpu.sem_alloc : memref<!tpu.dma_semaphore, #tpu.memory_space<semaphore_mem>>
            %dma_start3A_352 = arith.constant 0 : i32
            %dma_start3A_353 = arith.constant 0 : i32
            %dma_start3A_354 = tpu.memref_slice %run_scoped3A[%rem3A_267, %dma_start3A_352, %dma_start3A_353] : memref<2x128x128xf32, #tpu.memory_space<vmem>> -> memref<1x128x128xf32, #tpu.memory_space<vmem>>
            %dma_start3A_355 = tpu.memref_squeeze %dma_start3A_354 : memref<1x128x128xf32, #tpu.memory_space<vmem>> -> memref<128x128xf32, #tpu.memory_space<vmem>>
            %dma_start3A_356 = tpu.memref_slice %run_scoped3A_21[%mul3A_271] : memref<256xi32, #tpu.memory_space<vmem>> -> memref<128xi32, #tpu.memory_space<vmem>>
            %dma_start3A_357 = arith.constant 0 : i32
            %dma_start3A_358 = arith.constant 0 : i32
            %dma_start3A_359 = tpu.memref_slice %arg6[%dma_start3A_357, %dma_start3A_358] : memref<10240x128xf32, #tpu.memory_space<vmem_shared>> -> memref<10240x128xf32, #tpu.memory_space<vmem_shared>>
            tpu.enqueue_indirect_dma source(%dma_start3A_355 : memref<128x128xf32, #tpu.memory_space<vmem>>) target(%dma_start3A_359 : memref<10240x128xf32, #tpu.memory_space<vmem_shared>>) offsets(%dma_start3A_356 : memref<128xi32, #tpu.memory_space<vmem>>) semaphore(%run_scoped3A_351 : memref<!tpu.dma_semaphore, #tpu.memory_space<semaphore_mem>>) {add = true}
            %dma_wait3A = arith.constant 0 : i32
            %dma_wait3A_360 = arith.constant 0 : i32
            %dma_wait3A_361 = tpu.memref_slice %run_scoped3A[%rem3A_267, %dma_wait3A, %dma_wait3A_360] : memref<2x128x128xf32, #tpu.memory_space<vmem>> -> memref<1x128x128xf32, #tpu.memory_space<vmem>>
            %dma_wait3A_362 = tpu.memref_squeeze %dma_wait3A_361 : memref<1x128x128xf32, #tpu.memory_space<vmem>> -> memref<128x128xf32, #tpu.memory_space<vmem>>
            %dma_wait3A_363 = tpu.memref_slice %run_scoped3A_21[%mul3A_271] : memref<256xi32, #tpu.memory_space<vmem>> -> memref<128xi32, #tpu.memory_space<vmem>>
            %dma_wait3A_364 = arith.constant 0 : i32
            %dma_wait3A_365 = arith.constant 0 : i32
            %dma_wait3A_366 = tpu.memref_slice %arg6[%dma_wait3A_364, %dma_wait3A_365] : memref<10240x128xf32, #tpu.memory_space<vmem_shared>> -> memref<10240x128xf32, #tpu.memory_space<vmem_shared>>
            tpu.wait_indirect_dma semaphore(%run_scoped3A_351 : memref<!tpu.dma_semaphore, #tpu.memory_space<semaphore_mem>>) src(%dma_wait3A_362 : memref<128x128xf32, #tpu.memory_space<vmem>>) dst(%dma_wait3A_366 : memref<10240x128xf32, #tpu.memory_space<vmem_shared>>)
            tpu.yield
          }) : () -> ()
          "tpu.trace_stop"() : () -> ()
          %ne3A_272 = arith.cmpi ne, %add3A_180, %add3A_198 : i32
          %or3A_273 = arith.constant false
          %or3A_274 = arith.ori %or3A_273, %ne3A_272 : i1
          %or3A_275 = arith.constant false
          %or3A_276 = arith.ori %or3A_274, %or3A_275 : i1
          %or3A_277 = arith.ori %or3A_276, %eq3A_179 : i1
          %convert_element_type3A_278 = arith.extui %or3A_277 : i1 to i32
          %cond3A_279 = arith.constant 0 : i32
          %cond3A_280 = arith.cmpi ne, %convert_element_type3A_278, %cond3A_279 : i32
          scf.if %cond3A_280 {
          } else {
          }
          %and3A_281 = arith.constant false
          %and3A_282 = arith.andi %or3A_277, %and3A_281 : i1
          %add3A_283 = arith.constant 0 : i32
          %add3A_284 = arith.addi %add3A_180, %add3A_283 : i32
          %add3A_285 = arith.constant 0 : i32
          %add3A_286 = arith.addi %add3A_198, %add3A_285 : i32
          %ne3A_287 = arith.cmpi ne, %add3A_284, %add3A_286 : i32
          %or3A_288 = arith.constant false
          %or3A_289 = arith.ori %or3A_288, %ne3A_287 : i1
          %or3A_290 = arith.ori %or3A_289, %eq3A_179 : i1
          %convert_element_type3A_291 = arith.extui %or3A_290 : i1 to i32
          %cond3A_292 = arith.constant 0 : i32
          %cond3A_293 = arith.cmpi ne, %convert_element_type3A_291, %cond3A_292 : i32
          scf.if %cond3A_293 {
          } else {
          }
          %and3A_294 = arith.constant false
          %and3A_295 = arith.andi %or3A_290, %and3A_294 : i1
          %ne3A_296 = arith.cmpi ne, %add3A_180, %add3A_190 : i32
          %or3A_297 = arith.constant false
          %or3A_298 = arith.ori %or3A_297, %ne3A_296 : i1
          %or3A_299 = arith.constant false
          %or3A_300 = arith.ori %or3A_298, %or3A_299 : i1
          %not3A_301 = arith.constant true
          %not3A_302 = arith.xori %eq3A_176, %not3A_301 : i1
          %and3A_303 = arith.andi %or3A_300, %not3A_302 : i1
          %convert_element_type3A_304 = arith.extui %and3A_303 : i1 to i32
          %cond3A_305 = arith.constant 0 : i32
          %cond3A_306 = arith.cmpi ne, %convert_element_type3A_304, %cond3A_305 : i32
          scf.if %cond3A_306 {
          } else {
          }
          %and3A_307 = arith.constant false
          %and3A_308 = arith.andi %and3A_303, %and3A_307 : i1
          %add3A_309 = arith.constant 0 : i32
          %add3A_310 = arith.addi %add3A_180, %add3A_309 : i32
          %add3A_311 = arith.constant 0 : i32
          %add3A_312 = arith.addi %add3A_190, %add3A_311 : i32
          %ne3A_313 = arith.cmpi ne, %add3A_310, %add3A_312 : i32
          %or3A_314 = arith.constant false
          %or3A_315 = arith.ori %or3A_314, %ne3A_313 : i1
          %not3A_316 = arith.constant true
          %not3A_317 = arith.xori %eq3A_176, %not3A_316 : i1
          %and3A_318 = arith.andi %or3A_315, %not3A_317 : i1
          %convert_element_type3A_319 = arith.extui %and3A_318 : i1 to i32
          %cond3A_320 = arith.constant 0 : i32
          %cond3A_321 = arith.cmpi ne, %convert_element_type3A_319, %cond3A_320 : i32
          scf.if %cond3A_321 {
          } else {
          }
          %and3A_322 = arith.constant false
          %and3A_323 = arith.andi %and3A_318, %and3A_322 : i1
          %ne3A_324 = arith.cmpi ne, %add3A_180, %add3A_198 : i32
          %or3A_325 = arith.constant false
          %or3A_326 = arith.ori %or3A_325, %ne3A_324 : i1
          %or3A_327 = arith.constant false
          %or3A_328 = arith.ori %or3A_326, %or3A_327 : i1
          %or3A_329 = arith.ori %or3A_328, %eq3A_179 : i1
          %add3A_330 = arith.constant 1 : i32
          %add3A_331 = arith.addi %while3A_169, %add3A_330 : i32
          %select_n3A_332 = arith.select %or3A_329, %add3A_331, %while3A_169 : i32
          %add3A_333 = arith.constant 0 : i32
          %add3A_334 = arith.addi %add3A_180, %add3A_333 : i32
          %add3A_335 = arith.constant 0 : i32
          %add3A_336 = arith.addi %add3A_198, %add3A_335 : i32
          %ne3A_337 = arith.cmpi ne, %add3A_334, %add3A_336 : i32
          %or3A_338 = arith.constant false
          %or3A_339 = arith.ori %or3A_338, %ne3A_337 : i1
          %or3A_340 = arith.ori %or3A_339, %eq3A_179 : i1
          %add3A_341 = arith.constant 1 : i32
          %add3A_342 = arith.addi %while3A_171, %add3A_341 : i32
          %select_n3A_343 = arith.select %or3A_340, %add3A_342, %while3A_171 : i32
          %add3A_344 = arith.constant 1 : i32
          %add3A_345 = arith.addi %while3A_172, %add3A_344 : i32
          %select_n3A_346 = arith.constant true
          %select_n3A_347 = arith.select %select_n3A_346, %add3A_345, %while3A_172 : i32
          %eq3A_348 = arith.cmpi eq, %select_n3A_347, %select_n3A : i32
          %select_n3A_349 = arith.constant 0 : i32
          %select_n3A_350 = arith.select %eq3A_348, %select_n3A_349, %select_n3A_347 : i32
          scf.yield %select_n3A_222, %select_n3A_332, %select_n3A_245, %select_n3A_343, %select_n3A_350 : i32, i32, i32, i32, i32
        }
        %while3A_114 = arith.constant 1 : i32
        %while3A_115:5 = scf.for %while3A_167 = %while3A_111 to %while3A_107 step %while3A_114 iter_args(%while3A_168 = %while3A_113#0, %while3A_169 = %while3A_113#1, %while3A_170 = %while3A_113#2, %while3A_171 = %while3A_113#3, %while3A_172 = %while3A_113#4) -> (i32, i32, i32, i32, i32)  : i32 {
          %mul3A_173 = arith.constant 1 : i32
          %mul3A_174 = arith.muli %mul3A_173, %select_n3A : i32
          %eq3A_175 = arith.constant 0 : i32
          %eq3A_176 = arith.cmpi eq, %while3A_167, %eq3A_175 : i32
          %sub3A_177 = arith.constant 1 : i32
          %sub3A_178 = arith.subi %mul3A_174, %sub3A_177 : i32
          %eq3A_179 = arith.cmpi eq, %while3A_167, %sub3A_178 : i32
          %add3A_180 = arith.addi %while3A_172, %select_n3A_16 : i32
          %sub3A_181 = arith.constant 1 : i32
          %sub3A_182 = arith.subi %while3A_172, %sub3A_181 : i32
          %select_n3A_183 = arith.constant true
          %select_n3A_184 = arith.select %select_n3A_183, %sub3A_182, %while3A_172 : i32
          %eq3A_185 = arith.constant -1 : i32
          %eq3A_186 = arith.cmpi eq, %select_n3A_184, %eq3A_185 : i32
          %sub3A_187 = arith.constant 1 : i32
          %sub3A_188 = arith.subi %select_n3A, %sub3A_187 : i32
          %select_n3A_189 = arith.select %eq3A_186, %sub3A_188, %select_n3A_184 : i32
          %add3A_190 = arith.addi %select_n3A_189, %select_n3A_16 : i32
          %add3A_191 = arith.constant 1 : i32
          %add3A_192 = arith.addi %while3A_172, %add3A_191 : i32
          %select_n3A_193 = arith.constant true
          %select_n3A_194 = arith.select %select_n3A_193, %add3A_192, %while3A_172 : i32
          %eq3A_195 = arith.cmpi eq, %select_n3A_194, %select_n3A : i32
          %select_n3A_196 = arith.constant 0 : i32
          %select_n3A_197 = arith.select %eq3A_195, %select_n3A_196, %select_n3A_194 : i32
          %add3A_198 = arith.addi %select_n3A_197, %select_n3A_16 : i32
          %add3A_199 = arith.constant 1 : i32
          %add3A_200 = arith.addi %select_n3A_197, %add3A_199 : i32
          %select_n3A_201 = arith.constant true
          %select_n3A_202 = arith.select %select_n3A_201, %add3A_200, %select_n3A_197 : i32
          %eq3A_203 = arith.cmpi eq, %select_n3A_202, %select_n3A : i32
          %select_n3A_204 = arith.constant 0 : i32
          %select_n3A_205 = arith.select %eq3A_203, %select_n3A_204, %select_n3A_202 : i32
          %add3A_206 = arith.addi %select_n3A_205, %select_n3A_16 : i32
          %ne3A = arith.cmpi ne, %add3A_180, %add3A_198 : i32
          %or3A = arith.constant false
          %or3A_207 = arith.ori %or3A, %ne3A : i1
          %or3A_208 = arith.constant false
          %or3A_209 = arith.ori %or3A_207, %or3A_208 : i1
          %sub3A_210 = arith.constant 2 : i32
          %sub3A_211 = arith.subi %mul3A_174, %sub3A_210 : i32
          %add3A_212 = arith.constant 1 : i32
          %add3A_213 = arith.addi %sub3A_211, %add3A_212 : i32
          %ge3A = arith.cmpi sge, %while3A_167, %add3A_213 : i32
          %not3A = arith.constant true
          %not3A_214 = arith.xori %ge3A, %not3A : i1
          %and3A = arith.andi %or3A_209, %not3A_214 : i1
          %convert_element_type3A_215 = arith.extui %and3A : i1 to i32
          %cond3A_216 = arith.constant 0 : i32
          %cond3A_217 = arith.cmpi ne, %convert_element_type3A_215, %cond3A_216 : i32
          scf.if %cond3A_217 {
            "tpu.trace_start"() <{level = 10 : i32, message = "ep_copy_in"}> : () -> ()
            %rem3A_351 = arith.constant 2 : i32
            %rem3A_352 = arith.remui %while3A_168, %rem3A_351 : i32
            %mul3A_353 = arith.constant 128 : i32
            %mul3A_354 = arith.muli %mul3A_353, %add3A_198 : i32
            %dma_start3A_355 = arith.constant 0 : i32
            %dma_start3A_356 = arith.constant 0 : i32
            %dma_start3A_357 = tpu.memref_slice %run_scoped3A[%rem3A_352, %dma_start3A_355, %dma_start3A_356] : memref<2x128x128xf32, #tpu.memory_space<vmem>> -> memref<1x128x128xf32, #tpu.memory_space<vmem>>
            %dma_start3A_358 = tpu.memref_squeeze %dma_start3A_357 : memref<1x128x128xf32, #tpu.memory_space<vmem>> -> memref<128x128xf32, #tpu.memory_space<vmem>>
            %dma_start3A_359 = arith.constant 0 : i32
            %dma_start3A_360 = tpu.memref_slice %arg2[%mul3A_354, %dma_start3A_359] : memref<166400x128xf32, #tpu.memory_space<hbm>> -> memref<128x128xf32, #tpu.memory_space<hbm>>
            %dma_start3A_361 = tpu.memref_slice %run_scoped3A_20[%rem3A_352] : memref<2x!tpu.dma_semaphore, #tpu.memory_space<semaphore_mem>> -> memref<1x!tpu.dma_semaphore, #tpu.memory_space<semaphore_mem>>
            %dma_start3A_362 = tpu.memref_squeeze %dma_start3A_361 : memref<1x!tpu.dma_semaphore, #tpu.memory_space<semaphore_mem>> -> memref<!tpu.dma_semaphore, #tpu.memory_space<semaphore_mem>>
            %dma_start3A_363 = arith.constant 0 : i32
            %dma_start3A_364 = arith.constant 0 : i32
            %dma_start3A_365 = tpu.memref_slice %run_scoped3A[%rem3A_352, %dma_start3A_363, %dma_start3A_364] : memref<2x128x128xf32, #tpu.memory_space<vmem>> -> memref<1x128x128xf32, #tpu.memory_space<vmem>>
            %dma_start3A_366 = tpu.memref_squeeze %dma_start3A_365 : memref<1x128x128xf32, #tpu.memory_space<vmem>> -> memref<128x128xf32, #tpu.memory_space<vmem>>
            %dma_start3A_367 = arith.constant 0 : i32
            %dma_start3A_368 = tpu.memref_slice %arg2[%mul3A_354, %dma_start3A_367] : memref<166400x128xf32, #tpu.memory_space<hbm>> -> memref<128x128xf32, #tpu.memory_space<hbm>>
            tpu.enqueue_dma source(%dma_start3A_368 : memref<128x128xf32, #tpu.memory_space<hbm>>) target(%dma_start3A_366 : memref<128x128xf32, #tpu.memory_space<vmem>>) target_semaphore(%dma_start3A_362 : memref<!tpu.dma_semaphore, #tpu.memory_space<semaphore_mem>>)
            "tpu.trace_stop"() : () -> ()
          } else {
          }
          %and3A_218 = arith.constant true
          %and3A_219 = arith.andi %and3A, %and3A_218 : i1
          %add3A_220 = arith.constant 1 : i32
          %add3A_221 = arith.addi %while3A_168, %add3A_220 : i32
          %select_n3A_222 = arith.select %and3A_219, %add3A_221, %while3A_168 : i32
          %add3A_223 = arith.constant 0 : i32
          %add3A_224 = arith.addi %add3A_180, %add3A_223 : i32
          %add3A_225 = arith.constant 0 : i32
          %add3A_226 = arith.addi %add3A_198, %add3A_225 : i32
          %ne3A_227 = arith.cmpi ne, %add3A_224, %add3A_226 : i32
          %or3A_228 = arith.constant false
          %or3A_229 = arith.ori %or3A_228, %ne3A_227 : i1
          %sub3A_230 = arith.constant 2 : i32
          %sub3A_231 = arith.subi %mul3A_174, %sub3A_230 : i32
          %add3A_232 = arith.constant 1 : i32
          %add3A_233 = arith.addi %sub3A_231, %add3A_232 : i32
          %ge3A_234 = arith.cmpi sge, %while3A_167, %add3A_233 : i32
          %not3A_235 = arith.constant true
          %not3A_236 = arith.xori %ge3A_234, %not3A_235 : i1
          %and3A_237 = arith.andi %or3A_229, %not3A_236 : i1
          %convert_element_type3A_238 = arith.extui %and3A_237 : i1 to i32
          %cond3A_239 = arith.constant 0 : i32
          %cond3A_240 = arith.cmpi ne, %convert_element_type3A_238, %cond3A_239 : i32
          scf.if %cond3A_240 {
            "tpu.trace_start"() <{level = 10 : i32, message = "ep_copy_in"}> : () -> ()
            %rem3A_351 = arith.constant 2 : i32
            %rem3A_352 = arith.remui %while3A_170, %rem3A_351 : i32
            %add3A_353 = arith.constant 0 : i32
            %add3A_354 = arith.addi %add3A_198, %add3A_353 : i32
            %mul3A_355 = arith.constant 128 : i32
            %mul3A_356 = arith.muli %mul3A_355, %add3A_354 : i32
            %mul3A_357 = arith.constant 128 : i32
            %mul3A_358 = arith.muli %rem3A_352, %mul3A_357 : i32
            %add3A_359 = arith.constant 0 : i32
            %add3A_360 = arith.addi %mul3A_358, %add3A_359 : i32
            %dma_start3A_361 = tpu.memref_slice %run_scoped3A_21[%add3A_360] : memref<256xi32, #tpu.memory_space<vmem>> -> memref<128xi32, #tpu.memory_space<vmem>>
            %dma_start3A_362 = tpu.memref_slice %arg3[%mul3A_356] : memref<320000xi32, #tpu.memory_space<hbm>> -> memref<128xi32, #tpu.memory_space<hbm>>
            %dma_start3A_363 = tpu.memref_slice %run_scoped3A_22[%rem3A_352] : memref<2x!tpu.dma_semaphore, #tpu.memory_space<semaphore_mem>> -> memref<1x!tpu.dma_semaphore, #tpu.memory_space<semaphore_mem>>
            %dma_start3A_364 = tpu.memref_squeeze %dma_start3A_363 : memref<1x!tpu.dma_semaphore, #tpu.memory_space<semaphore_mem>> -> memref<!tpu.dma_semaphore, #tpu.memory_space<semaphore_mem>>
            %dma_start3A_365 = tpu.memref_slice %run_scoped3A_21[%add3A_360] : memref<256xi32, #tpu.memory_space<vmem>> -> memref<128xi32, #tpu.memory_space<vmem>>
            %dma_start3A_366 = tpu.memref_slice %arg3[%mul3A_356] : memref<320000xi32, #tpu.memory_space<hbm>> -> memref<128xi32, #tpu.memory_space<hbm>>
            tpu.enqueue_dma source(%dma_start3A_366 : memref<128xi32, #tpu.memory_space<hbm>>) target(%dma_start3A_365 : memref<128xi32, #tpu.memory_space<vmem>>) target_semaphore(%dma_start3A_364 : memref<!tpu.dma_semaphore, #tpu.memory_space<semaphore_mem>>)
            "tpu.trace_stop"() : () -> ()
          } else {
          }
          %and3A_241 = arith.constant true
          %and3A_242 = arith.andi %and3A_237, %and3A_241 : i1
          %add3A_243 = arith.constant 1 : i32
          %add3A_244 = arith.addi %while3A_170, %add3A_243 : i32
          %select_n3A_245 = arith.select %and3A_242, %add3A_244, %while3A_170 : i32
          %ne3A_246 = arith.cmpi ne, %add3A_180, %add3A_190 : i32
          %or3A_247 = arith.constant false
          %or3A_248 = arith.ori %or3A_247, %ne3A_246 : i1
          %or3A_249 = arith.constant false
          %or3A_250 = arith.ori %or3A_248, %or3A_249 : i1
          %or3A_251 = arith.ori %or3A_250, %eq3A_176 : i1
          %convert_element_type3A_252 = arith.extui %or3A_251 : i1 to i32
          %cond3A_253 = arith.constant 0 : i32
          %cond3A_254 = arith.cmpi ne, %convert_element_type3A_252, %cond3A_253 : i32
          scf.if %cond3A_254 {
            "tpu.trace_start"() <{level = 10 : i32, message = "ep_wait_in"}> : () -> ()
            %mul3A_351 = arith.constant 128 : i32
            %mul3A_352 = arith.muli %mul3A_351, %add3A_180 : i32
            %rem3A_353 = arith.constant 2 : i32
            %rem3A_354 = arith.remui %while3A_169, %rem3A_353 : i32
            %dma_wait3A = arith.constant 0 : i32
            %dma_wait3A_355 = arith.constant 0 : i32
            %dma_wait3A_356 = tpu.memref_slice %run_scoped3A[%rem3A_354, %dma_wait3A, %dma_wait3A_355] : memref<2x128x128xf32, #tpu.memory_space<vmem>> -> memref<1x128x128xf32, #tpu.memory_space<vmem>>
            %dma_wait3A_357 = tpu.memref_squeeze %dma_wait3A_356 : memref<1x128x128xf32, #tpu.memory_space<vmem>> -> memref<128x128xf32, #tpu.memory_space<vmem>>
            %dma_wait3A_358 = arith.constant 0 : i32
            %dma_wait3A_359 = tpu.memref_slice %arg2[%mul3A_352, %dma_wait3A_358] : memref<166400x128xf32, #tpu.memory_space<hbm>> -> memref<128x128xf32, #tpu.memory_space<hbm>>
            %dma_wait3A_360 = tpu.memref_slice %run_scoped3A_20[%rem3A_354] : memref<2x!tpu.dma_semaphore, #tpu.memory_space<semaphore_mem>> -> memref<1x!tpu.dma_semaphore, #tpu.memory_space<semaphore_mem>>
            %dma_wait3A_361 = tpu.memref_squeeze %dma_wait3A_360 : memref<1x!tpu.dma_semaphore, #tpu.memory_space<semaphore_mem>> -> memref<!tpu.dma_semaphore, #tpu.memory_space<semaphore_mem>>
            %dma_wait3A_362 = arith.constant 0 : i32
            %dma_wait3A_363 = arith.constant 0 : i32
            %dma_wait3A_364 = tpu.memref_slice %run_scoped3A[%rem3A_354, %dma_wait3A_362, %dma_wait3A_363] : memref<2x128x128xf32, #tpu.memory_space<vmem>> -> memref<1x128x128xf32, #tpu.memory_space<vmem>>
            %dma_wait3A_365 = tpu.memref_squeeze %dma_wait3A_364 : memref<1x128x128xf32, #tpu.memory_space<vmem>> -> memref<128x128xf32, #tpu.memory_space<vmem>>
            %dma_wait3A_366 = arith.constant 0 : i32
            %dma_wait3A_367 = tpu.memref_slice %arg2[%mul3A_352, %dma_wait3A_366] : memref<166400x128xf32, #tpu.memory_space<hbm>> -> memref<128x128xf32, #tpu.memory_space<hbm>>
            tpu.wait_dma2 semaphore(%dma_wait3A_361 : memref<!tpu.dma_semaphore, #tpu.memory_space<semaphore_mem>>) src(%dma_wait3A_367 : memref<128x128xf32, #tpu.memory_space<hbm>>) dst(%dma_wait3A_365 : memref<128x128xf32, #tpu.memory_space<vmem>>)
            "tpu.trace_stop"() : () -> ()
          } else {
          }
          %add3A_255 = arith.constant 0 : i32
          %add3A_256 = arith.addi %add3A_180, %add3A_255 : i32
          %add3A_257 = arith.constant 0 : i32
          %add3A_258 = arith.addi %add3A_190, %add3A_257 : i32
          %ne3A_259 = arith.cmpi ne, %add3A_256, %add3A_258 : i32
          %or3A_260 = arith.constant false
          %or3A_261 = arith.ori %or3A_260, %ne3A_259 : i1
          %or3A_262 = arith.ori %or3A_261, %eq3A_176 : i1
          %convert_element_type3A_263 = arith.extui %or3A_262 : i1 to i32
          %cond3A_264 = arith.constant 0 : i32
          %cond3A_265 = arith.cmpi ne, %convert_element_type3A_263, %cond3A_264 : i32
          scf.if %cond3A_265 {
            "tpu.trace_start"() <{level = 10 : i32, message = "ep_wait_in"}> : () -> ()
            %add3A_351 = arith.constant 0 : i32
            %add3A_352 = arith.addi %add3A_180, %add3A_351 : i32
            %mul3A_353 = arith.constant 128 : i32
            %mul3A_354 = arith.muli %mul3A_353, %add3A_352 : i32
            %rem3A_355 = arith.constant 2 : i32
            %rem3A_356 = arith.remui %while3A_171, %rem3A_355 : i32
            %mul3A_357 = arith.constant 128 : i32
            %mul3A_358 = arith.muli %rem3A_356, %mul3A_357 : i32
            %add3A_359 = arith.constant 0 : i32
            %add3A_360 = arith.addi %mul3A_358, %add3A_359 : i32
            %dma_wait3A = tpu.memref_slice %run_scoped3A_21[%add3A_360] : memref<256xi32, #tpu.memory_space<vmem>> -> memref<128xi32, #tpu.memory_space<vmem>>
            %dma_wait3A_361 = tpu.memref_slice %arg3[%mul3A_354] : memref<320000xi32, #tpu.memory_space<hbm>> -> memref<128xi32, #tpu.memory_space<hbm>>
            %dma_wait3A_362 = tpu.memref_slice %run_scoped3A_22[%rem3A_356] : memref<2x!tpu.dma_semaphore, #tpu.memory_space<semaphore_mem>> -> memref<1x!tpu.dma_semaphore, #tpu.memory_space<semaphore_mem>>
            %dma_wait3A_363 = tpu.memref_squeeze %dma_wait3A_362 : memref<1x!tpu.dma_semaphore, #tpu.memory_space<semaphore_mem>> -> memref<!tpu.dma_semaphore, #tpu.memory_space<semaphore_mem>>
            %dma_wait3A_364 = tpu.memref_slice %run_scoped3A_21[%add3A_360] : memref<256xi32, #tpu.memory_space<vmem>> -> memref<128xi32, #tpu.memory_space<vmem>>
            %dma_wait3A_365 = tpu.memref_slice %arg3[%mul3A_354] : memref<320000xi32, #tpu.memory_space<hbm>> -> memref<128xi32, #tpu.memory_space<hbm>>
            tpu.wait_dma2 semaphore(%dma_wait3A_363 : memref<!tpu.dma_semaphore, #tpu.memory_space<semaphore_mem>>) src(%dma_wait3A_365 : memref<128xi32, #tpu.memory_space<hbm>>) dst(%dma_wait3A_364 : memref<128xi32, #tpu.memory_space<vmem>>)
            "tpu.trace_stop"() : () -> ()
          } else {
          }
          %rem3A_266 = arith.constant 2 : i32
          %rem3A_267 = arith.remui %while3A_169, %rem3A_266 : i32
          %rem3A_268 = arith.constant 2 : i32
          %rem3A_269 = arith.remui %while3A_171, %rem3A_268 : i32
          %mul3A_270 = arith.constant 128 : i32
          %mul3A_271 = arith.muli %rem3A_269, %mul3A_270 : i32
          "tpu.trace_start"() <{level = 10 : i32, message = "ep_run_kernel"}> : () -> ()
          "tpu.region"() ({
            %run_scoped3A_351 = tpu.sem_alloc : memref<!tpu.dma_semaphore, #tpu.memory_space<semaphore_mem>>
            %dma_start3A_352 = arith.constant 0 : i32
            %dma_start3A_353 = arith.constant 0 : i32
            %dma_start3A_354 = tpu.memref_slice %run_scoped3A[%rem3A_267, %dma_start3A_352, %dma_start3A_353] : memref<2x128x128xf32, #tpu.memory_space<vmem>> -> memref<1x128x128xf32, #tpu.memory_space<vmem>>
            %dma_start3A_355 = tpu.memref_squeeze %dma_start3A_354 : memref<1x128x128xf32, #tpu.memory_space<vmem>> -> memref<128x128xf32, #tpu.memory_space<vmem>>
            %dma_start3A_356 = tpu.memref_slice %run_scoped3A_21[%mul3A_271] : memref<256xi32, #tpu.memory_space<vmem>> -> memref<128xi32, #tpu.memory_space<vmem>>
            %dma_start3A_357 = arith.constant 0 : i32
            %dma_start3A_358 = arith.constant 0 : i32
            %dma_start3A_359 = tpu.memref_slice %arg6[%dma_start3A_357, %dma_start3A_358] : memref<10240x128xf32, #tpu.memory_space<vmem_shared>> -> memref<10240x128xf32, #tpu.memory_space<vmem_shared>>
            tpu.enqueue_indirect_dma source(%dma_start3A_355 : memref<128x128xf32, #tpu.memory_space<vmem>>) target(%dma_start3A_359 : memref<10240x128xf32, #tpu.memory_space<vmem_shared>>) offsets(%dma_start3A_356 : memref<128xi32, #tpu.memory_space<vmem>>) semaphore(%run_scoped3A_351 : memref<!tpu.dma_semaphore, #tpu.memory_space<semaphore_mem>>) {add = true}
            %dma_wait3A = arith.constant 0 : i32
            %dma_wait3A_360 = arith.constant 0 : i32
            %dma_wait3A_361 = tpu.memref_slice %run_scoped3A[%rem3A_267, %dma_wait3A, %dma_wait3A_360] : memref<2x128x128xf32, #tpu.memory_space<vmem>> -> memref<1x128x128xf32, #tpu.memory_space<vmem>>
            %dma_wait3A_362 = tpu.memref_squeeze %dma_wait3A_361 : memref<1x128x128xf32, #tpu.memory_space<vmem>> -> memref<128x128xf32, #tpu.memory_space<vmem>>
            %dma_wait3A_363 = tpu.memref_slice %run_scoped3A_21[%mul3A_271] : memref<256xi32, #tpu.memory_space<vmem>> -> memref<128xi32, #tpu.memory_space<vmem>>
            %dma_wait3A_364 = arith.constant 0 : i32
            %dma_wait3A_365 = arith.constant 0 : i32
            %dma_wait3A_366 = tpu.memref_slice %arg6[%dma_wait3A_364, %dma_wait3A_365] : memref<10240x128xf32, #tpu.memory_space<vmem_shared>> -> memref<10240x128xf32, #tpu.memory_space<vmem_shared>>
            tpu.wait_indirect_dma semaphore(%run_scoped3A_351 : memref<!tpu.dma_semaphore, #tpu.memory_space<semaphore_mem>>) src(%dma_wait3A_362 : memref<128x128xf32, #tpu.memory_space<vmem>>) dst(%dma_wait3A_366 : memref<10240x128xf32, #tpu.memory_space<vmem_shared>>)
            tpu.yield
          }) : () -> ()
          "tpu.trace_stop"() : () -> ()
          %ne3A_272 = arith.cmpi ne, %add3A_180, %add3A_198 : i32
          %or3A_273 = arith.constant false
          %or3A_274 = arith.ori %or3A_273, %ne3A_272 : i1
          %or3A_275 = arith.constant false
          %or3A_276 = arith.ori %or3A_274, %or3A_275 : i1
          %or3A_277 = arith.ori %or3A_276, %eq3A_179 : i1
          %convert_element_type3A_278 = arith.extui %or3A_277 : i1 to i32
          %cond3A_279 = arith.constant 0 : i32
          %cond3A_280 = arith.cmpi ne, %convert_element_type3A_278, %cond3A_279 : i32
          scf.if %cond3A_280 {
          } else {
          }
          %and3A_281 = arith.constant false
          %and3A_282 = arith.andi %or3A_277, %and3A_281 : i1
          %add3A_283 = arith.constant 0 : i32
          %add3A_284 = arith.addi %add3A_180, %add3A_283 : i32
          %add3A_285 = arith.constant 0 : i32
          %add3A_286 = arith.addi %add3A_198, %add3A_285 : i32
          %ne3A_287 = arith.cmpi ne, %add3A_284, %add3A_286 : i32
          %or3A_288 = arith.constant false
          %or3A_289 = arith.ori %or3A_288, %ne3A_287 : i1
          %or3A_290 = arith.ori %or3A_289, %eq3A_179 : i1
          %convert_element_type3A_291 = arith.extui %or3A_290 : i1 to i32
          %cond3A_292 = arith.constant 0 : i32
          %cond3A_293 = arith.cmpi ne, %convert_element_type3A_291, %cond3A_292 : i32
          scf.if %cond3A_293 {
          } else {
          }
          %and3A_294 = arith.constant false
          %and3A_295 = arith.andi %or3A_290, %and3A_294 : i1
          %ne3A_296 = arith.cmpi ne, %add3A_180, %add3A_190 : i32
          %or3A_297 = arith.constant false
          %or3A_298 = arith.ori %or3A_297, %ne3A_296 : i1
          %or3A_299 = arith.constant false
          %or3A_300 = arith.ori %or3A_298, %or3A_299 : i1
          %not3A_301 = arith.constant true
          %not3A_302 = arith.xori %eq3A_176, %not3A_301 : i1
          %and3A_303 = arith.andi %or3A_300, %not3A_302 : i1
          %convert_element_type3A_304 = arith.extui %and3A_303 : i1 to i32
          %cond3A_305 = arith.constant 0 : i32
          %cond3A_306 = arith.cmpi ne, %convert_element_type3A_304, %cond3A_305 : i32
          scf.if %cond3A_306 {
          } else {
          }
          %and3A_307 = arith.constant false
          %and3A_308 = arith.andi %and3A_303, %and3A_307 : i1
          %add3A_309 = arith.constant 0 : i32
          %add3A_310 = arith.addi %add3A_180, %add3A_309 : i32
          %add3A_311 = arith.constant 0 : i32
          %add3A_312 = arith.addi %add3A_190, %add3A_311 : i32
          %ne3A_313 = arith.cmpi ne, %add3A_310, %add3A_312 : i32
          %or3A_314 = arith.constant false
          %or3A_315 = arith.ori %or3A_314, %ne3A_313 : i1
          %not3A_316 = arith.constant true
          %not3A_317 = arith.xori %eq3A_176, %not3A_316 : i1
          %and3A_318 = arith.andi %or3A_315, %not3A_317 : i1
          %convert_element_type3A_319 = arith.extui %and3A_318 : i1 to i32
          %cond3A_320 = arith.constant 0 : i32
          %cond3A_321 = arith.cmpi ne, %convert_element_type3A_319, %cond3A_320 : i32
          scf.if %cond3A_321 {
          } else {
          }
          %and3A_322 = arith.constant false
          %and3A_323 = arith.andi %and3A_318, %and3A_322 : i1
          %ne3A_324 = arith.cmpi ne, %add3A_180, %add3A_198 : i32
          %or3A_325 = arith.constant false
          %or3A_326 = arith.ori %or3A_325, %ne3A_324 : i1
          %or3A_327 = arith.constant false
          %or3A_328 = arith.ori %or3A_326, %or3A_327 : i1
          %or3A_329 = arith.ori %or3A_328, %eq3A_179 : i1
          %add3A_330 = arith.constant 1 : i32
          %add3A_331 = arith.addi %while3A_169, %add3A_330 : i32
          %select_n3A_332 = arith.select %or3A_329, %add3A_331, %while3A_169 : i32
          %add3A_333 = arith.constant 0 : i32
          %add3A_334 = arith.addi %add3A_180, %add3A_333 : i32
          %add3A_335 = arith.constant 0 : i32
          %add3A_336 = arith.addi %add3A_198, %add3A_335 : i32
          %ne3A_337 = arith.cmpi ne, %add3A_334, %add3A_336 : i32
          %or3A_338 = arith.constant false
          %or3A_339 = arith.ori %or3A_338, %ne3A_337 : i1
          %or3A_340 = arith.ori %or3A_339, %eq3A_179 : i1
          %add3A_341 = arith.constant 1 : i32
          %add3A_342 = arith.addi %while3A_171, %add3A_341 : i32
          %select_n3A_343 = arith.select %or3A_340, %add3A_342, %while3A_171 : i32
          %add3A_344 = arith.constant 1 : i32
          %add3A_345 = arith.addi %while3A_172, %add3A_344 : i32
          %select_n3A_346 = arith.constant true
          %select_n3A_347 = arith.select %select_n3A_346, %add3A_345, %while3A_172 : i32
          %eq3A_348 = arith.cmpi eq, %select_n3A_347, %select_n3A : i32
          %select_n3A_349 = arith.constant 0 : i32
          %select_n3A_350 = arith.select %eq3A_348, %select_n3A_349, %select_n3A_347 : i32
          scf.yield %select_n3A_222, %select_n3A_332, %select_n3A_245, %select_n3A_343, %select_n3A_350 : i32, i32, i32, i32, i32
        }
        %sub3A_116 = arith.constant 1 : i32
        %sub3A_117 = arith.subi %while3A_115#4, %sub3A_116 : i32
        %select_n3A_118 = arith.constant true
        %select_n3A_119 = arith.select %select_n3A_118, %sub3A_117, %while3A_115#4 : i32
        %eq3A_120 = arith.constant -1 : i32
        %eq3A_121 = arith.cmpi eq, %select_n3A_119, %eq3A_120 : i32
        %sub3A_122 = arith.constant 1 : i32
        %sub3A_123 = arith.subi %select_n3A, %sub3A_122 : i32
        %select_n3A_124 = arith.select %eq3A_121, %sub3A_123, %select_n3A_119 : i32
        %sub3A_125 = arith.constant 1 : i32
        %sub3A_126 = arith.subi %mul3A_18, %sub3A_125 : i32
        %mul3A_127 = arith.constant 1 : i32
        %mul3A_128 = arith.muli %mul3A_127, %select_n3A : i32
        %eq3A_129 = arith.constant 0 : i32
        %eq3A_130 = arith.cmpi eq, %sub3A_126, %eq3A_129 : i32
        %sub3A_131 = arith.constant 1 : i32
        %sub3A_132 = arith.subi %mul3A_128, %sub3A_131 : i32
        %eq3A_133 = arith.cmpi eq, %sub3A_126, %sub3A_132 : i32
        %add3A_134 = arith.addi %select_n3A_124, %select_n3A_16 : i32
        %sub3A_135 = arith.constant 1 : i32
        %sub3A_136 = arith.subi %select_n3A_124, %sub3A_135 : i32
        %select_n3A_137 = arith.constant true
        %select_n3A_138 = arith.select %select_n3A_137, %sub3A_136, %select_n3A_124 : i32
        %eq3A_139 = arith.constant -1 : i32
        %eq3A_140 = arith.cmpi eq, %select_n3A_138, %eq3A_139 : i32
        %sub3A_141 = arith.constant 1 : i32
        %sub3A_142 = arith.subi %select_n3A, %sub3A_141 : i32
        %select_n3A_143 = arith.select %eq3A_140, %sub3A_142, %select_n3A_138 : i32
        %add3A_144 = arith.addi %select_n3A_143, %select_n3A_16 : i32
        %add3A_145 = arith.constant 1 : i32
        %add3A_146 = arith.addi %select_n3A_124, %add3A_145 : i32
        %select_n3A_147 = arith.constant true
        %select_n3A_148 = arith.select %select_n3A_147, %add3A_146, %select_n3A_124 : i32
        %eq3A_149 = arith.cmpi eq, %select_n3A_148, %select_n3A : i32
        %select_n3A_150 = arith.constant 0 : i32
        %select_n3A_151 = arith.select %eq3A_149, %select_n3A_150, %select_n3A_148 : i32
        %add3A_152 = arith.addi %select_n3A_151, %select_n3A_16 : i32
        %add3A_153 = arith.constant 1 : i32
        %add3A_154 = arith.addi %select_n3A_151, %add3A_153 : i32
        %select_n3A_155 = arith.constant true
        %select_n3A_156 = arith.select %select_n3A_155, %add3A_154, %select_n3A_151 : i32
        %eq3A_157 = arith.cmpi eq, %select_n3A_156, %select_n3A : i32
        %select_n3A_158 = arith.constant 0 : i32
        %select_n3A_159 = arith.select %eq3A_157, %select_n3A_158, %select_n3A_156 : i32
        %add3A_160 = arith.addi %select_n3A_159, %select_n3A_16 : i32
        %convert_element_type3A_161 = arith.extui %eq3A_133 : i1 to i32
        %cond3A_162 = arith.constant 0 : i32
        %cond3A_163 = arith.cmpi ne, %convert_element_type3A_161, %cond3A_162 : i32
        scf.if %cond3A_163 {
        } else {
        }
        %convert_element_type3A_164 = arith.extui %eq3A_133 : i1 to i32
        %cond3A_165 = arith.constant 0 : i32
        %cond3A_166 = arith.cmpi ne, %convert_element_type3A_164, %cond3A_165 : i32
        scf.if %cond3A_166 {
        } else {
        }
      } else {
      }
      tpu.yield
    }) : () -> ()
    %barrier3A_19 = arith.constant 0 : index
    tpu.barrier barrier_id(%barrier3A_19)
    "tpu.region"() ({
      %run_scoped3A = tpu.sem_alloc : memref<!tpu.dma_semaphore, #tpu.memory_space<semaphore_mem>>
      %dma_start3A = arith.constant 0 : i32
      %dma_start3A_20 = arith.constant 0 : i32
      %dma_start3A_21 = tpu.memref_slice %arg5[%arg0, %dma_start3A, %dma_start3A_20] : memref<2x10240x128xf32, #tpu.memory_space<hbm>> -> memref<1x10240x128xf32, #tpu.memory_space<hbm>>
      %dma_start3A_22 = tpu.memref_squeeze %dma_start3A_21 : memref<1x10240x128xf32, #tpu.memory_space<hbm>> -> memref<10240x128xf32, #tpu.memory_space<hbm>>
      %dma_start3A_23 = arith.constant 0 : i32
      %dma_start3A_24 = tpu.memref_slice %dma_start3A_22[%mul3A_0, %dma_start3A_23] : memref<10240x128xf32, #tpu.memory_space<hbm>> -> memref<640x128xf32, #tpu.memory_space<hbm>>
      %dma_start3A_25 = arith.constant 0 : i32
      %dma_start3A_26 = tpu.memref_slice %arg6[%mul3A_0, %dma_start3A_25] : memref<10240x128xf32, #tpu.memory_space<vmem_shared>> -> memref<640x128xf32, #tpu.memory_space<vmem_shared>>
      tpu.enqueue_dma source(%dma_start3A_26 : memref<640x128xf32, #tpu.memory_space<vmem_shared>>) target(%dma_start3A_24 : memref<640x128xf32, #tpu.memory_space<hbm>>) target_semaphore(%run_scoped3A : memref<!tpu.dma_semaphore, #tpu.memory_space<semaphore_mem>>)
      %dma_wait3A = arith.constant 0 : i32
      %dma_wait3A_27 = arith.constant 0 : i32
      %dma_wait3A_28 = tpu.memref_slice %arg5[%arg0, %dma_wait3A, %dma_wait3A_27] : memref<2x10240x128xf32, #tpu.memory_space<hbm>> -> memref<1x10240x128xf32, #tpu.memory_space<hbm>>
      %dma_wait3A_29 = tpu.memref_squeeze %dma_wait3A_28 : memref<1x10240x128xf32, #tpu.memory_space<hbm>> -> memref<10240x128xf32, #tpu.memory_space<hbm>>
      %dma_wait3A_30 = arith.constant 0 : i32
      %dma_wait3A_31 = tpu.memref_slice %dma_wait3A_29[%mul3A_0, %dma_wait3A_30] : memref<10240x128xf32, #tpu.memory_space<hbm>> -> memref<640x128xf32, #tpu.memory_space<hbm>>
      %dma_wait3A_32 = arith.constant 0 : i32
      %dma_wait3A_33 = tpu.memref_slice %arg6[%mul3A_0, %dma_wait3A_32] : memref<10240x128xf32, #tpu.memory_space<vmem_shared>> -> memref<640x128xf32, #tpu.memory_space<vmem_shared>>
      tpu.wait_dma2 semaphore(%run_scoped3A : memref<!tpu.dma_semaphore, #tpu.memory_space<semaphore_mem>>) src(%dma_wait3A_33 : memref<640x128xf32, #tpu.memory_space<vmem_shared>>) dst(%dma_wait3A_31 : memref<640x128xf32, #tpu.memory_space<hbm>>)
      tpu.yield
    }) : () -> ()
    return
  }
}

#map = affine_map<(d0, d1) -> (0, 0)>
#map1 = affine_map<(d0, d1) -> (0)>
#map2 = affine_map<(d0, d1) -> (0, 0, 0)>
module attributes {stable_mosaic.version = 14 : i64} {
  func.func @k(%arg0: i32, %arg1: i32, %arg2: memref<153600x128xf32, #tpu.memory_space<hbm>>, %arg3: memref<320000xi32, #tpu.memory_space<hbm>>, %arg4: memref<2x10240x128xf32, #tpu.memory_space<hbm>>, %arg5: memref<2x10240x128xf32, #tpu.memory_space<hbm>>, %arg6: memref<10240x128xf32, #tpu.memory_space<vmem_shared>>) attributes {dimension_semantics = [#tpu.dimension_semantics<core_parallel>, #tpu.dimension_semantics<subcore_parallel>], iteration_bounds = array<i64: 2, 16>, scalar_prefetch = 0 : i64, scratch_operands = 1 : i64, tpu.core_type = #tpu.core_type<sc_vector_subcore>, window_params = [{transform_indices = #map}, {transform_indices = #map1}, {transform_indices = #map2}, {transform_indices = #map2}]} {
    %mul3A = arith.constant 640 : i32
    %mul3A_0 = arith.muli %arg1, %mul3A : i32
    "tpu.region"() ({
      %run_scoped3A = tpu.sem_alloc : memref<!tpu.dma_semaphore, #tpu.memory_space<semaphore_mem>>
      %dma_start3A = arith.constant 0 : i32
      %dma_start3A_20 = tpu.memref_slice %arg6[%mul3A_0, %dma_start3A] : memref<10240x128xf32, #tpu.memory_space<vmem_shared>> -> memref<640x128xf32, #tpu.memory_space<vmem_shared>>
      %dma_start3A_21 = arith.constant 0 : i32
      %dma_start3A_22 = arith.constant 0 : i32
      %dma_start3A_23 = tpu.memref_slice %arg4[%arg0, %dma_start3A_21, %dma_start3A_22] : memref<2x10240x128xf32, #tpu.memory_space<hbm>> -> memref<1x10240x128xf32, #tpu.memory_space<hbm>>
      %dma_start3A_24 = tpu.memref_squeeze %dma_start3A_23 : memref<1x10240x128xf32, #tpu.memory_space<hbm>> -> memref<10240x128xf32, #tpu.memory_space<hbm>>
      %dma_start3A_25 = arith.constant 0 : i32
      %dma_start3A_26 = tpu.memref_slice %dma_start3A_24[%mul3A_0, %dma_start3A_25] : memref<10240x128xf32, #tpu.memory_space<hbm>> -> memref<640x128xf32, #tpu.memory_space<hbm>>
      tpu.enqueue_dma source(%dma_start3A_26 : memref<640x128xf32, #tpu.memory_space<hbm>>) target(%dma_start3A_20 : memref<640x128xf32, #tpu.memory_space<vmem_shared>>) target_semaphore(%run_scoped3A : memref<!tpu.dma_semaphore, #tpu.memory_space<semaphore_mem>>)
      %dma_wait3A = arith.constant 0 : i32
      %dma_wait3A_27 = tpu.memref_slice %arg6[%mul3A_0, %dma_wait3A] : memref<10240x128xf32, #tpu.memory_space<vmem_shared>> -> memref<640x128xf32, #tpu.memory_space<vmem_shared>>
      %dma_wait3A_28 = arith.constant 0 : i32
      %dma_wait3A_29 = arith.constant 0 : i32
      %dma_wait3A_30 = tpu.memref_slice %arg4[%arg0, %dma_wait3A_28, %dma_wait3A_29] : memref<2x10240x128xf32, #tpu.memory_space<hbm>> -> memref<1x10240x128xf32, #tpu.memory_space<hbm>>
      %dma_wait3A_31 = tpu.memref_squeeze %dma_wait3A_30 : memref<1x10240x128xf32, #tpu.memory_space<hbm>> -> memref<10240x128xf32, #tpu.memory_space<hbm>>
      %dma_wait3A_32 = arith.constant 0 : i32
      %dma_wait3A_33 = tpu.memref_slice %dma_wait3A_31[%mul3A_0, %dma_wait3A_32] : memref<10240x128xf32, #tpu.memory_space<hbm>> -> memref<640x128xf32, #tpu.memory_space<hbm>>
      tpu.wait_dma2 semaphore(%run_scoped3A : memref<!tpu.dma_semaphore, #tpu.memory_space<semaphore_mem>>) src(%dma_wait3A_33 : memref<640x128xf32, #tpu.memory_space<hbm>>) dst(%dma_wait3A_27 : memref<640x128xf32, #tpu.memory_space<vmem_shared>>)
      tpu.yield
    }) : () -> ()
    %barrier3A = arith.constant 0 : index
    tpu.barrier barrier_id(%barrier3A)
    %mul3A_1 = arith.constant 1 : i32
    %mul3A_2 = arith.muli %arg1, %mul3A_1 : i32
    %add3A = arith.constant 0 : i32
    %add3A_3 = arith.addi %add3A, %mul3A_2 : i32
    %mul3A_4 = arith.constant 16 : i32
    %mul3A_5 = arith.muli %arg0, %mul3A_4 : i32
    %add3A_6 = arith.addi %add3A_3, %mul3A_5 : i32
    %lt3A = arith.constant 16 : i32
    %lt3A_7 = arith.cmpi slt, %add3A_6, %lt3A : i32
    %jit3A = arith.constant 38 : i32
    %jit3A_8 = arith.constant 37 : i32
    %select_n3A = arith.select %lt3A_7, %jit3A, %jit3A_8 : i32
    %lt3A_9 = arith.constant 16 : i32
    %lt3A_10 = arith.cmpi slt, %add3A_6, %lt3A_9 : i32
    %mul3A_11 = arith.muli %add3A_6, %select_n3A : i32
    %mul3A_12 = arith.constant 37 : i32
    %mul3A_13 = arith.muli %add3A_6, %mul3A_12 : i32
    %add3A_14 = arith.constant 16 : i32
    %add3A_15 = arith.addi %mul3A_13, %add3A_14 : i32
    %select_n3A_16 = arith.select %lt3A_10, %mul3A_11, %add3A_15 : i32
    %mul3A_17 = arith.constant 1 : i32
    %mul3A_18 = arith.muli %mul3A_17, %select_n3A : i32
    "tpu.region"() ({
      %run_scoped3A = memref.alloca() : memref<2x128x128xf32, #tpu.memory_space<vmem>>
      %run_scoped3A_20 = tpu.sem_alloc : memref<2x!tpu.dma_semaphore, #tpu.memory_space<semaphore_mem>>
      %run_scoped3A_21 = memref.alloca() : memref<256xi32, #tpu.memory_space<vmem>>
      %run_scoped3A_22 = tpu.sem_alloc : memref<2x!tpu.dma_semaphore, #tpu.memory_space<semaphore_mem>>
      %gt3A = arith.constant 0 : i32
      %gt3A_23 = arith.cmpi sgt, %mul3A_18, %gt3A : i32
      %convert_element_type3A = arith.extui %gt3A_23 : i1 to i32
      %cond3A = arith.constant 0 : i32
      %cond3A_24 = arith.cmpi ne, %convert_element_type3A, %cond3A : i32
      scf.if %cond3A_24 {
        %mul3A_25 = arith.constant 1 : i32
        %mul3A_26 = arith.muli %mul3A_25, %select_n3A : i32
        %sub3A = arith.constant 1 : i32
        %sub3A_27 = arith.subi %mul3A_26, %sub3A : i32
        %eq3A = arith.constant 0 : i32
        %eq3A_28 = arith.cmpi eq, %sub3A_27, %eq3A : i32
        %add3A_29 = arith.constant 0 : i32
        %add3A_30 = arith.addi %add3A_29, %select_n3A_16 : i32
        %select_n3A_31 = arith.constant true
        %select_n3A_32 = arith.constant 0 : i32
        %select_n3A_33 = arith.constant -1 : i32
        %select_n3A_34 = arith.select %select_n3A_31, %select_n3A_33, %select_n3A_32 : i32
        %eq3A_35 = arith.constant -1 : i32
        %eq3A_36 = arith.cmpi eq, %select_n3A_34, %eq3A_35 : i32
        %sub3A_37 = arith.constant 1 : i32
        %sub3A_38 = arith.subi %select_n3A, %sub3A_37 : i32
        %select_n3A_39 = arith.select %eq3A_36, %sub3A_38, %select_n3A_34 : i32
        %add3A_40 = arith.addi %select_n3A_39, %select_n3A_16 : i32
        %select_n3A_41 = arith.constant true
        %select_n3A_42 = arith.constant 0 : i32
        %select_n3A_43 = arith.constant 1 : i32
        %select_n3A_44 = arith.select %select_n3A_41, %select_n3A_43, %select_n3A_42 : i32
        %eq3A_45 = arith.cmpi eq, %select_n3A_44, %select_n3A : i32
        %select_n3A_46 = arith.constant 0 : i32
        %select_n3A_47 = arith.select %eq3A_45, %select_n3A_46, %select_n3A_44 : i32
        %add3A_48 = arith.addi %select_n3A_47, %select_n3A_16 : i32
        %add3A_49 = arith.constant 1 : i32
        %add3A_50 = arith.addi %select_n3A_47, %add3A_49 : i32
        %select_n3A_51 = arith.constant true
        %select_n3A_52 = arith.select %select_n3A_51, %add3A_50, %select_n3A_47 : i32
        %eq3A_53 = arith.cmpi eq, %select_n3A_52, %select_n3A : i32
        %select_n3A_54 = arith.constant 0 : i32
        %select_n3A_55 = arith.select %eq3A_53, %select_n3A_54, %select_n3A_52 : i32
        %add3A_56 = arith.addi %select_n3A_55, %select_n3A_16 : i32
        "tpu.trace_start"() <{level = 10 : i32, message = "ep_initialize_0"}> : () -> ()
        %rem3A = arith.constant 0 : i32
        %rem3A_57 = arith.constant 2 : i32
        %rem3A_58 = arith.remui %rem3A, %rem3A_57 : i32
        %mul3A_59 = arith.constant 128 : i32
        %mul3A_60 = arith.muli %mul3A_59, %add3A_30 : i32
        %dma_start3A = arith.constant 0 : i32
        %dma_start3A_61 = arith.constant 0 : i32
        %dma_start3A_62 = tpu.memref_slice %run_scoped3A[%rem3A_58, %dma_start3A, %dma_start3A_61] : memref<2x128x128xf32, #tpu.memory_space<vmem>> -> memref<1x128x128xf32, #tpu.memory_space<vmem>>
        %dma_start3A_63 = tpu.memref_squeeze %dma_start3A_62 : memref<1x128x128xf32, #tpu.memory_space<vmem>> -> memref<128x128xf32, #tpu.memory_space<vmem>>
        %dma_start3A_64 = arith.constant 0 : i32
        %dma_start3A_65 = tpu.memref_slice %arg2[%mul3A_60, %dma_start3A_64] : memref<153600x128xf32, #tpu.memory_space<hbm>> -> memref<128x128xf32, #tpu.memory_space<hbm>>
        %dma_start3A_66 = tpu.memref_slice %run_scoped3A_20[%rem3A_58] : memref<2x!tpu.dma_semaphore, #tpu.memory_space<semaphore_mem>> -> memref<1x!tpu.dma_semaphore, #tpu.memory_space<semaphore_mem>>
        %dma_start3A_67 = tpu.memref_squeeze %dma_start3A_66 : memref<1x!tpu.dma_semaphore, #tpu.memory_space<semaphore_mem>> -> memref<!tpu.dma_semaphore, #tpu.memory_space<semaphore_mem>>
        %dma_start3A_68 = arith.constant 0 : i32
        %dma_start3A_69 = arith.constant 0 : i32
        %dma_start3A_70 = tpu.memref_slice %run_scoped3A[%rem3A_58, %dma_start3A_68, %dma_start3A_69] : memref<2x128x128xf32, #tpu.memory_space<vmem>> -> memref<1x128x128xf32, #tpu.memory_space<vmem>>
        %dma_start3A_71 = tpu.memref_squeeze %dma_start3A_70 : memref<1x128x128xf32, #tpu.memory_space<vmem>> -> memref<128x128xf32, #tpu.memory_space<vmem>>
        %dma_start3A_72 = arith.constant 0 : i32
        %dma_start3A_73 = tpu.memref_slice %arg2[%mul3A_60, %dma_start3A_72] : memref<153600x128xf32, #tpu.memory_space<hbm>> -> memref<128x128xf32, #tpu.memory_space<hbm>>
        tpu.enqueue_dma source(%dma_start3A_73 : memref<128x128xf32, #tpu.memory_space<hbm>>) target(%dma_start3A_71 : memref<128x128xf32, #tpu.memory_space<vmem>>) target_semaphore(%dma_start3A_67 : memref<!tpu.dma_semaphore, #tpu.memory_space<semaphore_mem>>)
        %add3A_74 = arith.constant 0 : i32
        %add3A_75 = arith.constant 1 : i32
        %add3A_76 = arith.addi %add3A_74, %add3A_75 : i32
        %select_n3A_77 = arith.constant true
        %select_n3A_78 = arith.constant 0 : i32
        %select_n3A_79 = arith.select %select_n3A_77, %add3A_76, %select_n3A_78 : i32
        %rem3A_80 = arith.constant 0 : i32
        %rem3A_81 = arith.constant 2 : i32
        %rem3A_82 = arith.remui %rem3A_80, %rem3A_81 : i32
        %add3A_83 = arith.constant 1300 : i32
        %add3A_84 = arith.addi %add3A_30, %add3A_83 : i32
        %mul3A_85 = arith.constant 128 : i32
        %mul3A_86 = arith.muli %mul3A_85, %add3A_84 : i32
        %mul3A_87 = arith.constant 128 : i32
        %mul3A_88 = arith.muli %rem3A_82, %mul3A_87 : i32
        %add3A_89 = arith.constant 0 : i32
        %add3A_90 = arith.addi %mul3A_88, %add3A_89 : i32
        %dma_start3A_91 = tpu.memref_slice %run_scoped3A_21[%add3A_90] : memref<256xi32, #tpu.memory_space<vmem>> -> memref<128xi32, #tpu.memory_space<vmem>>
        %dma_start3A_92 = tpu.memref_slice %arg3[%mul3A_86] : memref<320000xi32, #tpu.memory_space<hbm>> -> memref<128xi32, #tpu.memory_space<hbm>>
        %dma_start3A_93 = tpu.memref_slice %run_scoped3A_22[%rem3A_82] : memref<2x!tpu.dma_semaphore, #tpu.memory_space<semaphore_mem>> -> memref<1x!tpu.dma_semaphore, #tpu.memory_space<semaphore_mem>>
        %dma_start3A_94 = tpu.memref_squeeze %dma_start3A_93 : memref<1x!tpu.dma_semaphore, #tpu.memory_space<semaphore_mem>> -> memref<!tpu.dma_semaphore, #tpu.memory_space<semaphore_mem>>
        %dma_start3A_95 = tpu.memref_slice %run_scoped3A_21[%add3A_90] : memref<256xi32, #tpu.memory_space<vmem>> -> memref<128xi32, #tpu.memory_space<vmem>>
        %dma_start3A_96 = tpu.memref_slice %arg3[%mul3A_86] : memref<320000xi32, #tpu.memory_space<hbm>> -> memref<128xi32, #tpu.memory_space<hbm>>
        tpu.enqueue_dma source(%dma_start3A_96 : memref<128xi32, #tpu.memory_space<hbm>>) target(%dma_start3A_95 : memref<128xi32, #tpu.memory_space<vmem>>) target_semaphore(%dma_start3A_94 : memref<!tpu.dma_semaphore, #tpu.memory_space<semaphore_mem>>)
        %add3A_97 = arith.constant 0 : i32
        %add3A_98 = arith.constant 1 : i32
        %add3A_99 = arith.addi %add3A_97, %add3A_98 : i32
        %select_n3A_100 = arith.constant true
        %select_n3A_101 = arith.constant 0 : i32
        %select_n3A_102 = arith.select %select_n3A_100, %add3A_99, %select_n3A_101 : i32
        %while3A = arith.constant 0 : i32
        %while3A_103 = arith.constant 0 : i32
        %while3A_104 = arith.constant 0 : i32
        %while3A_105 = arith.constant 0 : i32
        "tpu.trace_stop"() : () -> ()
        %while3A_106 = arith.subi %mul3A_18, %while3A : i32
        %while3A_107 = arith.addi %while3A, %while3A_106 : i32
        %while3A_108 = arith.constant 1 : i32
        %while3A_109 = arith.divsi %while3A_106, %while3A_108 : i32
        %while3A_110 = arith.muli %while3A_109, %while3A_108 : i32
        %while3A_111 = arith.addi %while3A, %while3A_110 : i32
        %while3A_112 = arith.constant 1 : i32
        %while3A_113:5 = scf.for %while3A_167 = %while3A to %while3A_111 step %while3A_112 iter_args(%while3A_168 = %select_n3A_79, %while3A_169 = %while3A_103, %while3A_170 = %select_n3A_102, %while3A_171 = %while3A_104, %while3A_172 = %while3A_105) -> (i32, i32, i32, i32, i32)  : i32 {
          %mul3A_173 = arith.constant 1 : i32
          %mul3A_174 = arith.muli %mul3A_173, %select_n3A : i32
          %eq3A_175 = arith.constant 0 : i32
          %eq3A_176 = arith.cmpi eq, %while3A_167, %eq3A_175 : i32
          %sub3A_177 = arith.constant 1 : i32
          %sub3A_178 = arith.subi %mul3A_174, %sub3A_177 : i32
          %eq3A_179 = arith.cmpi eq, %while3A_167, %sub3A_178 : i32
          %add3A_180 = arith.addi %while3A_172, %select_n3A_16 : i32
          %sub3A_181 = arith.constant 1 : i32
          %sub3A_182 = arith.subi %while3A_172, %sub3A_181 : i32
          %select_n3A_183 = arith.constant true
          %select_n3A_184 = arith.select %select_n3A_183, %sub3A_182, %while3A_172 : i32
          %eq3A_185 = arith.constant -1 : i32
          %eq3A_186 = arith.cmpi eq, %select_n3A_184, %eq3A_185 : i32
          %sub3A_187 = arith.constant 1 : i32
          %sub3A_188 = arith.subi %select_n3A, %sub3A_187 : i32
          %select_n3A_189 = arith.select %eq3A_186, %sub3A_188, %select_n3A_184 : i32
          %add3A_190 = arith.addi %select_n3A_189, %select_n3A_16 : i32
          %add3A_191 = arith.constant 1 : i32
          %add3A_192 = arith.addi %while3A_172, %add3A_191 : i32
          %select_n3A_193 = arith.constant true
          %select_n3A_194 = arith.select %select_n3A_193, %add3A_192, %while3A_172 : i32
          %eq3A_195 = arith.cmpi eq, %select_n3A_194, %select_n3A : i32
          %select_n3A_196 = arith.constant 0 : i32
          %select_n3A_197 = arith.select %eq3A_195, %select_n3A_196, %select_n3A_194 : i32
          %add3A_198 = arith.addi %select_n3A_197, %select_n3A_16 : i32
          %add3A_199 = arith.constant 1 : i32
          %add3A_200 = arith.addi %select_n3A_197, %add3A_199 : i32
          %select_n3A_201 = arith.constant true
          %select_n3A_202 = arith.select %select_n3A_201, %add3A_200, %select_n3A_197 : i32
          %eq3A_203 = arith.cmpi eq, %select_n3A_202, %select_n3A : i32
          %select_n3A_204 = arith.constant 0 : i32
          %select_n3A_205 = arith.select %eq3A_203, %select_n3A_204, %select_n3A_202 : i32
          %add3A_206 = arith.addi %select_n3A_205, %select_n3A_16 : i32
          %ne3A = arith.cmpi ne, %add3A_180, %add3A_198 : i32
          %or3A = arith.constant false
          %or3A_207 = arith.ori %or3A, %ne3A : i1
          %or3A_208 = arith.constant false
          %or3A_209 = arith.ori %or3A_207, %or3A_208 : i1
          %sub3A_210 = arith.constant 2 : i32
          %sub3A_211 = arith.subi %mul3A_174, %sub3A_210 : i32
          %add3A_212 = arith.constant 1 : i32
          %add3A_213 = arith.addi %sub3A_211, %add3A_212 : i32
          %ge3A = arith.cmpi sge, %while3A_167, %add3A_213 : i32
          %not3A = arith.constant true
          %not3A_214 = arith.xori %ge3A, %not3A : i1
          %and3A = arith.andi %or3A_209, %not3A_214 : i1
          %convert_element_type3A_215 = arith.extui %and3A : i1 to i32
          %cond3A_216 = arith.constant 0 : i32
          %cond3A_217 = arith.cmpi ne, %convert_element_type3A_215, %cond3A_216 : i32
          scf.if %cond3A_217 {
            "tpu.trace_start"() <{level = 10 : i32, message = "ep_copy_in"}> : () -> ()
            %rem3A_351 = arith.constant 2 : i32
            %rem3A_352 = arith.remui %while3A_168, %rem3A_351 : i32
            %mul3A_353 = arith.constant 128 : i32
            %mul3A_354 = arith.muli %mul3A_353, %add3A_198 : i32
            %dma_start3A_355 = arith.constant 0 : i32
            %dma_start3A_356 = arith.constant 0 : i32
            %dma_start3A_357 = tpu.memref_slice %run_scoped3A[%rem3A_352, %dma_start3A_355, %dma_start3A_356] : memref<2x128x128xf32, #tpu.memory_space<vmem>> -> memref<1x128x128xf32, #tpu.memory_space<vmem>>
            %dma_start3A_358 = tpu.memref_squeeze %dma_start3A_357 : memref<1x128x128xf32, #tpu.memory_space<vmem>> -> memref<128x128xf32, #tpu.memory_space<vmem>>
            %dma_start3A_359 = arith.constant 0 : i32
            %dma_start3A_360 = tpu.memref_slice %arg2[%mul3A_354, %dma_start3A_359] : memref<153600x128xf32, #tpu.memory_space<hbm>> -> memref<128x128xf32, #tpu.memory_space<hbm>>
            %dma_start3A_361 = tpu.memref_slice %run_scoped3A_20[%rem3A_352] : memref<2x!tpu.dma_semaphore, #tpu.memory_space<semaphore_mem>> -> memref<1x!tpu.dma_semaphore, #tpu.memory_space<semaphore_mem>>
            %dma_start3A_362 = tpu.memref_squeeze %dma_start3A_361 : memref<1x!tpu.dma_semaphore, #tpu.memory_space<semaphore_mem>> -> memref<!tpu.dma_semaphore, #tpu.memory_space<semaphore_mem>>
            %dma_start3A_363 = arith.constant 0 : i32
            %dma_start3A_364 = arith.constant 0 : i32
            %dma_start3A_365 = tpu.memref_slice %run_scoped3A[%rem3A_352, %dma_start3A_363, %dma_start3A_364] : memref<2x128x128xf32, #tpu.memory_space<vmem>> -> memref<1x128x128xf32, #tpu.memory_space<vmem>>
            %dma_start3A_366 = tpu.memref_squeeze %dma_start3A_365 : memref<1x128x128xf32, #tpu.memory_space<vmem>> -> memref<128x128xf32, #tpu.memory_space<vmem>>
            %dma_start3A_367 = arith.constant 0 : i32
            %dma_start3A_368 = tpu.memref_slice %arg2[%mul3A_354, %dma_start3A_367] : memref<153600x128xf32, #tpu.memory_space<hbm>> -> memref<128x128xf32, #tpu.memory_space<hbm>>
            tpu.enqueue_dma source(%dma_start3A_368 : memref<128x128xf32, #tpu.memory_space<hbm>>) target(%dma_start3A_366 : memref<128x128xf32, #tpu.memory_space<vmem>>) target_semaphore(%dma_start3A_362 : memref<!tpu.dma_semaphore, #tpu.memory_space<semaphore_mem>>)
            "tpu.trace_stop"() : () -> ()
          } else {
          }
          %and3A_218 = arith.constant true
          %and3A_219 = arith.andi %and3A, %and3A_218 : i1
          %add3A_220 = arith.constant 1 : i32
          %add3A_221 = arith.addi %while3A_168, %add3A_220 : i32
          %select_n3A_222 = arith.select %and3A_219, %add3A_221, %while3A_168 : i32
          %add3A_223 = arith.constant 1300 : i32
          %add3A_224 = arith.addi %add3A_180, %add3A_223 : i32
          %add3A_225 = arith.constant 1300 : i32
          %add3A_226 = arith.addi %add3A_198, %add3A_225 : i32
          %ne3A_227 = arith.cmpi ne, %add3A_224, %add3A_226 : i32
          %or3A_228 = arith.constant false
          %or3A_229 = arith.ori %or3A_228, %ne3A_227 : i1
          %sub3A_230 = arith.constant 2 : i32
          %sub3A_231 = arith.subi %mul3A_174, %sub3A_230 : i32
          %add3A_232 = arith.constant 1 : i32
          %add3A_233 = arith.addi %sub3A_231, %add3A_232 : i32
          %ge3A_234 = arith.cmpi sge, %while3A_167, %add3A_233 : i32
          %not3A_235 = arith.constant true
          %not3A_236 = arith.xori %ge3A_234, %not3A_235 : i1
          %and3A_237 = arith.andi %or3A_229, %not3A_236 : i1
          %convert_element_type3A_238 = arith.extui %and3A_237 : i1 to i32
          %cond3A_239 = arith.constant 0 : i32
          %cond3A_240 = arith.cmpi ne, %convert_element_type3A_238, %cond3A_239 : i32
          scf.if %cond3A_240 {
            "tpu.trace_start"() <{level = 10 : i32, message = "ep_copy_in"}> : () -> ()
            %rem3A_351 = arith.constant 2 : i32
            %rem3A_352 = arith.remui %while3A_170, %rem3A_351 : i32
            %add3A_353 = arith.constant 1300 : i32
            %add3A_354 = arith.addi %add3A_198, %add3A_353 : i32
            %mul3A_355 = arith.constant 128 : i32
            %mul3A_356 = arith.muli %mul3A_355, %add3A_354 : i32
            %mul3A_357 = arith.constant 128 : i32
            %mul3A_358 = arith.muli %rem3A_352, %mul3A_357 : i32
            %add3A_359 = arith.constant 0 : i32
            %add3A_360 = arith.addi %mul3A_358, %add3A_359 : i32
            %dma_start3A_361 = tpu.memref_slice %run_scoped3A_21[%add3A_360] : memref<256xi32, #tpu.memory_space<vmem>> -> memref<128xi32, #tpu.memory_space<vmem>>
            %dma_start3A_362 = tpu.memref_slice %arg3[%mul3A_356] : memref<320000xi32, #tpu.memory_space<hbm>> -> memref<128xi32, #tpu.memory_space<hbm>>
            %dma_start3A_363 = tpu.memref_slice %run_scoped3A_22[%rem3A_352] : memref<2x!tpu.dma_semaphore, #tpu.memory_space<semaphore_mem>> -> memref<1x!tpu.dma_semaphore, #tpu.memory_space<semaphore_mem>>
            %dma_start3A_364 = tpu.memref_squeeze %dma_start3A_363 : memref<1x!tpu.dma_semaphore, #tpu.memory_space<semaphore_mem>> -> memref<!tpu.dma_semaphore, #tpu.memory_space<semaphore_mem>>
            %dma_start3A_365 = tpu.memref_slice %run_scoped3A_21[%add3A_360] : memref<256xi32, #tpu.memory_space<vmem>> -> memref<128xi32, #tpu.memory_space<vmem>>
            %dma_start3A_366 = tpu.memref_slice %arg3[%mul3A_356] : memref<320000xi32, #tpu.memory_space<hbm>> -> memref<128xi32, #tpu.memory_space<hbm>>
            tpu.enqueue_dma source(%dma_start3A_366 : memref<128xi32, #tpu.memory_space<hbm>>) target(%dma_start3A_365 : memref<128xi32, #tpu.memory_space<vmem>>) target_semaphore(%dma_start3A_364 : memref<!tpu.dma_semaphore, #tpu.memory_space<semaphore_mem>>)
            "tpu.trace_stop"() : () -> ()
          } else {
          }
          %and3A_241 = arith.constant true
          %and3A_242 = arith.andi %and3A_237, %and3A_241 : i1
          %add3A_243 = arith.constant 1 : i32
          %add3A_244 = arith.addi %while3A_170, %add3A_243 : i32
          %select_n3A_245 = arith.select %and3A_242, %add3A_244, %while3A_170 : i32
          %ne3A_246 = arith.cmpi ne, %add3A_180, %add3A_190 : i32
          %or3A_247 = arith.constant false
          %or3A_248 = arith.ori %or3A_247, %ne3A_246 : i1
          %or3A_249 = arith.constant false
          %or3A_250 = arith.ori %or3A_248, %or3A_249 : i1
          %or3A_251 = arith.ori %or3A_250, %eq3A_176 : i1
          %convert_element_type3A_252 = arith.extui %or3A_251 : i1 to i32
          %cond3A_253 = arith.constant 0 : i32
          %cond3A_254 = arith.cmpi ne, %convert_element_type3A_252, %cond3A_253 : i32
          scf.if %cond3A_254 {
            "tpu.trace_start"() <{level = 10 : i32, message = "ep_wait_in"}> : () -> ()
            %mul3A_351 = arith.constant 128 : i32
            %mul3A_352 = arith.muli %mul3A_351, %add3A_180 : i32
            %rem3A_353 = arith.constant 2 : i32
            %rem3A_354 = arith.remui %while3A_169, %rem3A_353 : i32
            %dma_wait3A = arith.constant 0 : i32
            %dma_wait3A_355 = arith.constant 0 : i32
            %dma_wait3A_356 = tpu.memref_slice %run_scoped3A[%rem3A_354, %dma_wait3A, %dma_wait3A_355] : memref<2x128x128xf32, #tpu.memory_space<vmem>> -> memref<1x128x128xf32, #tpu.memory_space<vmem>>
            %dma_wait3A_357 = tpu.memref_squeeze %dma_wait3A_356 : memref<1x128x128xf32, #tpu.memory_space<vmem>> -> memref<128x128xf32, #tpu.memory_space<vmem>>
            %dma_wait3A_358 = arith.constant 0 : i32
            %dma_wait3A_359 = tpu.memref_slice %arg2[%mul3A_352, %dma_wait3A_358] : memref<153600x128xf32, #tpu.memory_space<hbm>> -> memref<128x128xf32, #tpu.memory_space<hbm>>
            %dma_wait3A_360 = tpu.memref_slice %run_scoped3A_20[%rem3A_354] : memref<2x!tpu.dma_semaphore, #tpu.memory_space<semaphore_mem>> -> memref<1x!tpu.dma_semaphore, #tpu.memory_space<semaphore_mem>>
            %dma_wait3A_361 = tpu.memref_squeeze %dma_wait3A_360 : memref<1x!tpu.dma_semaphore, #tpu.memory_space<semaphore_mem>> -> memref<!tpu.dma_semaphore, #tpu.memory_space<semaphore_mem>>
            %dma_wait3A_362 = arith.constant 0 : i32
            %dma_wait3A_363 = arith.constant 0 : i32
            %dma_wait3A_364 = tpu.memref_slice %run_scoped3A[%rem3A_354, %dma_wait3A_362, %dma_wait3A_363] : memref<2x128x128xf32, #tpu.memory_space<vmem>> -> memref<1x128x128xf32, #tpu.memory_space<vmem>>
            %dma_wait3A_365 = tpu.memref_squeeze %dma_wait3A_364 : memref<1x128x128xf32, #tpu.memory_space<vmem>> -> memref<128x128xf32, #tpu.memory_space<vmem>>
            %dma_wait3A_366 = arith.constant 0 : i32
            %dma_wait3A_367 = tpu.memref_slice %arg2[%mul3A_352, %dma_wait3A_366] : memref<153600x128xf32, #tpu.memory_space<hbm>> -> memref<128x128xf32, #tpu.memory_space<hbm>>
            tpu.wait_dma2 semaphore(%dma_wait3A_361 : memref<!tpu.dma_semaphore, #tpu.memory_space<semaphore_mem>>) src(%dma_wait3A_367 : memref<128x128xf32, #tpu.memory_space<hbm>>) dst(%dma_wait3A_365 : memref<128x128xf32, #tpu.memory_space<vmem>>)
            "tpu.trace_stop"() : () -> ()
          } else {
          }
          %add3A_255 = arith.constant 1300 : i32
          %add3A_256 = arith.addi %add3A_180, %add3A_255 : i32
          %add3A_257 = arith.constant 1300 : i32
          %add3A_258 = arith.addi %add3A_190, %add3A_257 : i32
          %ne3A_259 = arith.cmpi ne, %add3A_256, %add3A_258 : i32
          %or3A_260 = arith.constant false
          %or3A_261 = arith.ori %or3A_260, %ne3A_259 : i1
          %or3A_262 = arith.ori %or3A_261, %eq3A_176 : i1
          %convert_element_type3A_263 = arith.extui %or3A_262 : i1 to i32
          %cond3A_264 = arith.constant 0 : i32
          %cond3A_265 = arith.cmpi ne, %convert_element_type3A_263, %cond3A_264 : i32
          scf.if %cond3A_265 {
            "tpu.trace_start"() <{level = 10 : i32, message = "ep_wait_in"}> : () -> ()
            %add3A_351 = arith.constant 1300 : i32
            %add3A_352 = arith.addi %add3A_180, %add3A_351 : i32
            %mul3A_353 = arith.constant 128 : i32
            %mul3A_354 = arith.muli %mul3A_353, %add3A_352 : i32
            %rem3A_355 = arith.constant 2 : i32
            %rem3A_356 = arith.remui %while3A_171, %rem3A_355 : i32
            %mul3A_357 = arith.constant 128 : i32
            %mul3A_358 = arith.muli %rem3A_356, %mul3A_357 : i32
            %add3A_359 = arith.constant 0 : i32
            %add3A_360 = arith.addi %mul3A_358, %add3A_359 : i32
            %dma_wait3A = tpu.memref_slice %run_scoped3A_21[%add3A_360] : memref<256xi32, #tpu.memory_space<vmem>> -> memref<128xi32, #tpu.memory_space<vmem>>
            %dma_wait3A_361 = tpu.memref_slice %arg3[%mul3A_354] : memref<320000xi32, #tpu.memory_space<hbm>> -> memref<128xi32, #tpu.memory_space<hbm>>
            %dma_wait3A_362 = tpu.memref_slice %run_scoped3A_22[%rem3A_356] : memref<2x!tpu.dma_semaphore, #tpu.memory_space<semaphore_mem>> -> memref<1x!tpu.dma_semaphore, #tpu.memory_space<semaphore_mem>>
            %dma_wait3A_363 = tpu.memref_squeeze %dma_wait3A_362 : memref<1x!tpu.dma_semaphore, #tpu.memory_space<semaphore_mem>> -> memref<!tpu.dma_semaphore, #tpu.memory_space<semaphore_mem>>
            %dma_wait3A_364 = tpu.memref_slice %run_scoped3A_21[%add3A_360] : memref<256xi32, #tpu.memory_space<vmem>> -> memref<128xi32, #tpu.memory_space<vmem>>
            %dma_wait3A_365 = tpu.memref_slice %arg3[%mul3A_354] : memref<320000xi32, #tpu.memory_space<hbm>> -> memref<128xi32, #tpu.memory_space<hbm>>
            tpu.wait_dma2 semaphore(%dma_wait3A_363 : memref<!tpu.dma_semaphore, #tpu.memory_space<semaphore_mem>>) src(%dma_wait3A_365 : memref<128xi32, #tpu.memory_space<hbm>>) dst(%dma_wait3A_364 : memref<128xi32, #tpu.memory_space<vmem>>)
            "tpu.trace_stop"() : () -> ()
          } else {
          }
          %rem3A_266 = arith.constant 2 : i32
          %rem3A_267 = arith.remui %while3A_169, %rem3A_266 : i32
          %rem3A_268 = arith.constant 2 : i32
          %rem3A_269 = arith.remui %while3A_171, %rem3A_268 : i32
          %mul3A_270 = arith.constant 128 : i32
          %mul3A_271 = arith.muli %rem3A_269, %mul3A_270 : i32
          "tpu.trace_start"() <{level = 10 : i32, message = "ep_run_kernel"}> : () -> ()
          "tpu.region"() ({
            %run_scoped3A_351 = tpu.sem_alloc : memref<!tpu.dma_semaphore, #tpu.memory_space<semaphore_mem>>
            %dma_start3A_352 = arith.constant 0 : i32
            %dma_start3A_353 = arith.constant 0 : i32
            %dma_start3A_354 = tpu.memref_slice %run_scoped3A[%rem3A_267, %dma_start3A_352, %dma_start3A_353] : memref<2x128x128xf32, #tpu.memory_space<vmem>> -> memref<1x128x128xf32, #tpu.memory_space<vmem>>
            %dma_start3A_355 = tpu.memref_squeeze %dma_start3A_354 : memref<1x128x128xf32, #tpu.memory_space<vmem>> -> memref<128x128xf32, #tpu.memory_space<vmem>>
            %dma_start3A_356 = tpu.memref_slice %run_scoped3A_21[%mul3A_271] : memref<256xi32, #tpu.memory_space<vmem>> -> memref<128xi32, #tpu.memory_space<vmem>>
            %dma_start3A_357 = arith.constant 0 : i32
            %dma_start3A_358 = arith.constant 0 : i32
            %dma_start3A_359 = tpu.memref_slice %arg6[%dma_start3A_357, %dma_start3A_358] : memref<10240x128xf32, #tpu.memory_space<vmem_shared>> -> memref<10240x128xf32, #tpu.memory_space<vmem_shared>>
            tpu.enqueue_indirect_dma source(%dma_start3A_355 : memref<128x128xf32, #tpu.memory_space<vmem>>) target(%dma_start3A_359 : memref<10240x128xf32, #tpu.memory_space<vmem_shared>>) offsets(%dma_start3A_356 : memref<128xi32, #tpu.memory_space<vmem>>) semaphore(%run_scoped3A_351 : memref<!tpu.dma_semaphore, #tpu.memory_space<semaphore_mem>>) {add = true}
            %dma_wait3A = arith.constant 0 : i32
            %dma_wait3A_360 = arith.constant 0 : i32
            %dma_wait3A_361 = tpu.memref_slice %run_scoped3A[%rem3A_267, %dma_wait3A, %dma_wait3A_360] : memref<2x128x128xf32, #tpu.memory_space<vmem>> -> memref<1x128x128xf32, #tpu.memory_space<vmem>>
            %dma_wait3A_362 = tpu.memref_squeeze %dma_wait3A_361 : memref<1x128x128xf32, #tpu.memory_space<vmem>> -> memref<128x128xf32, #tpu.memory_space<vmem>>
            %dma_wait3A_363 = tpu.memref_slice %run_scoped3A_21[%mul3A_271] : memref<256xi32, #tpu.memory_space<vmem>> -> memref<128xi32, #tpu.memory_space<vmem>>
            %dma_wait3A_364 = arith.constant 0 : i32
            %dma_wait3A_365 = arith.constant 0 : i32
            %dma_wait3A_366 = tpu.memref_slice %arg6[%dma_wait3A_364, %dma_wait3A_365] : memref<10240x128xf32, #tpu.memory_space<vmem_shared>> -> memref<10240x128xf32, #tpu.memory_space<vmem_shared>>
            tpu.wait_indirect_dma semaphore(%run_scoped3A_351 : memref<!tpu.dma_semaphore, #tpu.memory_space<semaphore_mem>>) src(%dma_wait3A_362 : memref<128x128xf32, #tpu.memory_space<vmem>>) dst(%dma_wait3A_366 : memref<10240x128xf32, #tpu.memory_space<vmem_shared>>)
            tpu.yield
          }) : () -> ()
          "tpu.trace_stop"() : () -> ()
          %ne3A_272 = arith.cmpi ne, %add3A_180, %add3A_198 : i32
          %or3A_273 = arith.constant false
          %or3A_274 = arith.ori %or3A_273, %ne3A_272 : i1
          %or3A_275 = arith.constant false
          %or3A_276 = arith.ori %or3A_274, %or3A_275 : i1
          %or3A_277 = arith.ori %or3A_276, %eq3A_179 : i1
          %convert_element_type3A_278 = arith.extui %or3A_277 : i1 to i32
          %cond3A_279 = arith.constant 0 : i32
          %cond3A_280 = arith.cmpi ne, %convert_element_type3A_278, %cond3A_279 : i32
          scf.if %cond3A_280 {
          } else {
          }
          %and3A_281 = arith.constant false
          %and3A_282 = arith.andi %or3A_277, %and3A_281 : i1
          %add3A_283 = arith.constant 1300 : i32
          %add3A_284 = arith.addi %add3A_180, %add3A_283 : i32
          %add3A_285 = arith.constant 1300 : i32
          %add3A_286 = arith.addi %add3A_198, %add3A_285 : i32
          %ne3A_287 = arith.cmpi ne, %add3A_284, %add3A_286 : i32
          %or3A_288 = arith.constant false
          %or3A_289 = arith.ori %or3A_288, %ne3A_287 : i1
          %or3A_290 = arith.ori %or3A_289, %eq3A_179 : i1
          %convert_element_type3A_291 = arith.extui %or3A_290 : i1 to i32
          %cond3A_292 = arith.constant 0 : i32
          %cond3A_293 = arith.cmpi ne, %convert_element_type3A_291, %cond3A_292 : i32
          scf.if %cond3A_293 {
          } else {
          }
          %and3A_294 = arith.constant false
          %and3A_295 = arith.andi %or3A_290, %and3A_294 : i1
          %ne3A_296 = arith.cmpi ne, %add3A_180, %add3A_190 : i32
          %or3A_297 = arith.constant false
          %or3A_298 = arith.ori %or3A_297, %ne3A_296 : i1
          %or3A_299 = arith.constant false
          %or3A_300 = arith.ori %or3A_298, %or3A_299 : i1
          %not3A_301 = arith.constant true
          %not3A_302 = arith.xori %eq3A_176, %not3A_301 : i1
          %and3A_303 = arith.andi %or3A_300, %not3A_302 : i1
          %convert_element_type3A_304 = arith.extui %and3A_303 : i1 to i32
          %cond3A_305 = arith.constant 0 : i32
          %cond3A_306 = arith.cmpi ne, %convert_element_type3A_304, %cond3A_305 : i32
          scf.if %cond3A_306 {
          } else {
          }
          %and3A_307 = arith.constant false
          %and3A_308 = arith.andi %and3A_303, %and3A_307 : i1
          %add3A_309 = arith.constant 1300 : i32
          %add3A_310 = arith.addi %add3A_180, %add3A_309 : i32
          %add3A_311 = arith.constant 1300 : i32
          %add3A_312 = arith.addi %add3A_190, %add3A_311 : i32
          %ne3A_313 = arith.cmpi ne, %add3A_310, %add3A_312 : i32
          %or3A_314 = arith.constant false
          %or3A_315 = arith.ori %or3A_314, %ne3A_313 : i1
          %not3A_316 = arith.constant true
          %not3A_317 = arith.xori %eq3A_176, %not3A_316 : i1
          %and3A_318 = arith.andi %or3A_315, %not3A_317 : i1
          %convert_element_type3A_319 = arith.extui %and3A_318 : i1 to i32
          %cond3A_320 = arith.constant 0 : i32
          %cond3A_321 = arith.cmpi ne, %convert_element_type3A_319, %cond3A_320 : i32
          scf.if %cond3A_321 {
          } else {
          }
          %and3A_322 = arith.constant false
          %and3A_323 = arith.andi %and3A_318, %and3A_322 : i1
          %ne3A_324 = arith.cmpi ne, %add3A_180, %add3A_198 : i32
          %or3A_325 = arith.constant false
          %or3A_326 = arith.ori %or3A_325, %ne3A_324 : i1
          %or3A_327 = arith.constant false
          %or3A_328 = arith.ori %or3A_326, %or3A_327 : i1
          %or3A_329 = arith.ori %or3A_328, %eq3A_179 : i1
          %add3A_330 = arith.constant 1 : i32
          %add3A_331 = arith.addi %while3A_169, %add3A_330 : i32
          %select_n3A_332 = arith.select %or3A_329, %add3A_331, %while3A_169 : i32
          %add3A_333 = arith.constant 1300 : i32
          %add3A_334 = arith.addi %add3A_180, %add3A_333 : i32
          %add3A_335 = arith.constant 1300 : i32
          %add3A_336 = arith.addi %add3A_198, %add3A_335 : i32
          %ne3A_337 = arith.cmpi ne, %add3A_334, %add3A_336 : i32
          %or3A_338 = arith.constant false
          %or3A_339 = arith.ori %or3A_338, %ne3A_337 : i1
          %or3A_340 = arith.ori %or3A_339, %eq3A_179 : i1
          %add3A_341 = arith.constant 1 : i32
          %add3A_342 = arith.addi %while3A_171, %add3A_341 : i32
          %select_n3A_343 = arith.select %or3A_340, %add3A_342, %while3A_171 : i32
          %add3A_344 = arith.constant 1 : i32
          %add3A_345 = arith.addi %while3A_172, %add3A_344 : i32
          %select_n3A_346 = arith.constant true
          %select_n3A_347 = arith.select %select_n3A_346, %add3A_345, %while3A_172 : i32
          %eq3A_348 = arith.cmpi eq, %select_n3A_347, %select_n3A : i32
          %select_n3A_349 = arith.constant 0 : i32
          %select_n3A_350 = arith.select %eq3A_348, %select_n3A_349, %select_n3A_347 : i32
          scf.yield %select_n3A_222, %select_n3A_332, %select_n3A_245, %select_n3A_343, %select_n3A_350 : i32, i32, i32, i32, i32
        }
        %while3A_114 = arith.constant 1 : i32
        %while3A_115:5 = scf.for %while3A_167 = %while3A_111 to %while3A_107 step %while3A_114 iter_args(%while3A_168 = %while3A_113#0, %while3A_169 = %while3A_113#1, %while3A_170 = %while3A_113#2, %while3A_171 = %while3A_113#3, %while3A_172 = %while3A_113#4) -> (i32, i32, i32, i32, i32)  : i32 {
          %mul3A_173 = arith.constant 1 : i32
          %mul3A_174 = arith.muli %mul3A_173, %select_n3A : i32
          %eq3A_175 = arith.constant 0 : i32
          %eq3A_176 = arith.cmpi eq, %while3A_167, %eq3A_175 : i32
          %sub3A_177 = arith.constant 1 : i32
          %sub3A_178 = arith.subi %mul3A_174, %sub3A_177 : i32
          %eq3A_179 = arith.cmpi eq, %while3A_167, %sub3A_178 : i32
          %add3A_180 = arith.addi %while3A_172, %select_n3A_16 : i32
          %sub3A_181 = arith.constant 1 : i32
          %sub3A_182 = arith.subi %while3A_172, %sub3A_181 : i32
          %select_n3A_183 = arith.constant true
          %select_n3A_184 = arith.select %select_n3A_183, %sub3A_182, %while3A_172 : i32
          %eq3A_185 = arith.constant -1 : i32
          %eq3A_186 = arith.cmpi eq, %select_n3A_184, %eq3A_185 : i32
          %sub3A_187 = arith.constant 1 : i32
          %sub3A_188 = arith.subi %select_n3A, %sub3A_187 : i32
          %select_n3A_189 = arith.select %eq3A_186, %sub3A_188, %select_n3A_184 : i32
          %add3A_190 = arith.addi %select_n3A_189, %select_n3A_16 : i32
          %add3A_191 = arith.constant 1 : i32
          %add3A_192 = arith.addi %while3A_172, %add3A_191 : i32
          %select_n3A_193 = arith.constant true
          %select_n3A_194 = arith.select %select_n3A_193, %add3A_192, %while3A_172 : i32
          %eq3A_195 = arith.cmpi eq, %select_n3A_194, %select_n3A : i32
          %select_n3A_196 = arith.constant 0 : i32
          %select_n3A_197 = arith.select %eq3A_195, %select_n3A_196, %select_n3A_194 : i32
          %add3A_198 = arith.addi %select_n3A_197, %select_n3A_16 : i32
          %add3A_199 = arith.constant 1 : i32
          %add3A_200 = arith.addi %select_n3A_197, %add3A_199 : i32
          %select_n3A_201 = arith.constant true
          %select_n3A_202 = arith.select %select_n3A_201, %add3A_200, %select_n3A_197 : i32
          %eq3A_203 = arith.cmpi eq, %select_n3A_202, %select_n3A : i32
          %select_n3A_204 = arith.constant 0 : i32
          %select_n3A_205 = arith.select %eq3A_203, %select_n3A_204, %select_n3A_202 : i32
          %add3A_206 = arith.addi %select_n3A_205, %select_n3A_16 : i32
          %ne3A = arith.cmpi ne, %add3A_180, %add3A_198 : i32
          %or3A = arith.constant false
          %or3A_207 = arith.ori %or3A, %ne3A : i1
          %or3A_208 = arith.constant false
          %or3A_209 = arith.ori %or3A_207, %or3A_208 : i1
          %sub3A_210 = arith.constant 2 : i32
          %sub3A_211 = arith.subi %mul3A_174, %sub3A_210 : i32
          %add3A_212 = arith.constant 1 : i32
          %add3A_213 = arith.addi %sub3A_211, %add3A_212 : i32
          %ge3A = arith.cmpi sge, %while3A_167, %add3A_213 : i32
          %not3A = arith.constant true
          %not3A_214 = arith.xori %ge3A, %not3A : i1
          %and3A = arith.andi %or3A_209, %not3A_214 : i1
          %convert_element_type3A_215 = arith.extui %and3A : i1 to i32
          %cond3A_216 = arith.constant 0 : i32
          %cond3A_217 = arith.cmpi ne, %convert_element_type3A_215, %cond3A_216 : i32
          scf.if %cond3A_217 {
            "tpu.trace_start"() <{level = 10 : i32, message = "ep_copy_in"}> : () -> ()
            %rem3A_351 = arith.constant 2 : i32
            %rem3A_352 = arith.remui %while3A_168, %rem3A_351 : i32
            %mul3A_353 = arith.constant 128 : i32
            %mul3A_354 = arith.muli %mul3A_353, %add3A_198 : i32
            %dma_start3A_355 = arith.constant 0 : i32
            %dma_start3A_356 = arith.constant 0 : i32
            %dma_start3A_357 = tpu.memref_slice %run_scoped3A[%rem3A_352, %dma_start3A_355, %dma_start3A_356] : memref<2x128x128xf32, #tpu.memory_space<vmem>> -> memref<1x128x128xf32, #tpu.memory_space<vmem>>
            %dma_start3A_358 = tpu.memref_squeeze %dma_start3A_357 : memref<1x128x128xf32, #tpu.memory_space<vmem>> -> memref<128x128xf32, #tpu.memory_space<vmem>>
            %dma_start3A_359 = arith.constant 0 : i32
            %dma_start3A_360 = tpu.memref_slice %arg2[%mul3A_354, %dma_start3A_359] : memref<153600x128xf32, #tpu.memory_space<hbm>> -> memref<128x128xf32, #tpu.memory_space<hbm>>
            %dma_start3A_361 = tpu.memref_slice %run_scoped3A_20[%rem3A_352] : memref<2x!tpu.dma_semaphore, #tpu.memory_space<semaphore_mem>> -> memref<1x!tpu.dma_semaphore, #tpu.memory_space<semaphore_mem>>
            %dma_start3A_362 = tpu.memref_squeeze %dma_start3A_361 : memref<1x!tpu.dma_semaphore, #tpu.memory_space<semaphore_mem>> -> memref<!tpu.dma_semaphore, #tpu.memory_space<semaphore_mem>>
            %dma_start3A_363 = arith.constant 0 : i32
            %dma_start3A_364 = arith.constant 0 : i32
            %dma_start3A_365 = tpu.memref_slice %run_scoped3A[%rem3A_352, %dma_start3A_363, %dma_start3A_364] : memref<2x128x128xf32, #tpu.memory_space<vmem>> -> memref<1x128x128xf32, #tpu.memory_space<vmem>>
            %dma_start3A_366 = tpu.memref_squeeze %dma_start3A_365 : memref<1x128x128xf32, #tpu.memory_space<vmem>> -> memref<128x128xf32, #tpu.memory_space<vmem>>
            %dma_start3A_367 = arith.constant 0 : i32
            %dma_start3A_368 = tpu.memref_slice %arg2[%mul3A_354, %dma_start3A_367] : memref<153600x128xf32, #tpu.memory_space<hbm>> -> memref<128x128xf32, #tpu.memory_space<hbm>>
            tpu.enqueue_dma source(%dma_start3A_368 : memref<128x128xf32, #tpu.memory_space<hbm>>) target(%dma_start3A_366 : memref<128x128xf32, #tpu.memory_space<vmem>>) target_semaphore(%dma_start3A_362 : memref<!tpu.dma_semaphore, #tpu.memory_space<semaphore_mem>>)
            "tpu.trace_stop"() : () -> ()
          } else {
          }
          %and3A_218 = arith.constant true
          %and3A_219 = arith.andi %and3A, %and3A_218 : i1
          %add3A_220 = arith.constant 1 : i32
          %add3A_221 = arith.addi %while3A_168, %add3A_220 : i32
          %select_n3A_222 = arith.select %and3A_219, %add3A_221, %while3A_168 : i32
          %add3A_223 = arith.constant 1300 : i32
          %add3A_224 = arith.addi %add3A_180, %add3A_223 : i32
          %add3A_225 = arith.constant 1300 : i32
          %add3A_226 = arith.addi %add3A_198, %add3A_225 : i32
          %ne3A_227 = arith.cmpi ne, %add3A_224, %add3A_226 : i32
          %or3A_228 = arith.constant false
          %or3A_229 = arith.ori %or3A_228, %ne3A_227 : i1
          %sub3A_230 = arith.constant 2 : i32
          %sub3A_231 = arith.subi %mul3A_174, %sub3A_230 : i32
          %add3A_232 = arith.constant 1 : i32
          %add3A_233 = arith.addi %sub3A_231, %add3A_232 : i32
          %ge3A_234 = arith.cmpi sge, %while3A_167, %add3A_233 : i32
          %not3A_235 = arith.constant true
          %not3A_236 = arith.xori %ge3A_234, %not3A_235 : i1
          %and3A_237 = arith.andi %or3A_229, %not3A_236 : i1
          %convert_element_type3A_238 = arith.extui %and3A_237 : i1 to i32
          %cond3A_239 = arith.constant 0 : i32
          %cond3A_240 = arith.cmpi ne, %convert_element_type3A_238, %cond3A_239 : i32
          scf.if %cond3A_240 {
            "tpu.trace_start"() <{level = 10 : i32, message = "ep_copy_in"}> : () -> ()
            %rem3A_351 = arith.constant 2 : i32
            %rem3A_352 = arith.remui %while3A_170, %rem3A_351 : i32
            %add3A_353 = arith.constant 1300 : i32
            %add3A_354 = arith.addi %add3A_198, %add3A_353 : i32
            %mul3A_355 = arith.constant 128 : i32
            %mul3A_356 = arith.muli %mul3A_355, %add3A_354 : i32
            %mul3A_357 = arith.constant 128 : i32
            %mul3A_358 = arith.muli %rem3A_352, %mul3A_357 : i32
            %add3A_359 = arith.constant 0 : i32
            %add3A_360 = arith.addi %mul3A_358, %add3A_359 : i32
            %dma_start3A_361 = tpu.memref_slice %run_scoped3A_21[%add3A_360] : memref<256xi32, #tpu.memory_space<vmem>> -> memref<128xi32, #tpu.memory_space<vmem>>
            %dma_start3A_362 = tpu.memref_slice %arg3[%mul3A_356] : memref<320000xi32, #tpu.memory_space<hbm>> -> memref<128xi32, #tpu.memory_space<hbm>>
            %dma_start3A_363 = tpu.memref_slice %run_scoped3A_22[%rem3A_352] : memref<2x!tpu.dma_semaphore, #tpu.memory_space<semaphore_mem>> -> memref<1x!tpu.dma_semaphore, #tpu.memory_space<semaphore_mem>>
            %dma_start3A_364 = tpu.memref_squeeze %dma_start3A_363 : memref<1x!tpu.dma_semaphore, #tpu.memory_space<semaphore_mem>> -> memref<!tpu.dma_semaphore, #tpu.memory_space<semaphore_mem>>
            %dma_start3A_365 = tpu.memref_slice %run_scoped3A_21[%add3A_360] : memref<256xi32, #tpu.memory_space<vmem>> -> memref<128xi32, #tpu.memory_space<vmem>>
            %dma_start3A_366 = tpu.memref_slice %arg3[%mul3A_356] : memref<320000xi32, #tpu.memory_space<hbm>> -> memref<128xi32, #tpu.memory_space<hbm>>
            tpu.enqueue_dma source(%dma_start3A_366 : memref<128xi32, #tpu.memory_space<hbm>>) target(%dma_start3A_365 : memref<128xi32, #tpu.memory_space<vmem>>) target_semaphore(%dma_start3A_364 : memref<!tpu.dma_semaphore, #tpu.memory_space<semaphore_mem>>)
            "tpu.trace_stop"() : () -> ()
          } else {
          }
          %and3A_241 = arith.constant true
          %and3A_242 = arith.andi %and3A_237, %and3A_241 : i1
          %add3A_243 = arith.constant 1 : i32
          %add3A_244 = arith.addi %while3A_170, %add3A_243 : i32
          %select_n3A_245 = arith.select %and3A_242, %add3A_244, %while3A_170 : i32
          %ne3A_246 = arith.cmpi ne, %add3A_180, %add3A_190 : i32
          %or3A_247 = arith.constant false
          %or3A_248 = arith.ori %or3A_247, %ne3A_246 : i1
          %or3A_249 = arith.constant false
          %or3A_250 = arith.ori %or3A_248, %or3A_249 : i1
          %or3A_251 = arith.ori %or3A_250, %eq3A_176 : i1
          %convert_element_type3A_252 = arith.extui %or3A_251 : i1 to i32
          %cond3A_253 = arith.constant 0 : i32
          %cond3A_254 = arith.cmpi ne, %convert_element_type3A_252, %cond3A_253 : i32
          scf.if %cond3A_254 {
            "tpu.trace_start"() <{level = 10 : i32, message = "ep_wait_in"}> : () -> ()
            %mul3A_351 = arith.constant 128 : i32
            %mul3A_352 = arith.muli %mul3A_351, %add3A_180 : i32
            %rem3A_353 = arith.constant 2 : i32
            %rem3A_354 = arith.remui %while3A_169, %rem3A_353 : i32
            %dma_wait3A = arith.constant 0 : i32
            %dma_wait3A_355 = arith.constant 0 : i32
            %dma_wait3A_356 = tpu.memref_slice %run_scoped3A[%rem3A_354, %dma_wait3A, %dma_wait3A_355] : memref<2x128x128xf32, #tpu.memory_space<vmem>> -> memref<1x128x128xf32, #tpu.memory_space<vmem>>
            %dma_wait3A_357 = tpu.memref_squeeze %dma_wait3A_356 : memref<1x128x128xf32, #tpu.memory_space<vmem>> -> memref<128x128xf32, #tpu.memory_space<vmem>>
            %dma_wait3A_358 = arith.constant 0 : i32
            %dma_wait3A_359 = tpu.memref_slice %arg2[%mul3A_352, %dma_wait3A_358] : memref<153600x128xf32, #tpu.memory_space<hbm>> -> memref<128x128xf32, #tpu.memory_space<hbm>>
            %dma_wait3A_360 = tpu.memref_slice %run_scoped3A_20[%rem3A_354] : memref<2x!tpu.dma_semaphore, #tpu.memory_space<semaphore_mem>> -> memref<1x!tpu.dma_semaphore, #tpu.memory_space<semaphore_mem>>
            %dma_wait3A_361 = tpu.memref_squeeze %dma_wait3A_360 : memref<1x!tpu.dma_semaphore, #tpu.memory_space<semaphore_mem>> -> memref<!tpu.dma_semaphore, #tpu.memory_space<semaphore_mem>>
            %dma_wait3A_362 = arith.constant 0 : i32
            %dma_wait3A_363 = arith.constant 0 : i32
            %dma_wait3A_364 = tpu.memref_slice %run_scoped3A[%rem3A_354, %dma_wait3A_362, %dma_wait3A_363] : memref<2x128x128xf32, #tpu.memory_space<vmem>> -> memref<1x128x128xf32, #tpu.memory_space<vmem>>
            %dma_wait3A_365 = tpu.memref_squeeze %dma_wait3A_364 : memref<1x128x128xf32, #tpu.memory_space<vmem>> -> memref<128x128xf32, #tpu.memory_space<vmem>>
            %dma_wait3A_366 = arith.constant 0 : i32
            %dma_wait3A_367 = tpu.memref_slice %arg2[%mul3A_352, %dma_wait3A_366] : memref<153600x128xf32, #tpu.memory_space<hbm>> -> memref<128x128xf32, #tpu.memory_space<hbm>>
            tpu.wait_dma2 semaphore(%dma_wait3A_361 : memref<!tpu.dma_semaphore, #tpu.memory_space<semaphore_mem>>) src(%dma_wait3A_367 : memref<128x128xf32, #tpu.memory_space<hbm>>) dst(%dma_wait3A_365 : memref<128x128xf32, #tpu.memory_space<vmem>>)
            "tpu.trace_stop"() : () -> ()
          } else {
          }
          %add3A_255 = arith.constant 1300 : i32
          %add3A_256 = arith.addi %add3A_180, %add3A_255 : i32
          %add3A_257 = arith.constant 1300 : i32
          %add3A_258 = arith.addi %add3A_190, %add3A_257 : i32
          %ne3A_259 = arith.cmpi ne, %add3A_256, %add3A_258 : i32
          %or3A_260 = arith.constant false
          %or3A_261 = arith.ori %or3A_260, %ne3A_259 : i1
          %or3A_262 = arith.ori %or3A_261, %eq3A_176 : i1
          %convert_element_type3A_263 = arith.extui %or3A_262 : i1 to i32
          %cond3A_264 = arith.constant 0 : i32
          %cond3A_265 = arith.cmpi ne, %convert_element_type3A_263, %cond3A_264 : i32
          scf.if %cond3A_265 {
            "tpu.trace_start"() <{level = 10 : i32, message = "ep_wait_in"}> : () -> ()
            %add3A_351 = arith.constant 1300 : i32
            %add3A_352 = arith.addi %add3A_180, %add3A_351 : i32
            %mul3A_353 = arith.constant 128 : i32
            %mul3A_354 = arith.muli %mul3A_353, %add3A_352 : i32
            %rem3A_355 = arith.constant 2 : i32
            %rem3A_356 = arith.remui %while3A_171, %rem3A_355 : i32
            %mul3A_357 = arith.constant 128 : i32
            %mul3A_358 = arith.muli %rem3A_356, %mul3A_357 : i32
            %add3A_359 = arith.constant 0 : i32
            %add3A_360 = arith.addi %mul3A_358, %add3A_359 : i32
            %dma_wait3A = tpu.memref_slice %run_scoped3A_21[%add3A_360] : memref<256xi32, #tpu.memory_space<vmem>> -> memref<128xi32, #tpu.memory_space<vmem>>
            %dma_wait3A_361 = tpu.memref_slice %arg3[%mul3A_354] : memref<320000xi32, #tpu.memory_space<hbm>> -> memref<128xi32, #tpu.memory_space<hbm>>
            %dma_wait3A_362 = tpu.memref_slice %run_scoped3A_22[%rem3A_356] : memref<2x!tpu.dma_semaphore, #tpu.memory_space<semaphore_mem>> -> memref<1x!tpu.dma_semaphore, #tpu.memory_space<semaphore_mem>>
            %dma_wait3A_363 = tpu.memref_squeeze %dma_wait3A_362 : memref<1x!tpu.dma_semaphore, #tpu.memory_space<semaphore_mem>> -> memref<!tpu.dma_semaphore, #tpu.memory_space<semaphore_mem>>
            %dma_wait3A_364 = tpu.memref_slice %run_scoped3A_21[%add3A_360] : memref<256xi32, #tpu.memory_space<vmem>> -> memref<128xi32, #tpu.memory_space<vmem>>
            %dma_wait3A_365 = tpu.memref_slice %arg3[%mul3A_354] : memref<320000xi32, #tpu.memory_space<hbm>> -> memref<128xi32, #tpu.memory_space<hbm>>
            tpu.wait_dma2 semaphore(%dma_wait3A_363 : memref<!tpu.dma_semaphore, #tpu.memory_space<semaphore_mem>>) src(%dma_wait3A_365 : memref<128xi32, #tpu.memory_space<hbm>>) dst(%dma_wait3A_364 : memref<128xi32, #tpu.memory_space<vmem>>)
            "tpu.trace_stop"() : () -> ()
          } else {
          }
          %rem3A_266 = arith.constant 2 : i32
          %rem3A_267 = arith.remui %while3A_169, %rem3A_266 : i32
          %rem3A_268 = arith.constant 2 : i32
          %rem3A_269 = arith.remui %while3A_171, %rem3A_268 : i32
          %mul3A_270 = arith.constant 128 : i32
          %mul3A_271 = arith.muli %rem3A_269, %mul3A_270 : i32
          "tpu.trace_start"() <{level = 10 : i32, message = "ep_run_kernel"}> : () -> ()
          "tpu.region"() ({
            %run_scoped3A_351 = tpu.sem_alloc : memref<!tpu.dma_semaphore, #tpu.memory_space<semaphore_mem>>
            %dma_start3A_352 = arith.constant 0 : i32
            %dma_start3A_353 = arith.constant 0 : i32
            %dma_start3A_354 = tpu.memref_slice %run_scoped3A[%rem3A_267, %dma_start3A_352, %dma_start3A_353] : memref<2x128x128xf32, #tpu.memory_space<vmem>> -> memref<1x128x128xf32, #tpu.memory_space<vmem>>
            %dma_start3A_355 = tpu.memref_squeeze %dma_start3A_354 : memref<1x128x128xf32, #tpu.memory_space<vmem>> -> memref<128x128xf32, #tpu.memory_space<vmem>>
            %dma_start3A_356 = tpu.memref_slice %run_scoped3A_21[%mul3A_271] : memref<256xi32, #tpu.memory_space<vmem>> -> memref<128xi32, #tpu.memory_space<vmem>>
            %dma_start3A_357 = arith.constant 0 : i32
            %dma_start3A_358 = arith.constant 0 : i32
            %dma_start3A_359 = tpu.memref_slice %arg6[%dma_start3A_357, %dma_start3A_358] : memref<10240x128xf32, #tpu.memory_space<vmem_shared>> -> memref<10240x128xf32, #tpu.memory_space<vmem_shared>>
            tpu.enqueue_indirect_dma source(%dma_start3A_355 : memref<128x128xf32, #tpu.memory_space<vmem>>) target(%dma_start3A_359 : memref<10240x128xf32, #tpu.memory_space<vmem_shared>>) offsets(%dma_start3A_356 : memref<128xi32, #tpu.memory_space<vmem>>) semaphore(%run_scoped3A_351 : memref<!tpu.dma_semaphore, #tpu.memory_space<semaphore_mem>>) {add = true}
            %dma_wait3A = arith.constant 0 : i32
            %dma_wait3A_360 = arith.constant 0 : i32
            %dma_wait3A_361 = tpu.memref_slice %run_scoped3A[%rem3A_267, %dma_wait3A, %dma_wait3A_360] : memref<2x128x128xf32, #tpu.memory_space<vmem>> -> memref<1x128x128xf32, #tpu.memory_space<vmem>>
            %dma_wait3A_362 = tpu.memref_squeeze %dma_wait3A_361 : memref<1x128x128xf32, #tpu.memory_space<vmem>> -> memref<128x128xf32, #tpu.memory_space<vmem>>
            %dma_wait3A_363 = tpu.memref_slice %run_scoped3A_21[%mul3A_271] : memref<256xi32, #tpu.memory_space<vmem>> -> memref<128xi32, #tpu.memory_space<vmem>>
            %dma_wait3A_364 = arith.constant 0 : i32
            %dma_wait3A_365 = arith.constant 0 : i32
            %dma_wait3A_366 = tpu.memref_slice %arg6[%dma_wait3A_364, %dma_wait3A_365] : memref<10240x128xf32, #tpu.memory_space<vmem_shared>> -> memref<10240x128xf32, #tpu.memory_space<vmem_shared>>
            tpu.wait_indirect_dma semaphore(%run_scoped3A_351 : memref<!tpu.dma_semaphore, #tpu.memory_space<semaphore_mem>>) src(%dma_wait3A_362 : memref<128x128xf32, #tpu.memory_space<vmem>>) dst(%dma_wait3A_366 : memref<10240x128xf32, #tpu.memory_space<vmem_shared>>)
            tpu.yield
          }) : () -> ()
          "tpu.trace_stop"() : () -> ()
          %ne3A_272 = arith.cmpi ne, %add3A_180, %add3A_198 : i32
          %or3A_273 = arith.constant false
          %or3A_274 = arith.ori %or3A_273, %ne3A_272 : i1
          %or3A_275 = arith.constant false
          %or3A_276 = arith.ori %or3A_274, %or3A_275 : i1
          %or3A_277 = arith.ori %or3A_276, %eq3A_179 : i1
          %convert_element_type3A_278 = arith.extui %or3A_277 : i1 to i32
          %cond3A_279 = arith.constant 0 : i32
          %cond3A_280 = arith.cmpi ne, %convert_element_type3A_278, %cond3A_279 : i32
          scf.if %cond3A_280 {
          } else {
          }
          %and3A_281 = arith.constant false
          %and3A_282 = arith.andi %or3A_277, %and3A_281 : i1
          %add3A_283 = arith.constant 1300 : i32
          %add3A_284 = arith.addi %add3A_180, %add3A_283 : i32
          %add3A_285 = arith.constant 1300 : i32
          %add3A_286 = arith.addi %add3A_198, %add3A_285 : i32
          %ne3A_287 = arith.cmpi ne, %add3A_284, %add3A_286 : i32
          %or3A_288 = arith.constant false
          %or3A_289 = arith.ori %or3A_288, %ne3A_287 : i1
          %or3A_290 = arith.ori %or3A_289, %eq3A_179 : i1
          %convert_element_type3A_291 = arith.extui %or3A_290 : i1 to i32
          %cond3A_292 = arith.constant 0 : i32
          %cond3A_293 = arith.cmpi ne, %convert_element_type3A_291, %cond3A_292 : i32
          scf.if %cond3A_293 {
          } else {
          }
          %and3A_294 = arith.constant false
          %and3A_295 = arith.andi %or3A_290, %and3A_294 : i1
          %ne3A_296 = arith.cmpi ne, %add3A_180, %add3A_190 : i32
          %or3A_297 = arith.constant false
          %or3A_298 = arith.ori %or3A_297, %ne3A_296 : i1
          %or3A_299 = arith.constant false
          %or3A_300 = arith.ori %or3A_298, %or3A_299 : i1
          %not3A_301 = arith.constant true
          %not3A_302 = arith.xori %eq3A_176, %not3A_301 : i1
          %and3A_303 = arith.andi %or3A_300, %not3A_302 : i1
          %convert_element_type3A_304 = arith.extui %and3A_303 : i1 to i32
          %cond3A_305 = arith.constant 0 : i32
          %cond3A_306 = arith.cmpi ne, %convert_element_type3A_304, %cond3A_305 : i32
          scf.if %cond3A_306 {
          } else {
          }
          %and3A_307 = arith.constant false
          %and3A_308 = arith.andi %and3A_303, %and3A_307 : i1
          %add3A_309 = arith.constant 1300 : i32
          %add3A_310 = arith.addi %add3A_180, %add3A_309 : i32
          %add3A_311 = arith.constant 1300 : i32
          %add3A_312 = arith.addi %add3A_190, %add3A_311 : i32
          %ne3A_313 = arith.cmpi ne, %add3A_310, %add3A_312 : i32
          %or3A_314 = arith.constant false
          %or3A_315 = arith.ori %or3A_314, %ne3A_313 : i1
          %not3A_316 = arith.constant true
          %not3A_317 = arith.xori %eq3A_176, %not3A_316 : i1
          %and3A_318 = arith.andi %or3A_315, %not3A_317 : i1
          %convert_element_type3A_319 = arith.extui %and3A_318 : i1 to i32
          %cond3A_320 = arith.constant 0 : i32
          %cond3A_321 = arith.cmpi ne, %convert_element_type3A_319, %cond3A_320 : i32
          scf.if %cond3A_321 {
          } else {
          }
          %and3A_322 = arith.constant false
          %and3A_323 = arith.andi %and3A_318, %and3A_322 : i1
          %ne3A_324 = arith.cmpi ne, %add3A_180, %add3A_198 : i32
          %or3A_325 = arith.constant false
          %or3A_326 = arith.ori %or3A_325, %ne3A_324 : i1
          %or3A_327 = arith.constant false
          %or3A_328 = arith.ori %or3A_326, %or3A_327 : i1
          %or3A_329 = arith.ori %or3A_328, %eq3A_179 : i1
          %add3A_330 = arith.constant 1 : i32
          %add3A_331 = arith.addi %while3A_169, %add3A_330 : i32
          %select_n3A_332 = arith.select %or3A_329, %add3A_331, %while3A_169 : i32
          %add3A_333 = arith.constant 1300 : i32
          %add3A_334 = arith.addi %add3A_180, %add3A_333 : i32
          %add3A_335 = arith.constant 1300 : i32
          %add3A_336 = arith.addi %add3A_198, %add3A_335 : i32
          %ne3A_337 = arith.cmpi ne, %add3A_334, %add3A_336 : i32
          %or3A_338 = arith.constant false
          %or3A_339 = arith.ori %or3A_338, %ne3A_337 : i1
          %or3A_340 = arith.ori %or3A_339, %eq3A_179 : i1
          %add3A_341 = arith.constant 1 : i32
          %add3A_342 = arith.addi %while3A_171, %add3A_341 : i32
          %select_n3A_343 = arith.select %or3A_340, %add3A_342, %while3A_171 : i32
          %add3A_344 = arith.constant 1 : i32
          %add3A_345 = arith.addi %while3A_172, %add3A_344 : i32
          %select_n3A_346 = arith.constant true
          %select_n3A_347 = arith.select %select_n3A_346, %add3A_345, %while3A_172 : i32
          %eq3A_348 = arith.cmpi eq, %select_n3A_347, %select_n3A : i32
          %select_n3A_349 = arith.constant 0 : i32
          %select_n3A_350 = arith.select %eq3A_348, %select_n3A_349, %select_n3A_347 : i32
          scf.yield %select_n3A_222, %select_n3A_332, %select_n3A_245, %select_n3A_343, %select_n3A_350 : i32, i32, i32, i32, i32
        }
        %sub3A_116 = arith.constant 1 : i32
        %sub3A_117 = arith.subi %while3A_115#4, %sub3A_116 : i32
        %select_n3A_118 = arith.constant true
        %select_n3A_119 = arith.select %select_n3A_118, %sub3A_117, %while3A_115#4 : i32
        %eq3A_120 = arith.constant -1 : i32
        %eq3A_121 = arith.cmpi eq, %select_n3A_119, %eq3A_120 : i32
        %sub3A_122 = arith.constant 1 : i32
        %sub3A_123 = arith.subi %select_n3A, %sub3A_122 : i32
        %select_n3A_124 = arith.select %eq3A_121, %sub3A_123, %select_n3A_119 : i32
        %sub3A_125 = arith.constant 1 : i32
        %sub3A_126 = arith.subi %mul3A_18, %sub3A_125 : i32
        %mul3A_127 = arith.constant 1 : i32
        %mul3A_128 = arith.muli %mul3A_127, %select_n3A : i32
        %eq3A_129 = arith.constant 0 : i32
        %eq3A_130 = arith.cmpi eq, %sub3A_126, %eq3A_129 : i32
        %sub3A_131 = arith.constant 1 : i32
        %sub3A_132 = arith.subi %mul3A_128, %sub3A_131 : i32
        %eq3A_133 = arith.cmpi eq, %sub3A_126, %sub3A_132 : i32
        %add3A_134 = arith.addi %select_n3A_124, %select_n3A_16 : i32
        %sub3A_135 = arith.constant 1 : i32
        %sub3A_136 = arith.subi %select_n3A_124, %sub3A_135 : i32
        %select_n3A_137 = arith.constant true
        %select_n3A_138 = arith.select %select_n3A_137, %sub3A_136, %select_n3A_124 : i32
        %eq3A_139 = arith.constant -1 : i32
        %eq3A_140 = arith.cmpi eq, %select_n3A_138, %eq3A_139 : i32
        %sub3A_141 = arith.constant 1 : i32
        %sub3A_142 = arith.subi %select_n3A, %sub3A_141 : i32
        %select_n3A_143 = arith.select %eq3A_140, %sub3A_142, %select_n3A_138 : i32
        %add3A_144 = arith.addi %select_n3A_143, %select_n3A_16 : i32
        %add3A_145 = arith.constant 1 : i32
        %add3A_146 = arith.addi %select_n3A_124, %add3A_145 : i32
        %select_n3A_147 = arith.constant true
        %select_n3A_148 = arith.select %select_n3A_147, %add3A_146, %select_n3A_124 : i32
        %eq3A_149 = arith.cmpi eq, %select_n3A_148, %select_n3A : i32
        %select_n3A_150 = arith.constant 0 : i32
        %select_n3A_151 = arith.select %eq3A_149, %select_n3A_150, %select_n3A_148 : i32
        %add3A_152 = arith.addi %select_n3A_151, %select_n3A_16 : i32
        %add3A_153 = arith.constant 1 : i32
        %add3A_154 = arith.addi %select_n3A_151, %add3A_153 : i32
        %select_n3A_155 = arith.constant true
        %select_n3A_156 = arith.select %select_n3A_155, %add3A_154, %select_n3A_151 : i32
        %eq3A_157 = arith.cmpi eq, %select_n3A_156, %select_n3A : i32
        %select_n3A_158 = arith.constant 0 : i32
        %select_n3A_159 = arith.select %eq3A_157, %select_n3A_158, %select_n3A_156 : i32
        %add3A_160 = arith.addi %select_n3A_159, %select_n3A_16 : i32
        %convert_element_type3A_161 = arith.extui %eq3A_133 : i1 to i32
        %cond3A_162 = arith.constant 0 : i32
        %cond3A_163 = arith.cmpi ne, %convert_element_type3A_161, %cond3A_162 : i32
        scf.if %cond3A_163 {
        } else {
        }
        %convert_element_type3A_164 = arith.extui %eq3A_133 : i1 to i32
        %cond3A_165 = arith.constant 0 : i32
        %cond3A_166 = arith.cmpi ne, %convert_element_type3A_164, %cond3A_165 : i32
        scf.if %cond3A_166 {
        } else {
        }
      } else {
      }
      tpu.yield
    }) : () -> ()
    %barrier3A_19 = arith.constant 0 : index
    tpu.barrier barrier_id(%barrier3A_19)
    "tpu.region"() ({
      %run_scoped3A = tpu.sem_alloc : memref<!tpu.dma_semaphore, #tpu.memory_space<semaphore_mem>>
      %dma_start3A = arith.constant 0 : i32
      %dma_start3A_20 = arith.constant 0 : i32
      %dma_start3A_21 = tpu.memref_slice %arg5[%arg0, %dma_start3A, %dma_start3A_20] : memref<2x10240x128xf32, #tpu.memory_space<hbm>> -> memref<1x10240x128xf32, #tpu.memory_space<hbm>>
      %dma_start3A_22 = tpu.memref_squeeze %dma_start3A_21 : memref<1x10240x128xf32, #tpu.memory_space<hbm>> -> memref<10240x128xf32, #tpu.memory_space<hbm>>
      %dma_start3A_23 = arith.constant 0 : i32
      %dma_start3A_24 = tpu.memref_slice %dma_start3A_22[%mul3A_0, %dma_start3A_23] : memref<10240x128xf32, #tpu.memory_space<hbm>> -> memref<640x128xf32, #tpu.memory_space<hbm>>
      %dma_start3A_25 = arith.constant 0 : i32
      %dma_start3A_26 = tpu.memref_slice %arg6[%mul3A_0, %dma_start3A_25] : memref<10240x128xf32, #tpu.memory_space<vmem_shared>> -> memref<640x128xf32, #tpu.memory_space<vmem_shared>>
      tpu.enqueue_dma source(%dma_start3A_26 : memref<640x128xf32, #tpu.memory_space<vmem_shared>>) target(%dma_start3A_24 : memref<640x128xf32, #tpu.memory_space<hbm>>) target_semaphore(%run_scoped3A : memref<!tpu.dma_semaphore, #tpu.memory_space<semaphore_mem>>)
      %dma_wait3A = arith.constant 0 : i32
      %dma_wait3A_27 = arith.constant 0 : i32
      %dma_wait3A_28 = tpu.memref_slice %arg5[%arg0, %dma_wait3A, %dma_wait3A_27] : memref<2x10240x128xf32, #tpu.memory_space<hbm>> -> memref<1x10240x128xf32, #tpu.memory_space<hbm>>
      %dma_wait3A_29 = tpu.memref_squeeze %dma_wait3A_28 : memref<1x10240x128xf32, #tpu.memory_space<hbm>> -> memref<10240x128xf32, #tpu.memory_space<hbm>>
      %dma_wait3A_30 = arith.constant 0 : i32
      %dma_wait3A_31 = tpu.memref_slice %dma_wait3A_29[%mul3A_0, %dma_wait3A_30] : memref<10240x128xf32, #tpu.memory_space<hbm>> -> memref<640x128xf32, #tpu.memory_space<hbm>>
      %dma_wait3A_32 = arith.constant 0 : i32
      %dma_wait3A_33 = tpu.memref_slice %arg6[%mul3A_0, %dma_wait3A_32] : memref<10240x128xf32, #tpu.memory_space<vmem_shared>> -> memref<640x128xf32, #tpu.memory_space<vmem_shared>>
      tpu.wait_dma2 semaphore(%run_scoped3A : memref<!tpu.dma_semaphore, #tpu.memory_space<semaphore_mem>>) src(%dma_wait3A_33 : memref<640x128xf32, #tpu.memory_space<vmem_shared>>) dst(%dma_wait3A_31 : memref<640x128xf32, #tpu.memory_space<hbm>>)
      tpu.yield
    }) : () -> ()
    return
  }
}

module attributes {stable_mosaic.version = 14 : i64} {
  func.func @_edge_feats_body(%arg0: i32, %arg1: memref<1x1x12800xf32, #tpu.memory_space<vmem>>, %arg2: memref<1x1x12800xi32, #tpu.memory_space<vmem>>, %arg3: memref<64x128xbf16, #tpu.memory_space<vmem>>, %arg4: memref<128x128xbf16, #tpu.memory_space<vmem>>, %arg5: memref<12800x128xf32, #tpu.memory_space<vmem>>) attributes {dimension_semantics = [#tpu.dimension_semantics<parallel>], iteration_bounds = array<i64: 13>, scalar_prefetch = 0 : i64, scratch_operands = 0 : i64, tpu.core_type = #tpu.core_type<tc>, window_params = [{transform_indices = @transform_0, window_bounds = array<i64: 1, 1, 12800>}, {transform_indices = @transform_1, window_bounds = array<i64: 1, 1, 12800>}, {pipeline_mode = #tpu.pipeline_mode<synchronous>, transform_indices = @transform_2, window_bounds = array<i64: 64, 128>}, {pipeline_mode = #tpu.pipeline_mode<synchronous>, transform_indices = @transform_3, window_bounds = array<i64: 128, 128>}, {transform_indices = @transform_4, window_bounds = array<i64: 12800, 128>}]} {
    %get3A = arith.constant 0 : index
    %get3A_0 = arith.constant 0 : index
    %get3A_1 = arith.constant 0 : index
    %get3A_2 = vector.load %arg1[%get3A, %get3A_0, %get3A_1] : memref<1x1x12800xf32, #tpu.memory_space<vmem>>, vector<1x1x12800xf32>
    %get3A_3 = vector.shape_cast %get3A_2 : vector<1x1x12800xf32> to vector<1x12800xf32>
    %iota3A = tpu.iota {dimensions = array<i32: 0>} : vector<64x1xi32>
    %convert_element_type3A = arith.sitofp %iota3A : vector<64x1xi32> to vector<64x1xf32>
    %mul3A = arith.constant 0.079365082 : f32
    %mul3A_4 = vector.broadcast %mul3A : f32 to vector<64x1xf32>
    %mul3A_5 = arith.mulf %convert_element_type3A, %mul3A_4 : vector<64x1xf32>
    %sub3A = vector.broadcast %get3A_3 : vector<1x12800xf32> to vector<64x12800xf32>
    %sub3A_6 = vector.broadcast %mul3A_5 : vector<64x1xf32> to vector<64x12800xf32>
    %sub3A_7 = arith.subf %sub3A, %sub3A_6 : vector<64x12800xf32>
    %mul3A_8 = arith.constant 1.260000e+01 : f32
    %mul3A_9 = vector.broadcast %mul3A_8 : f32 to vector<64x12800xf32>
    %mul3A_10 = arith.mulf %sub3A_7, %mul3A_9 : vector<64x12800xf32>
    %mul3A_11 = arith.constant -5.000000e-01 : f32
    %mul3A_12 = vector.broadcast %mul3A_11 : f32 to vector<64x12800xf32>
    %mul3A_13 = arith.mulf %mul3A_12, %mul3A_10 : vector<64x12800xf32>
    %mul3A_14 = arith.mulf %mul3A_13, %mul3A_10 : vector<64x12800xf32>
    %exp3A = math.exp %mul3A_14 : vector<64x12800xf32>
    %mul3A_15 = arith.constant 0.314159274 : f32
    %mul3A_16 = vector.broadcast %mul3A_15 : f32 to vector<1x12800xf32>
    %mul3A_17 = arith.mulf %get3A_3, %mul3A_16 : vector<1x12800xf32>
    %mul3A_18 = arith.mulf %mul3A_17, %mul3A_17 : vector<1x12800xf32>
    %mul3A_19 = arith.constant 2.75573188E-6 : f32
    %mul3A_20 = vector.broadcast %mul3A_19 : f32 to vector<1x12800xf32>
    %mul3A_21 = arith.mulf %mul3A_18, %mul3A_20 : vector<1x12800xf32>
    %add3A = arith.constant -1.98412701E-4 : f32
    %add3A_22 = vector.broadcast %add3A : f32 to vector<1x12800xf32>
    %add3A_23 = arith.addf %add3A_22, %mul3A_21 : vector<1x12800xf32>
    %mul3A_24 = arith.mulf %mul3A_18, %add3A_23 : vector<1x12800xf32>
    %add3A_25 = arith.constant 0.00833333377 : f32
    %add3A_26 = vector.broadcast %add3A_25 : f32 to vector<1x12800xf32>
    %add3A_27 = arith.addf %add3A_26, %mul3A_24 : vector<1x12800xf32>
    %mul3A_28 = arith.mulf %mul3A_18, %add3A_27 : vector<1x12800xf32>
    %add3A_29 = arith.constant -0.166666672 : f32
    %add3A_30 = vector.broadcast %add3A_29 : f32 to vector<1x12800xf32>
    %add3A_31 = arith.addf %add3A_30, %mul3A_28 : vector<1x12800xf32>
    %mul3A_32 = arith.mulf %mul3A_18, %add3A_31 : vector<1x12800xf32>
    %add3A_33 = arith.constant 1.000000e+00 : f32
    %add3A_34 = vector.broadcast %add3A_33 : f32 to vector<1x12800xf32>
    %add3A_35 = arith.addf %add3A_34, %mul3A_32 : vector<1x12800xf32>
    %mul3A_36 = arith.mulf %mul3A_17, %add3A_35 : vector<1x12800xf32>
    %lt3A = arith.constant 5.000000e+00 : f32
    %lt3A_37 = vector.broadcast %lt3A : f32 to vector<1x12800xf32>
    %lt3A_38 = arith.cmpf olt, %get3A_3, %lt3A_37 : vector<1x12800xf32>
    %mul3A_39 = arith.mulf %mul3A_36, %mul3A_36 : vector<1x12800xf32>
    %sub3A_40 = arith.constant 1.000000e+00 : f32
    %sub3A_41 = vector.broadcast %sub3A_40 : f32 to vector<1x12800xf32>
    %sub3A_42 = arith.subf %sub3A_41, %mul3A_39 : vector<1x12800xf32>
    %jit3A = arith.constant 0.000000e+00 : f32
    %broadcast_in_dim3A = vector.broadcast %jit3A : f32 to vector<1x12800xf32>
    %select_n3A = arith.select %lt3A_38, %sub3A_42, %broadcast_in_dim3A : vector<1x12800xi1>, vector<1x12800xf32>
    %mul3A_43 = vector.broadcast %select_n3A : vector<1x12800xf32> to vector<64x12800xf32>
    %mul3A_44 = arith.mulf %exp3A, %mul3A_43 : vector<64x12800xf32>
    %convert_element_type3A_45 = arith.truncf %mul3A_44 : vector<64x12800xf32> to vector<64x12800xbf16>
    %get3A_46 = arith.constant 0 : index
    %get3A_47 = arith.constant 0 : index
    %get3A_48 = vector.load %arg3[%get3A_46, %get3A_47] : memref<64x128xbf16, #tpu.memory_space<vmem>>, vector<64x128xbf16>
    %dot_general3A = arith.constant dense<0.000000e+00> : vector<12800x128xf32>
    %dot_general3A_49 = tpu.matmul %convert_element_type3A_45, %get3A_48, %dot_general3A {dimension_numbers = #tpu.dot_dimension_numbers<[0], [0], [1], [1], [0, 1, 1, 1], [], []>, transpose_lhs_hint = false} : vector<64x12800xbf16>, vector<64x128xbf16>, vector<12800x128xf32> -> vector<12800x128xf32>
    %get3A_50 = arith.constant 0 : index
    %get3A_51 = arith.constant 0 : index
    %get3A_52 = arith.constant 0 : index
    %get3A_53 = vector.load %arg2[%get3A_50, %get3A_51, %get3A_52] : memref<1x1x12800xi32, #tpu.memory_space<vmem>>, vector<1x1x12800xi32>
    %get3A_54 = vector.shape_cast %get3A_53 : vector<1x1x12800xi32> to vector<1x12800xi32>
    %iota3A_55 = tpu.iota {dimensions = array<i32: 0>} : vector<128x1xi32>
    %eq3A = vector.broadcast %iota3A_55 : vector<128x1xi32> to vector<128x12800xi32>
    %eq3A_56 = vector.broadcast %get3A_54 : vector<1x12800xi32> to vector<128x12800xi32>
    %eq3A_57 = arith.cmpi eq, %eq3A, %eq3A_56 : vector<128x12800xi32>
    %convert_element_type3A_58 = arith.extui %eq3A_57 : vector<128x12800xi1> to vector<128x12800xi32>
    %convert_element_type3A_59 = arith.sitofp %convert_element_type3A_58 : vector<128x12800xi32> to vector<128x12800xf32>
    %convert_element_type3A_60 = arith.truncf %convert_element_type3A_59 : vector<128x12800xf32> to vector<128x12800xbf16>
    %get3A_61 = arith.constant 0 : index
    %get3A_62 = arith.constant 0 : index
    %get3A_63 = vector.load %arg4[%get3A_61, %get3A_62] : memref<128x128xbf16, #tpu.memory_space<vmem>>, vector<128x128xbf16>
    %dot_general3A_64 = arith.constant dense<0.000000e+00> : vector<12800x128xf32>
    %dot_general3A_65 = tpu.matmul %convert_element_type3A_60, %get3A_63, %dot_general3A_64 {dimension_numbers = #tpu.dot_dimension_numbers<[0], [0], [1], [1], [0, 1, 1, 1], [], []>, transpose_lhs_hint = false} : vector<128x12800xbf16>, vector<128x128xbf16>, vector<12800x128xf32> -> vector<12800x128xf32>
    %mul3A_66 = arith.mulf %dot_general3A_49, %dot_general3A_65 : vector<12800x128xf32>
    %swap3A = arith.constant 0 : index
    %swap3A_67 = arith.constant 0 : index
    %swap3A_68 = vector.load %arg5[%swap3A, %swap3A_67] : memref<12800x128xf32, #tpu.memory_space<vmem>>, vector<12800x128xf32>
    tpu.vector_store %arg5[%swap3A, %swap3A_67], %mul3A_66 {strides = array<i32>} : memref<12800x128xf32, #tpu.memory_space<vmem>>, vector<12800x128xf32>,
    return
  }
  func.func @transform_0(%arg0: i32) -> (i32, i32, i32) {
    %add3A = arith.constant 0 : i32
    %add3A_0 = arith.addi %arg0, %add3A : i32
    %c0_i32 = arith.constant 0 : i32
    %c0_i32_1 = arith.constant 0 : i32
    %c0_i32_2 = arith.constant 0 : i32
    return %add3A_0, %c0_i32, %c0_i32_1 : i32, i32, i32
  }
  func.func @transform_1(%arg0: i32) -> (i32, i32, i32) {
    %add3A = arith.constant 0 : i32
    %add3A_0 = arith.addi %arg0, %add3A : i32
    %c0_i32 = arith.constant 0 : i32
    %c0_i32_1 = arith.constant 0 : i32
    %c0_i32_2 = arith.constant 0 : i32
    return %add3A_0, %c0_i32, %c0_i32_1 : i32, i32, i32
  }
  func.func @transform_2(%arg0: i32) -> (i32, i32) {
    %c0_i32 = arith.constant 0 : i32
    %c0_i32_0 = arith.constant 0 : i32
    %c0_i32_1 = arith.constant 0 : i32
    return %c0_i32, %c0_i32_0 : i32, i32
  }
  func.func @transform_3(%arg0: i32) -> (i32, i32) {
    %c0_i32 = arith.constant 0 : i32
    %c0_i32_0 = arith.constant 0 : i32
    %c0_i32_1 = arith.constant 0 : i32
    return %c0_i32, %c0_i32_0 : i32, i32
  }
  func.func @transform_4(%arg0: i32) -> (i32, i32) {
    %c0_i32 = arith.constant 0 : i32
    %c0_i32_0 = arith.constant 0 : i32
    return %arg0, %c0_i32 : i32, i32
  }
}

module attributes {stable_mosaic.version = 14 : i64} {
  func.func @_edge_feats_body(%arg0: i32, %arg1: memref<1x1x12800xf32, #tpu.memory_space<vmem>>, %arg2: memref<1x1x12800xi32, #tpu.memory_space<vmem>>, %arg3: memref<64x128xbf16, #tpu.memory_space<vmem>>, %arg4: memref<128x128xbf16, #tpu.memory_space<vmem>>, %arg5: memref<12800x128xf32, #tpu.memory_space<vmem>>) attributes {dimension_semantics = [#tpu.dimension_semantics<parallel>], iteration_bounds = array<i64: 12>, scalar_prefetch = 0 : i64, scratch_operands = 0 : i64, tpu.core_type = #tpu.core_type<tc>, window_params = [{transform_indices = @transform_0, window_bounds = array<i64: 1, 1, 12800>}, {transform_indices = @transform_1, window_bounds = array<i64: 1, 1, 12800>}, {pipeline_mode = #tpu.pipeline_mode<synchronous>, transform_indices = @transform_2, window_bounds = array<i64: 64, 128>}, {pipeline_mode = #tpu.pipeline_mode<synchronous>, transform_indices = @transform_3, window_bounds = array<i64: 128, 128>}, {transform_indices = @transform_4, window_bounds = array<i64: 12800, 128>}]} {
    %get3A = arith.constant 0 : index
    %get3A_0 = arith.constant 0 : index
    %get3A_1 = arith.constant 0 : index
    %get3A_2 = vector.load %arg1[%get3A, %get3A_0, %get3A_1] : memref<1x1x12800xf32, #tpu.memory_space<vmem>>, vector<1x1x12800xf32>
    %get3A_3 = vector.shape_cast %get3A_2 : vector<1x1x12800xf32> to vector<1x12800xf32>
    %iota3A = tpu.iota {dimensions = array<i32: 0>} : vector<64x1xi32>
    %convert_element_type3A = arith.sitofp %iota3A : vector<64x1xi32> to vector<64x1xf32>
    %mul3A = arith.constant 0.079365082 : f32
    %mul3A_4 = vector.broadcast %mul3A : f32 to vector<64x1xf32>
    %mul3A_5 = arith.mulf %convert_element_type3A, %mul3A_4 : vector<64x1xf32>
    %sub3A = vector.broadcast %get3A_3 : vector<1x12800xf32> to vector<64x12800xf32>
    %sub3A_6 = vector.broadcast %mul3A_5 : vector<64x1xf32> to vector<64x12800xf32>
    %sub3A_7 = arith.subf %sub3A, %sub3A_6 : vector<64x12800xf32>
    %mul3A_8 = arith.constant 1.260000e+01 : f32
    %mul3A_9 = vector.broadcast %mul3A_8 : f32 to vector<64x12800xf32>
    %mul3A_10 = arith.mulf %sub3A_7, %mul3A_9 : vector<64x12800xf32>
    %mul3A_11 = arith.constant -5.000000e-01 : f32
    %mul3A_12 = vector.broadcast %mul3A_11 : f32 to vector<64x12800xf32>
    %mul3A_13 = arith.mulf %mul3A_12, %mul3A_10 : vector<64x12800xf32>
    %mul3A_14 = arith.mulf %mul3A_13, %mul3A_10 : vector<64x12800xf32>
    %exp3A = math.exp %mul3A_14 : vector<64x12800xf32>
    %mul3A_15 = arith.constant 0.314159274 : f32
    %mul3A_16 = vector.broadcast %mul3A_15 : f32 to vector<1x12800xf32>
    %mul3A_17 = arith.mulf %get3A_3, %mul3A_16 : vector<1x12800xf32>
    %mul3A_18 = arith.mulf %mul3A_17, %mul3A_17 : vector<1x12800xf32>
    %mul3A_19 = arith.constant 2.75573188E-6 : f32
    %mul3A_20 = vector.broadcast %mul3A_19 : f32 to vector<1x12800xf32>
    %mul3A_21 = arith.mulf %mul3A_18, %mul3A_20 : vector<1x12800xf32>
    %add3A = arith.constant -1.98412701E-4 : f32
    %add3A_22 = vector.broadcast %add3A : f32 to vector<1x12800xf32>
    %add3A_23 = arith.addf %add3A_22, %mul3A_21 : vector<1x12800xf32>
    %mul3A_24 = arith.mulf %mul3A_18, %add3A_23 : vector<1x12800xf32>
    %add3A_25 = arith.constant 0.00833333377 : f32
    %add3A_26 = vector.broadcast %add3A_25 : f32 to vector<1x12800xf32>
    %add3A_27 = arith.addf %add3A_26, %mul3A_24 : vector<1x12800xf32>
    %mul3A_28 = arith.mulf %mul3A_18, %add3A_27 : vector<1x12800xf32>
    %add3A_29 = arith.constant -0.166666672 : f32
    %add3A_30 = vector.broadcast %add3A_29 : f32 to vector<1x12800xf32>
    %add3A_31 = arith.addf %add3A_30, %mul3A_28 : vector<1x12800xf32>
    %mul3A_32 = arith.mulf %mul3A_18, %add3A_31 : vector<1x12800xf32>
    %add3A_33 = arith.constant 1.000000e+00 : f32
    %add3A_34 = vector.broadcast %add3A_33 : f32 to vector<1x12800xf32>
    %add3A_35 = arith.addf %add3A_34, %mul3A_32 : vector<1x12800xf32>
    %mul3A_36 = arith.mulf %mul3A_17, %add3A_35 : vector<1x12800xf32>
    %lt3A = arith.constant 5.000000e+00 : f32
    %lt3A_37 = vector.broadcast %lt3A : f32 to vector<1x12800xf32>
    %lt3A_38 = arith.cmpf olt, %get3A_3, %lt3A_37 : vector<1x12800xf32>
    %mul3A_39 = arith.mulf %mul3A_36, %mul3A_36 : vector<1x12800xf32>
    %sub3A_40 = arith.constant 1.000000e+00 : f32
    %sub3A_41 = vector.broadcast %sub3A_40 : f32 to vector<1x12800xf32>
    %sub3A_42 = arith.subf %sub3A_41, %mul3A_39 : vector<1x12800xf32>
    %jit3A = arith.constant 0.000000e+00 : f32
    %broadcast_in_dim3A = vector.broadcast %jit3A : f32 to vector<1x12800xf32>
    %select_n3A = arith.select %lt3A_38, %sub3A_42, %broadcast_in_dim3A : vector<1x12800xi1>, vector<1x12800xf32>
    %mul3A_43 = vector.broadcast %select_n3A : vector<1x12800xf32> to vector<64x12800xf32>
    %mul3A_44 = arith.mulf %exp3A, %mul3A_43 : vector<64x12800xf32>
    %convert_element_type3A_45 = arith.truncf %mul3A_44 : vector<64x12800xf32> to vector<64x12800xbf16>
    %get3A_46 = arith.constant 0 : index
    %get3A_47 = arith.constant 0 : index
    %get3A_48 = vector.load %arg3[%get3A_46, %get3A_47] : memref<64x128xbf16, #tpu.memory_space<vmem>>, vector<64x128xbf16>
    %dot_general3A = arith.constant dense<0.000000e+00> : vector<12800x128xf32>
    %dot_general3A_49 = tpu.matmul %convert_element_type3A_45, %get3A_48, %dot_general3A {dimension_numbers = #tpu.dot_dimension_numbers<[0], [0], [1], [1], [0, 1, 1, 1], [], []>, transpose_lhs_hint = false} : vector<64x12800xbf16>, vector<64x128xbf16>, vector<12800x128xf32> -> vector<12800x128xf32>
    %get3A_50 = arith.constant 0 : index
    %get3A_51 = arith.constant 0 : index
    %get3A_52 = arith.constant 0 : index
    %get3A_53 = vector.load %arg2[%get3A_50, %get3A_51, %get3A_52] : memref<1x1x12800xi32, #tpu.memory_space<vmem>>, vector<1x1x12800xi32>
    %get3A_54 = vector.shape_cast %get3A_53 : vector<1x1x12800xi32> to vector<1x12800xi32>
    %iota3A_55 = tpu.iota {dimensions = array<i32: 0>} : vector<128x1xi32>
    %eq3A = vector.broadcast %iota3A_55 : vector<128x1xi32> to vector<128x12800xi32>
    %eq3A_56 = vector.broadcast %get3A_54 : vector<1x12800xi32> to vector<128x12800xi32>
    %eq3A_57 = arith.cmpi eq, %eq3A, %eq3A_56 : vector<128x12800xi32>
    %convert_element_type3A_58 = arith.extui %eq3A_57 : vector<128x12800xi1> to vector<128x12800xi32>
    %convert_element_type3A_59 = arith.sitofp %convert_element_type3A_58 : vector<128x12800xi32> to vector<128x12800xf32>
    %convert_element_type3A_60 = arith.truncf %convert_element_type3A_59 : vector<128x12800xf32> to vector<128x12800xbf16>
    %get3A_61 = arith.constant 0 : index
    %get3A_62 = arith.constant 0 : index
    %get3A_63 = vector.load %arg4[%get3A_61, %get3A_62] : memref<128x128xbf16, #tpu.memory_space<vmem>>, vector<128x128xbf16>
    %dot_general3A_64 = arith.constant dense<0.000000e+00> : vector<12800x128xf32>
    %dot_general3A_65 = tpu.matmul %convert_element_type3A_60, %get3A_63, %dot_general3A_64 {dimension_numbers = #tpu.dot_dimension_numbers<[0], [0], [1], [1], [0, 1, 1, 1], [], []>, transpose_lhs_hint = false} : vector<128x12800xbf16>, vector<128x128xbf16>, vector<12800x128xf32> -> vector<12800x128xf32>
    %mul3A_66 = arith.mulf %dot_general3A_49, %dot_general3A_65 : vector<12800x128xf32>
    %swap3A = arith.constant 0 : index
    %swap3A_67 = arith.constant 0 : index
    %swap3A_68 = vector.load %arg5[%swap3A, %swap3A_67] : memref<12800x128xf32, #tpu.memory_space<vmem>>, vector<12800x128xf32>
    tpu.vector_store %arg5[%swap3A, %swap3A_67], %mul3A_66 {strides = array<i32>} : memref<12800x128xf32, #tpu.memory_space<vmem>>, vector<12800x128xf32>,
    return
  }
  func.func @transform_0(%arg0: i32) -> (i32, i32, i32) {
    %add3A = arith.constant 13 : i32
    %add3A_0 = arith.addi %arg0, %add3A : i32
    %c0_i32 = arith.constant 0 : i32
    %c0_i32_1 = arith.constant 0 : i32
    %c0_i32_2 = arith.constant 0 : i32
    return %add3A_0, %c0_i32, %c0_i32_1 : i32, i32, i32
  }
  func.func @transform_1(%arg0: i32) -> (i32, i32, i32) {
    %add3A = arith.constant 13 : i32
    %add3A_0 = arith.addi %arg0, %add3A : i32
    %c0_i32 = arith.constant 0 : i32
    %c0_i32_1 = arith.constant 0 : i32
    %c0_i32_2 = arith.constant 0 : i32
    return %add3A_0, %c0_i32, %c0_i32_1 : i32, i32, i32
  }
  func.func @transform_2(%arg0: i32) -> (i32, i32) {
    %c0_i32 = arith.constant 0 : i32
    %c0_i32_0 = arith.constant 0 : i32
    %c0_i32_1 = arith.constant 0 : i32
    return %c0_i32, %c0_i32_0 : i32, i32
  }
  func.func @transform_3(%arg0: i32) -> (i32, i32) {
    %c0_i32 = arith.constant 0 : i32
    %c0_i32_0 = arith.constant 0 : i32
    %c0_i32_1 = arith.constant 0 : i32
    return %c0_i32, %c0_i32_0 : i32, i32
  }
  func.func @transform_4(%arg0: i32) -> (i32, i32) {
    %c0_i32 = arith.constant 0 : i32
    %c0_i32_0 = arith.constant 0 : i32
    return %arg0, %c0_i32 : i32, i32
  }
}

module attributes {stable_mosaic.version = 14 : i64} {
  func.func @_final_body(%arg0: i32, %arg1: memref<2000x1xi32, #tpu.memory_space<vmem>>, %arg2: memref<2x2000x128xf32, #tpu.memory_space<vmem>>, %arg3: memref<128x128xf32, #tpu.memory_space<vmem>>, %arg4: memref<256x128xf32, #tpu.memory_space<vmem>>, %arg5: memref<1x128xf32, #tpu.memory_space<vmem>>, %arg6: memref<2000x128xf32, #tpu.memory_space<vmem>>) attributes {dimension_semantics = [#tpu.dimension_semantics<parallel>], iteration_bounds = array<i64: 5>, scalar_prefetch = 0 : i64, scratch_operands = 0 : i64, tpu.core_type = #tpu.core_type<tc>, window_params = [{transform_indices = @transform_0, window_bounds = array<i64: 2000, 1>}, {transform_indices = @transform_1, window_bounds = array<i64: 2, 2000, 128>}, {pipeline_mode = #tpu.pipeline_mode<synchronous>, transform_indices = @transform_2, window_bounds = array<i64: 128, 128>}, {pipeline_mode = #tpu.pipeline_mode<synchronous>, transform_indices = @transform_3, window_bounds = array<i64: 256, 128>}, {pipeline_mode = #tpu.pipeline_mode<synchronous>, transform_indices = @transform_4, window_bounds = array<i64: 1, 128>}, {transform_indices = @transform_5, window_bounds = array<i64: 2000, 128>}]} {
    %iota3A = tpu.iota {dimensions = array<i32: 1>} : vector<2000x128xi32>
    %get3A = arith.constant 0 : index
    %get3A_0 = arith.constant 0 : index
    %get3A_1 = vector.load %arg1[%get3A, %get3A_0] : memref<2000x1xi32, #tpu.memory_space<vmem>>, vector<2000x1xi32>
    %eq3A = vector.broadcast %get3A_1 : vector<2000x1xi32> to vector<2000x128xi32>
    %eq3A_2 = arith.cmpi eq, %eq3A, %iota3A : vector<2000x128xi32>
    %convert_element_type3A = arith.extui %eq3A_2 : vector<2000x128xi1> to vector<2000x128xi32>
    %convert_element_type3A_3 = arith.sitofp %convert_element_type3A : vector<2000x128xi32> to vector<2000x128xf32>
    %get3A_4 = arith.constant 0 : index
    %get3A_5 = arith.constant 0 : index
    %get3A_6 = vector.load %arg3[%get3A_4, %get3A_5] : memref<128x128xf32, #tpu.memory_space<vmem>>, vector<128x128xf32>
    %get3A_7 = arith.constant 0 : index
    %get3A_8 = arith.constant 0 : index
    %get3A_9 = vector.load %arg4[%get3A_7, %get3A_8] : memref<256x128xf32, #tpu.memory_space<vmem>>, vector<128x128xf32>
    %dot_general3A = arith.constant dense<0.000000e+00> : vector<128x128xf32>
    %dot_general3A_10 = tpu.matmul %get3A_6, %get3A_9, %dot_general3A {dimension_numbers = #tpu.dot_dimension_numbers<[1], [0], [0], [1], [0, 0, 1, 1], [], []>, transpose_lhs_hint = false} : vector<128x128xf32>, vector<128x128xf32>, vector<128x128xf32> -> vector<128x128xf32>
    %get3A_11 = arith.constant 0 : index
    %get3A_12 = arith.constant 0 : index
    %get3A_13 = arith.constant 0 : index
    %get3A_14 = vector.load %arg2[%get3A_11, %get3A_12, %get3A_13] : memref<2x2000x128xf32, #tpu.memory_space<vmem>>, vector<1x2000x128xf32>
    %get3A_15 = vector.shape_cast %get3A_14 : vector<1x2000x128xf32> to vector<2000x128xf32>
    %get3A_16 = arith.constant 1 : index
    %get3A_17 = arith.constant 0 : index
    %get3A_18 = arith.constant 0 : index
    %get3A_19 = vector.load %arg2[%get3A_16, %get3A_17, %get3A_18] : memref<2x2000x128xf32, #tpu.memory_space<vmem>>, vector<1x2000x128xf32>
    %get3A_20 = vector.shape_cast %get3A_19 : vector<1x2000x128xf32> to vector<2000x128xf32>
    %add3A = arith.addf %get3A_15, %get3A_20 : vector<2000x128xf32>
    %dot_general3A_21 = arith.constant dense<0.000000e+00> : vector<2000x128xf32>
    %dot_general3A_22 = tpu.matmul %convert_element_type3A_3, %dot_general3A_10, %dot_general3A_21 {dimension_numbers = #tpu.dot_dimension_numbers<[1], [0], [0], [1], [0, 0, 1, 1], [], []>, transpose_lhs_hint = false} : vector<2000x128xf32>, vector<128x128xf32>, vector<2000x128xf32> -> vector<2000x128xf32>
    %get3A_23 = arith.constant 128 : index
    %get3A_24 = arith.constant 0 : index
    %get3A_25 = vector.load %arg4[%get3A_23, %get3A_24] : memref<256x128xf32, #tpu.memory_space<vmem>>, vector<128x128xf32>
    %dot_general3A_26 = arith.constant dense<0.000000e+00> : vector<2000x128xf32>
    %dot_general3A_27 = tpu.matmul %add3A, %get3A_25, %dot_general3A_26 {dimension_numbers = #tpu.dot_dimension_numbers<[1], [0], [0], [1], [0, 0, 1, 1], [], []>, transpose_lhs_hint = false} : vector<2000x128xf32>, vector<128x128xf32>, vector<2000x128xf32> -> vector<2000x128xf32>
    %add3A_28 = arith.addf %dot_general3A_22, %dot_general3A_27 : vector<2000x128xf32>
    %get3A_29 = arith.constant 0 : index
    %get3A_30 = arith.constant 0 : index
    %get3A_31 = vector.load %arg5[%get3A_29, %get3A_30] : memref<1x128xf32, #tpu.memory_space<vmem>>, vector<1x128xf32>
    %add3A_32 = vector.broadcast %get3A_31 : vector<1x128xf32> to vector<2000x128xf32>
    %add3A_33 = arith.addf %add3A_28, %add3A_32 : vector<2000x128xf32>
    %swap3A = arith.constant 0 : index
    %swap3A_34 = arith.constant 0 : index
    %swap3A_35 = vector.load %arg6[%swap3A, %swap3A_34] : memref<2000x128xf32, #tpu.memory_space<vmem>>, vector<2000x128xf32>
    tpu.vector_store %arg6[%swap3A, %swap3A_34], %add3A_33 {strides = array<i32>} : memref<2000x128xf32, #tpu.memory_space<vmem>>, vector<2000x128xf32>,
    return
  }
  func.func @transform_0(%arg0: i32) -> (i32, i32) {
    %c0_i32 = arith.constant 0 : i32
    %c0_i32_0 = arith.constant 0 : i32
    return %arg0, %c0_i32 : i32, i32
  }
  func.func @transform_1(%arg0: i32) -> (i32, i32, i32) {
    %c0_i32 = arith.constant 0 : i32
    %c0_i32_0 = arith.constant 0 : i32
    %c0_i32_1 = arith.constant 0 : i32
    return %c0_i32, %arg0, %c0_i32_0 : i32, i32, i32
  }
  func.func @transform_2(%arg0: i32) -> (i32, i32) {
    %c0_i32 = arith.constant 0 : i32
    %c0_i32_0 = arith.constant 0 : i32
    %c0_i32_1 = arith.constant 0 : i32
    return %c0_i32, %c0_i32_0 : i32, i32
  }
  func.func @transform_3(%arg0: i32) -> (i32, i32) {
    %c0_i32 = arith.constant 0 : i32
    %c0_i32_0 = arith.constant 0 : i32
    %c0_i32_1 = arith.constant 0 : i32
    return %c0_i32, %c0_i32_0 : i32, i32
  }
  func.func @transform_4(%arg0: i32) -> (i32, i32) {
    %c0_i32 = arith.constant 0 : i32
    %c0_i32_0 = arith.constant 0 : i32
    %c0_i32_1 = arith.constant 0 : i32
    return %c0_i32, %c0_i32_0 : i32, i32
  }
  func.func @transform_5(%arg0: i32) -> (i32, i32) {
    %c0_i32 = arith.constant 0 : i32
    %c0_i32_0 = arith.constant 0 : i32
    return %arg0, %c0_i32 : i32, i32
  }
}

</mosaic_0001>

<sc_bundles>
// kernel: kernel.11.cloned.1.call-start
scs
__scs_entry_jumppad:
0x0: {  	(pc) =	sbr.rel $0x88, $3  }
0x1: {  	(tag) =	ssettag $0x0;
	lr =	simm.s32 $0x1  }
0x2: {  	[smem:$0x3F9A] =	sst lr;
	_ =	strace $0xD0000000  }
0x3: {  	_ = 	snop  }
0x4: {  	_ = 	snop  }
0x5: {  	_ = 	snop  }
0x6: {  	_ = 	snop  }
0x7: {  	_ = 	snop  }
__scs_overlays_trampoline_lowered:
0x8: {  	[smem:$0x3FA9] =	sst s0  }
0x9: {  	[smem:$0x3FAA] =	sst s1  }
0xa: {  	[smem:$0x3FAB] =	sst s2  }
0xb: {  	[smem:$0x3FAC] =	sst s3  }
0xc: {  	[smem:$0x3FAD] =	sst s4  }
0xd: {  	[smem:$0x3FAE] =	sst s5  }
0xe: {  	[smem:$0x3FAF] =	sst s6  }
0xf: {  	[smem:$0x3FB0] =	sst s7  }
0x10: {  	[smem:$0x3FB1] =	sst s8  }
0x11: {  	[smem:$0x3FB2] =	sst s9;
	s0 =	simm.s32 @!p0 $0x0  }
0x12: {  	s1 =	sld [smem:$0x3F98];
	s0 =	simm.s32 @p0 $0x1  }
0x13: {  	[smem:$0x3FB3] =	sst s0;
	s0 =	simm.s32 @!p1 $0x0  }
0x14: {  	s2 =	sld [smem:$0x3F97];
	s0 =	simm.s32 @p1 $0x1  }
0x15: {  	[smem:$0x3FB4] =	sst s0;
	s0 =	simm.s32 @!p2 $0x0  }
0x16: {  	s3 =	sld [smem:$0x3FDB];
	s0 =	simm.s32 @p2 $0x1  }
0x17: {  	s4 =	simm.s32 $0x1BF5;
	[smem:$0x3FB6] =	sst s0  }
0x18: {  	s0 =	sld [smem:$0x3F99];
	_ =	swait.ge [sflag:s4], $0x0  }
0x19: {  	s7 =	sld [smem:$0x3F9A]  }
0x1a: {  	s8 =	sadd.s32 $0xFFFFE003, lr  }
0x1b: {  	s9 =	sadd.s32 $0xFFFFFEF7, lr;
	s5 =	simm.s32 $0xFFFFFFFF;
	p2 =	slt.u32 s8, $0xFFFFF086  }
0x1c: {  	p1 =	slt.u32 s9, $0xF7A;
	s5 =	simm.s32 @!p2 $0x0  }
0x1d: {  	s5 =	simm.s32 @p1 $0x1;
	p0 =	seq.s32 s7, s2  }
0x1e: {  	s7 =	smul.u32 @!p0 $0xF7A, s2;
	p2 =	seq.s32 @!p0 s5, $0x0  }
0x1f: {  	s9 =	smul.u32 $0xF7A, s1;
	s8 =	simm.s32 @!p0 $0x1BF5;
	p2 =	por !p2, p0  }
0x20: {  	[sflag:s8] =	ssyncset.s32 @!p0 $0xFFFFF086;
	s6 =	sadd.s32 @!p0 s3, s7;
	s7 =	simm.s32 @!p0 $0x108  }
0x21: {  	s3 =	sadd.s32 s3, s9;
	s6 =	sadd.s32 @!p0 $0x88, s6;
	s7 =	simm.s32 @p2 $0x1082  }
0x22: {  	[simem:s7], [sflag:s8] =	dma.local @!p0 [hbm:s6], $0xF7A  }
0x23: {  	s9 =	sor.u32 $0xD0000000, s2;
	s6 =	simm.s32 $0x108;
	_ =	swait.ge @!p0 [sflag:s8], $0x0  }
0x24: {  	s3 =	sadd.s32 $0x88, s3;
	s6 =	simm.s32 @!p1 $0x1082;
	[sflag:s4] =	ssyncset.s32 $0xFFFFF086  }
0x25: {  	[simem:s6], [sflag:s4] =	dma.local [hbm:s3], $0xF7A  }
0x26: {  	[smem:$0x3F9A] =	sst s1;
	(tag) =	ssettag s2;
	_ =	strace s9  }
0x27: {  	s1 =	sld [smem:$0x3FAA]  }
0x28: {  	s2 =	sld [smem:$0x3FAB]  }
0x29: {  	s4 =	sld [smem:$0x3FAD]  }
0x2a: {  	p0 =	seq.s32 s5, $0x0;
	s5 =	sld [smem:$0x3FAE]  }
0x2b: {  	s6 =	sld [smem:$0x3FAF]  }
0x2c: {  	s7 =	sld [smem:$0x3FB0]  }
0x2d: {  	s3 =	simm.s32 $0x108;
	s8 =	sld [smem:$0x3FB1]  }
0x2e: {  	s3 =	simm.s32 @!p0 $0x1082;
	s9 =	sld [smem:$0x3FB2]  }
0x2f: {  	lr =	sadd.s32 s0, s3;
	s0 =	sld [smem:$0x3FA9]  }
0x30: {  	s3 =	sld [smem:$0x3FAC]  }
0x31: {  	[smem:$0x3FB5] =	sst s10  }
0x32: {  	s10 =	sld [smem:$0x3FB3];
	_ =	sdelay $0x3  }
0x33: {  	p0 =	seq.s32 s10, $0x1;
	s10 =	sld [smem:$0x3FB5];
	_ =	sdelay $0x3  }
0x34: {  	[smem:$0x3FB5] =	sst s10  }
0x35: {  	s10 =	sld [smem:$0x3FB4];
	_ =	sdelay $0x3  }
0x36: {  	p1 =	seq.s32 s10, $0x1;
	s10 =	sld [smem:$0x3FB5];
	_ =	sdelay $0x3  }
0x37: {  	[smem:$0x3FB5] =	sst s10  }
0x38: {  	s10 =	sld [smem:$0x3FB6]  }
0x39: {  	_ = 	snop;
	(pc) =	sbr.ind lr, $3  }
0x3a: {  	_ = 	snop  }
0x3b: {  	_ = 	snop  }
0x3c: {  	p2 =	seq.s32 s10, $0x1;
	s10 =	sld [smem:$0x3FB5]  }
0x3d: {  	_ =	shalt  }
0x3e: {  	_ =	shalt  }
0x3f: {  	_ =	shalt  }
0x40: {  	_ =	shalt  }
0x41: {  	_ =	shalt  }
0x42: {  	_ =	shalt  }
0x43: {  	_ =	shalt  }
0x44: {  	_ =	shalt  }
0x45: {  	_ =	shalt  }
0x46: {  	_ =	shalt  }
0x47: {  	_ =	shalt  }
0x48: {  	_ =	shalt  }
0x49: {  	_ =	shalt  }
0x4a: {  	_ =	shalt  }
0x4b: {  	_ =	shalt  }
0x4c: {  	_ =	shalt  }
0x4d: {  	_ =	shalt  }
0x4e: {  	_ =	shalt  }
0x4f: {  	_ =	shalt  }
0x50: {  	_ =	shalt  }
0x51: {  	_ =	shalt  }
0x52: {  	_ =	shalt  }
0x53: {  	_ =	shalt  }
0x54: {  	_ =	shalt  }
0x55: {  	_ =	shalt  }
0x56: {  	_ =	shalt  }
0x57: {  	_ =	shalt  }
0x58: {  	_ =	shalt  }
0x59: {  	_ =	shalt  }
0x5a: {  	_ =	shalt  }
0x5b: {  	_ =	shalt  }
0x5c: {  	_ =	shalt  }
0x5d: {  	_ =	shalt  }
0x5e: {  	_ =	shalt  }
0x5f: {  	_ =	shalt  }
0x60: {  	_ =	shalt  }
0x61: {  	_ =	shalt  }
0x62: {  	_ =	shalt  }
0x63: {  	_ =	shalt  }
0x64: {  	_ =	shalt  }
0x65: {  	_ =	shalt  }
0x66: {  	_ =	shalt  }
0x67: {  	_ =	shalt  }
0x68: {  	_ =	shalt  }
0x69: {  	_ =	shalt  }
0x6a: {  	_ =	shalt  }
0x6b: {  	_ =	shalt  }
0x6c: {  	_ =	shalt  }
0x6d: {  	_ =	shalt  }
0x6e: {  	_ =	shalt  }
0x6f: {  	_ =	shalt  }
0x70: {  	_ =	shalt  }
0x71: {  	_ =	shalt  }
0x72: {  	_ =	shalt  }
0x73: {  	_ =	shalt  }
0x74: {  	_ =	shalt  }
0x75: {  	_ =	shalt  }
0x76: {  	_ =	shalt  }
0x77: {  	_ =	shalt  }
0x78: {  	_ =	shalt  }
0x79: {  	_ =	shalt  }
0x7a: {  	_ =	shalt  }
0x7b: {  	_ =	shalt  }
0x7c: {  	_ =	shalt  }
0x7d: {  	_ =	shalt  }
0x7e: {  	_ =	shalt  }
0x7f: {  	_ =	shalt  }
0x80: {  	_ =	shalt  }
0x81: {  	_ =	shalt  }
0x82: {  	_ =	shalt  }
0x83: {  	_ =	shalt  }
0x84: {  	_ =	shalt  }
0x85: {  	_ =	shalt  }
0x86: {  	_ =	shalt  }
0x87: {  	_ =	shalt  }
.Lfunc_end0:
.L_simem_size_0:
called_computation.1_lowered:
.L_overlay_start_0:
0x88: {  	s2 =	sld [smem:$0x3FD9]  }
0x89: {  	s3 =	sld [smem:$0x3FFE];
	_ =	sdelay $0x1  }
0x8a: {  	s1 =	srdreg.scid  }
0x8b: {  	s0 =	sand.u32 $0x1, s1  }
0x8c: {  	s17 =	sshll.u32 s0, $0xA;
	s2 =	sadd.s32 s3, s2  }
0x8d: {  	s2 =	sadd.s32 s2, s17  }
0x8e: {  	[smem:$0x3FC1] =	sst s2  }
0x8f: {  	_ = 	snop  }
0x90: {  	s2 =	sld [smem:$0x3FD0];
	(tm) =	ssettm $0x1  }
0x91: {  	s18 =	sld [smem:$0x3FFB];
	_ =	sdelay $0x3  }
0x92: {  	_ =	strace s18  }
0x93: {  	s3 =	sld [smem:$0x3FFC];
	_ =	sdelay $0x3  }
0x94: {  	_ =	strace s3  }
0x95: {  	s3 =	sld [smem:$0x3FFD];
	_ =	sdelay $0x3  }
0x96: {  	_ =	strace s3  }
0x97: {  	_ =	strace $0x8FFFFFFF  }
0x98: {  	s19 =	sld [smem:$0x3FDB];
	_ =	sdelay $0x1  }
0x99: {  	s4 =	simm.s32 $_scs_section_size  }
0x9a: {  	s5 =	simm.s32 $_size__tile_overlayer_lowered;
	s6 =	simm.s32 $_tile_overlayer_lowered  }
0x9b: {  	s22 =	simm.s32 $0x1BFF;
	s21 =	sshll.u32 s6, $0x1;
	s3 =	sadd.s32 s4, s19  }
0x9c: {  	s7 =	simm.s32 $0x0;
	s20 =	sshll.u32 s5, $0x1;
	s5 =	sadd.s32 s21, s3  }
0x9d: {  	[timem:s7], [sflag:s22] =	dma.local [hbm:s5], s20  }
0x9e: {  	_ =	swait.ge [sflag:s22], s20  }
0x9f: {  	s4 =	ssub.s32 $0x0, s20;
	[sflag:s22] =	ssyncset.done $0x0  }
0xa0: {  	[sflag:s22] =	ssyncadd.s32 s4;
	_ =	sdelay $0x1  }
0xa1: {  	s23 =	simm.s32 $0x1B8B  }
0xa2: {  	_ =	swait.ge [sflag:s23], $0x1  }
0xa3: {  	[sflag:s23] =	ssyncset.done $0x0  }
0xa4: {  	s25 =	simm.s32 $0x1B8E;
	s24 =	sld [smem:$0x3FFE];
	[sflag:s23] =	ssyncadd.s32 $0xFFFFFFFF  }
0xa5: {  	s26 =	simm.s32 $execute0_lowered;
	[smem:$0x3FD2] =	sst s25  }
0xa6: {  	s5 =	sshll.u32 s26, $0x1;
	_ =	strace $0x80000049;
	[dreg:$0x1] =	wrdreg $0xFFFFFFFF  }
0xa7: {  	s28 =	simm.s32 $_size_execute0_lowered;
	s3 =	sadd.s32 s3, s5;
	[dreg:$0x0] =	wrdreg $0x0  }
0xa8: {  	s5 =	sshll.u32 s28, $0x1;
	[dreg:$0x2] =	wrdreg s3  }
0xa9: {  	[dreg:$0x3] =	wrdreg s5  }
0xaa: {  	[dreg:$0x4] =	wrdreg $0xC0  }
0xab: {  	_ =	task [dreg:s7], $0x5FFFF  }
0xac: {  	[dreg:$0x1] =	wrdreg $0xFFFFFFFF  }
0xad: {  	[dreg:$0x0] =	wrdreg $0x60  }
0xae: {  	[dreg:$0x2] =	wrdreg s24  }
0xaf: {  	[dreg:$0x3] =	wrdreg s2  }
0xb0: {  	[dreg:$0x4] =	wrdreg $0x0  }
0xb1: {  	[dreg:$0x5] =	wrdreg $0x9  }
0xb2: {  	_ =	task.clear_ibuf [dreg:s7], $0x6FFFF;
	_ =	strace $0x90000049  }
0xb3: {  	s29 =	simm.s32 $0x9;
	_ =	strace $0x80000051  }
0xb4: {  	_ =	swait.ge [sflag:s29], $0x1  }
0xb5: {  	[sflag:s29] =	ssyncadd.s32 $0xFFFFFFFF  }
0xb6: {  	_ =	strace $0x90000051  }
0xb7: {  	_ =	sfence  }
0xb8: {  	s30 =	sld [smem:$0x0];
	_ =	sdelay $0x2  }
0xb9: {  	s31 =	sshll.u32 s1, $0xD;
	s1 =	sshrl.u32 s1, $0x2  }
0xba: {  	s3 =	sand.u32 $0x4000, s31;
	s1 =	sadd.s32 s1, s30  }
0xbb: {  	s0 =	sor.u32 s3, s0;
	s1 =	sshll.u32 s1, $0x11  }
0xbc: {  	s0 =	sor.u32 s1, s0  }
0xbd: {  	s0 =	sadd.s32 $0x8F2B, s0  }
0xbe: {  	[sflag:s0] =	ssyncadd.remote.s32 $0x1  }
0xbf: {  	_ =	sfence.sel $0xFFFF  }
0xc0: {  	[dreg:$0x0] =	wrdreg $0xFFFFFFFF;
	(pc) =	sbr.abs _section_cstart, $3  }
0xc1: {  	[dreg:$0x1] =	wrdreg $0xFFFFFFFF  }
0xc2: {  	_ =	task.clear_ibuf [dreg:s7], $0x2FFFF;
	_ =	strace $0x9FFFFFFF  }
0xc3: {  	(tm) =	ssettm $0x7FFFFFFF  }
tec
execute0_lowered:
.L_overlay_start_1:
0x0: {  	(tag) =	ssettag $0x1  }
0x1: {  	s7 =	rddreg [dreg:$0x0]  }
0x2: {  	s1 =	rddreg [dreg:$0x1]  }
0x3: {  	s2 =	rddreg [dreg:$0x2];
	s3 =	simm.s32 $0x0  }
0x4: {  	s4 =	srdreg.scid;
	s0 =	stileid.u32;
	s16 =	simm.s32 $0x80  }
0x5: {  	s17 =	simm.s32 $0x5;
	s18 =	simm.s32 $0x1;
	[smem:$0x7FF] =	sst s3  }
0x6: {  	s5 =	sadd.s32 $0x1400, s7;
	s6 =	sadd.s32 $0x28B400, s7;
	s11 =	smul.u32 $0x50000, s0  }
0x7: {  	s8 =	sand.u32 $0x1, s4;
	s14 =	sshll.u32 s0, $0x6;
	s20 =	smul.u32 $0x2800, s0  }
0x8: {  	s9 =	smul.u32 $0x28000, s8;
	s10 =	sshll.u32 s8, $0x4;
	s8 =	ssub.s32 $0x2, s8  }
0x9: {  	_ =	strace $0x8000004A;
	s10 =	sor.u32 s0, s10;
	s26 =	sshrl.u32 s8, $0x1  }
0xa: {  	s29 =	sshrl.u32 s11, $0x2;
	s12 =	sadd.s32 s9, s7;
	s28 =	smul.u32 $0x28, s10  }
0xb: {  	s13 =	ssub.s32 s8, s26;
	s11 =	smul.u32 $0x29, s10;
	p0 =	slt.u32 s10, $0x14  }
0xc: {  	s15 =	sadd.s32 s29, s2;
	s8 =	sor.u32 $0x1C01, s14;
	s9 =	simm.s32 $0x29  }
0xd: {  	s14 =	simm.s32 $0x14000;
	s9 =	simm.s32 @!p0 $0x28;
	s19 =	sadd.s32 $0x28DC00, s12  }
0xe: {  	s12 =	smax.u32 s13, $0x1;
	s13 =	sshrl.u32 s15, $0x3;
	s7 =	sadd.s32 $0x14, s28  }
0xf: {  	s15 =	simm.s32 $0x1C000;
	s31 =	sadd.s32 $0xFFFFFFFF, s9;
	s7 =	smov.u32 @p0 s11  }
0x10: {  	s19 =	sadd.s32 s20, s19;
	s30 =	sshll.u32 s7, $0xB;
	s11 =	sshll.u32 s7, $0x4  }
0x11: {  	s20 =	simm.s32 $0x0;
	s10 =	sand.u32 $0x1FFFF800, s30;
	s11 =	sand.u32 $0x1FFFFFF0, s11  }
0x12: {  	[dreg:$0x4] =	wrdreg s31;
	s10 =	sadd.s32 s5, s10;
	s11 =	sadd.s32 s1, s11  }
.LBB2_1:
0x13: {  	[spmem:s13], [sflag:s8] =	dma.local [hbm:s6], $0x2800  }
0x14: {  	_ =	swait.ge [sflag:s18], $0x2800  }
0x15: {  	[sflag:s18] =	ssyncset.done $0x0  }
0x16: {  	[sflag:s18] =	ssyncadd.s32 $0xFFFFD800  }
0x17: {  	[bflag:$0x0] =	sbarrier.arrive $0xFFFF  }
0x18: {  	s23 =	simm.s32 $0x0;
	_ =	strace $0x8000004B  }
0x19: {  	[tilespmem:s14], [sflag:$0x1] =	stream.linear.gather [hbm4b:s10+s3], $0x4000, $0x200038;
	[tilespmem:$0x1C100] =	vst v63  }
0x1a: {  	s21 =	simm.s32 $0x0;
	s24 =	simm.s32 $0x1;
	s22 =	simm.s32 $0x0  }
0x1b: {  	[tilespmem:s15], [sflag:$0x3] =	stream.linear.gather [hbm4b:s11+s3], $0x80, $0x200038;
	[tilespmem:$0x1C100] =	vst v63  }
0x1c: {  	s26 =	simm.s32 $0x1;
	s25 =	simm.s32 $0x0;
	_ =	strace $0x9000004B  }
.LBB2_2:
0x1d: {  	s28 =	smov.u32 s23;
	s23 =	sadd.s32 $0x1, s23  }
0x1e: {  	p0 =	seq.s32 s23, s9  }
0x1f: {  	s23 =	simm.s32 @p0 $0x0  }
0x20: {  	s29 =	smov.u32 s26;
	p0 =	seq.s32 s28, s23  }
0x21: {  	s26 =	sadd.s32 @!p0 s7, s23;
	s30 =	sand.u32 @!p0 $0x1, s29  }
0x22: {  	_ =	strace @!p0 $0x8000004C;
	s4 =	simm.s32 @!p0 $0x0;
	s0 =	sshll.u32 @!p0 s26, $0xB  }
0x23: {  	s31 =	sshll.u32 @!p0 s30, $0xE;
	s30 =	sadd.s32 @!p0 $0x1, s30;
	s0 =	sand.u32 @!p0 $0x1FFFF800, s0  }
0x24: {  	s26 =	sshll.u32 @!p0 s26, $0x4;
	s31 =	sadd.s32 @!p0 $0x14000, s31;
	s0 =	sadd.s32 @!p0 s5, s0  }
0x25: {  	[tilespmem:s31], [sflag:s30] =	stream.linear.gather @!p0 [hbm4b:s0+s4], $0x4000, $0x200038;
	[tilespmem:$0x1C100] =	vst v63  }
0x26: {  	s26 =	sand.u32 @!p0 $0x1FFFFFF0, s26;
	s0 =	sand.u32 @!p0 $0x1, s24  }
0x27: {  	s26 =	sadd.s32 @!p0 s1, s26;
	_ =	strace @!p0 $0x9000004C;
	s30 =	sshll.u32 @!p0 s0, $0x7  }
0x28: {  	s0 =	sadd.s32 @!p0 $0x3, s0;
	_ =	strace @!p0 $0x8000004D;
	s30 =	sor.u32 @!p0 $0x1C000, s30  }
0x29: {  	[tilespmem:s30], [sflag:s0] =	stream.linear.gather @!p0 [hbm4b:s26+s4], $0x80, $0x200038;
	[tilespmem:$0x1C100] =	vst v63  }
0x2a: {  	s31 =	sand.u32 $0x1, s22;
	_ =	strace @!p0 $0x9000004D  }
0x2b: {  	s0 =	sadd.s32 $0x1, s31;
	_ =	strace $0x8000004E  }
0x2c: {  	_ =	swait.ge [sflag:s0], $0x4000  }
0x2d: {  	[sflag:s0] =	ssyncset.done $0x0  }
0x2e: {  	[sflag:s0] =	ssyncadd.s32 $0xFFFFC000  }
0x2f: {  	s4 =	sand.u32 $0x1, s21;
	_ =	strace $0x9000004E  }
0x30: {  	s0 =	sadd.s32 $0x3, s4;
	_ =	strace $0x8000004F  }
0x31: {  	_ =	swait.ge [sflag:s0], $0x80  }
0x32: {  	[sflag:s0] =	ssyncset.done $0x0  }
0x33: {  	s26 =	sshll.u32 s22, $0xE;
	s30 =	sshll.u32 s21, $0x7;
	[sflag:s0] =	ssyncadd.s32 $0xFFFFFF80  }
0x34: {  	s4 =	sand.u32 $0x80, s30;
	s0 =	sand.u32 $0x4000, s26;
	_ =	strace $0x9000004F  }
0x35: {  	s4 =	sor.u32 $0x1C000, s4;
	s0 =	sadd.s32 $0x14000, s0;
	_ =	strace $0x80000050  }
0x36: {  	[spmem:s2] =	stream.indirect.scatter.add.f32 [tilespmem:s0], [sflag:$0x5], $0x80, s4, s16, $0x2000b8;
	[tilespmem:$0x1C100] =	vst v63  }
0x37: {  	_ =	swait.ge [sflag:s17], $0x4000  }
0x38: {  	[sflag:s17] =	ssyncset.done $0x0  }
0x39: {  	[sflag:s17] =	ssyncadd.s32 $0xFFFFC000  }
0x3a: {  	s25 =	sadd.s32 $0x1, s25;
	_ =	strace $0x90000050  }
0x3b: {  	s26 =	sadd.s32 @!p0 $0x1, s29;
	s4 =	simm.s32 @!p0 $0x1;
	s31 =	rddreg [dreg:$0x4]  }
0x3c: {  	s26 =	smov.u32 @p0 s29;
	s4 =	simm.s32 @p0 $0x0;
	p0 =	sne.s32 s31, s25  }
.Ltmp0:
0x3d: {  	_ = 	snop;
	(pc) =	sbr.rel @p0 .LBB2_2-.Ltmp0, $4  }
0x3e: {  	_ = 	snop  }
0x3f: {  	p1 =	sne.s32 s28, s23;
	s28 =	simm.s32 $0x1  }
0x40: {  	s28 =	simm.s32 @!p1 $0x0  }
0x41: {  	s22 =	sadd.s32 s28, s22;
	s21 =	sadd.s32 s28, s21;
	s24 =	sadd.s32 s24, s4  }
0x42: {  	s0 =	sand.u32 $0x1, s22  }
0x43: {  	_ =	strace $0x8000004E;
	s0 =	sadd.s32 $0x1, s0  }
0x44: {  	_ =	swait.ge [sflag:s0], $0x4000  }
0x45: {  	[sflag:s0] =	ssyncset.done $0x0  }
0x46: {  	[sflag:s0] =	ssyncadd.s32 $0xFFFFC000  }
0x47: {  	s30 =	sand.u32 $0x1, s21;
	_ =	strace $0x9000004E  }
0x48: {  	s0 =	sadd.s32 $0x3, s30;
	_ =	strace $0x8000004F  }
0x49: {  	_ =	swait.ge [sflag:s0], $0x80  }
0x4a: {  	[sflag:s0] =	ssyncset.done $0x0  }
0x4b: {  	s31 =	sshll.u32 s22, $0xE;
	s4 =	sshll.u32 s21, $0x7;
	[sflag:s0] =	ssyncadd.s32 $0xFFFFFF80  }
0x4c: {  	s4 =	sand.u32 $0x80, s4;
	s0 =	sand.u32 $0x4000, s31;
	_ =	strace $0x9000004F  }
0x4d: {  	s4 =	sor.u32 $0x1C000, s4;
	s0 =	sadd.s32 $0x14000, s0;
	_ =	strace $0x80000050  }
0x4e: {  	[spmem:s2] =	stream.indirect.scatter.add.f32 [tilespmem:s0], [sflag:$0x5], $0x80, s4, s16, $0x2000b8;
	[tilespmem:$0x1C100] =	vst v63  }
0x4f: {  	_ =	swait.ge [sflag:s17], $0x4000  }
0x50: {  	[sflag:s17] =	ssyncset.done $0x0  }
0x51: {  	s20 =	sadd.s32 $0x1, s20;
	[sflag:s17] =	ssyncadd.s32 $0xFFFFC000  }
0x52: {  	p0 =	sne.s32 s20, s12;
	_ =	strace $0x90000050  }
.Ltmp1:
0x53: {  	[bflag:$0x0] =	sbarrier.arrive $0xFFFF;
	(pc) =	sbr.rel @p0 .LBB2_1-.Ltmp1, $4  }
0x54: {  	[hbm:s19], [sflag:s8] =	dma.local [spmem:s13], $0x2800  }
0x55: {  	_ =	swait.ge [sflag:s18], $0x2800  }
0x56: {  	[sflag:s18] =	ssyncset.done $0x0  }
0x57: {  	[sflag:s18] =	ssyncadd.s32 $0xFFFFD800  }
0x58: {  	_ =	sfence.sel $0x180000  }
0x59: {  	[bflag:$0x0] =	sbarrier.arrive $0xFFFF  }
0x5a: {  	_ =	strace $0x9000004A  }
0x5b: {  	s0 =	stileid.u32;
	[bflag:$0x2] =	sbarrier.arrive $0xFFFF  }
0x5c: {  	p0 =	sne.s32 s0, $0x0;
	s0 =	rddreg [dreg:$0x3]  }
0x5d: {  	s0 =	sadd.s32 @!p0 $0x100000, s0  }
0x5e: {  	[sflag:s0] =	ssyncadd.tile.s32 @!p0 $0x1;
	_ =	shalt  }
.Lfunc_end2:
_tile_overlayer_lowered:
.L_overlay_start_2:
0x5f: {  	(tag) =	ssettag $0x2  }
0x60: {  	s0 =	rddreg [dreg:$0x0];
	s2 =	stileid.u32  }
0x61: {  	s1 =	rddreg [dreg:$0x1];
	p0 =	sne.s32 s2, $0x0  }
0x62: {  	s3 =	rddreg [dreg:$0x2];
	[bflag:$0x3] =	sbarrier.arrive $0xFFFF;
	s2 =	simm.s32 @!p0 $0x1C01  }
0x63: {  	[timem:s3], [sflag:s2] =	dma.local @!p0 [hbm:s0], s1  }
0x64: {  	s0 =	simm.s32 @!p0 $0x1  }
0x65: {  	_ =	swait.ge @!p0 [sflag:s0], s1  }
0x66: {  	s1 =	ssub.s32 @!p0 $0x0, s1;
	[sflag:s0] =	ssyncset.done @!p0 $0x0  }
0x67: {  	[sflag:s0] =	ssyncadd.s32 @!p0 s1  }
0x68: {  	[bflag:$0x3] =	sbarrier.arrive $0xFFFF  }
0x69: {  	_ =	shalt  }

// kernel: kernel.14.cloned.1.call-start
scs
__scs_entry_jumppad:
0x0: {  	(pc) =	sbr.rel $0x88, $3  }
0x1: {  	(tag) =	ssettag $0x0;
	lr =	simm.s32 $0x1  }
0x2: {  	[smem:$0x3F9A] =	sst lr;
	_ =	strace $0xD0000000  }
0x3: {  	_ = 	snop  }
0x4: {  	_ = 	snop  }
0x5: {  	_ = 	snop  }
0x6: {  	_ = 	snop  }
0x7: {  	_ = 	snop  }
__scs_overlays_trampoline_lowered:
0x8: {  	[smem:$0x3FA9] =	sst s0  }
0x9: {  	[smem:$0x3FAA] =	sst s1  }
0xa: {  	[smem:$0x3FAB] =	sst s2  }
0xb: {  	[smem:$0x3FAC] =	sst s3  }
0xc: {  	[smem:$0x3FAD] =	sst s4  }
0xd: {  	[smem:$0x3FAE] =	sst s5  }
0xe: {  	[smem:$0x3FAF] =	sst s6  }
0xf: {  	[smem:$0x3FB0] =	sst s7  }
0x10: {  	[smem:$0x3FB1] =	sst s8  }
0x11: {  	[smem:$0x3FB2] =	sst s9;
	s0 =	simm.s32 @!p0 $0x0  }
0x12: {  	s1 =	sld [smem:$0x3F98];
	s0 =	simm.s32 @p0 $0x1  }
0x13: {  	[smem:$0x3FB3] =	sst s0;
	s0 =	simm.s32 @!p1 $0x0  }
0x14: {  	s2 =	sld [smem:$0x3F97];
	s0 =	simm.s32 @p1 $0x1  }
0x15: {  	[smem:$0x3FB4] =	sst s0;
	s0 =	simm.s32 @!p2 $0x0  }
0x16: {  	s3 =	sld [smem:$0x3FDB];
	s0 =	simm.s32 @p2 $0x1  }
0x17: {  	s4 =	simm.s32 $0x1BF5;
	[smem:$0x3FB6] =	sst s0  }
0x18: {  	s0 =	sld [smem:$0x3F99];
	_ =	swait.ge [sflag:s4], $0x0  }
0x19: {  	s7 =	sld [smem:$0x3F9A]  }
0x1a: {  	s8 =	sadd.s32 $0xFFFFE003, lr  }
0x1b: {  	s9 =	sadd.s32 $0xFFFFFEF7, lr;
	s5 =	simm.s32 $0xFFFFFFFF;
	p2 =	slt.u32 s8, $0xFFFFF086  }
0x1c: {  	p1 =	slt.u32 s9, $0xF7A;
	s5 =	simm.s32 @!p2 $0x0  }
0x1d: {  	s5 =	simm.s32 @p1 $0x1;
	p0 =	seq.s32 s7, s2  }
0x1e: {  	s7 =	smul.u32 @!p0 $0xF7A, s2;
	p2 =	seq.s32 @!p0 s5, $0x0  }
0x1f: {  	s9 =	smul.u32 $0xF7A, s1;
	s8 =	simm.s32 @!p0 $0x1BF5;
	p2 =	por !p2, p0  }
0x20: {  	[sflag:s8] =	ssyncset.s32 @!p0 $0xFFFFF086;
	s6 =	sadd.s32 @!p0 s3, s7;
	s7 =	simm.s32 @!p0 $0x108  }
0x21: {  	s3 =	sadd.s32 s3, s9;
	s6 =	sadd.s32 @!p0 $0x88, s6;
	s7 =	simm.s32 @p2 $0x1082  }
0x22: {  	[simem:s7], [sflag:s8] =	dma.local @!p0 [hbm:s6], $0xF7A  }
0x23: {  	s9 =	sor.u32 $0xD0000000, s2;
	s6 =	simm.s32 $0x108;
	_ =	swait.ge @!p0 [sflag:s8], $0x0  }
0x24: {  	s3 =	sadd.s32 $0x88, s3;
	s6 =	simm.s32 @!p1 $0x1082;
	[sflag:s4] =	ssyncset.s32 $0xFFFFF086  }
0x25: {  	[simem:s6], [sflag:s4] =	dma.local [hbm:s3], $0xF7A  }
0x26: {  	[smem:$0x3F9A] =	sst s1;
	(tag) =	ssettag s2;
	_ =	strace s9  }
0x27: {  	s1 =	sld [smem:$0x3FAA]  }
0x28: {  	s2 =	sld [smem:$0x3FAB]  }
0x29: {  	s4 =	sld [smem:$0x3FAD]  }
0x2a: {  	p0 =	seq.s32 s5, $0x0;
	s5 =	sld [smem:$0x3FAE]  }
0x2b: {  	s6 =	sld [smem:$0x3FAF]  }
0x2c: {  	s7 =	sld [smem:$0x3FB0]  }
0x2d: {  	s3 =	simm.s32 $0x108;
	s8 =	sld [smem:$0x3FB1]  }
0x2e: {  	s3 =	simm.s32 @!p0 $0x1082;
	s9 =	sld [smem:$0x3FB2]  }
0x2f: {  	lr =	sadd.s32 s0, s3;
	s0 =	sld [smem:$0x3FA9]  }
0x30: {  	s3 =	sld [smem:$0x3FAC]  }
0x31: {  	[smem:$0x3FB5] =	sst s10  }
0x32: {  	s10 =	sld [smem:$0x3FB3];
	_ =	sdelay $0x3  }
0x33: {  	p0 =	seq.s32 s10, $0x1;
	s10 =	sld [smem:$0x3FB5];
	_ =	sdelay $0x3  }
0x34: {  	[smem:$0x3FB5] =	sst s10  }
0x35: {  	s10 =	sld [smem:$0x3FB4];
	_ =	sdelay $0x3  }
0x36: {  	p1 =	seq.s32 s10, $0x1;
	s10 =	sld [smem:$0x3FB5];
	_ =	sdelay $0x3  }
0x37: {  	[smem:$0x3FB5] =	sst s10  }
0x38: {  	s10 =	sld [smem:$0x3FB6]  }
0x39: {  	_ = 	snop;
	(pc) =	sbr.ind lr, $3  }
0x3a: {  	_ = 	snop  }
0x3b: {  	_ = 	snop  }
0x3c: {  	p2 =	seq.s32 s10, $0x1;
	s10 =	sld [smem:$0x3FB5]  }
0x3d: {  	_ =	shalt  }
0x3e: {  	_ =	shalt  }
0x3f: {  	_ =	shalt  }
0x40: {  	_ =	shalt  }
0x41: {  	_ =	shalt  }
0x42: {  	_ =	shalt  }
0x43: {  	_ =	shalt  }
0x44: {  	_ =	shalt  }
0x45: {  	_ =	shalt  }
0x46: {  	_ =	shalt  }
0x47: {  	_ =	shalt  }
0x48: {  	_ =	shalt  }
0x49: {  	_ =	shalt  }
0x4a: {  	_ =	shalt  }
0x4b: {  	_ =	shalt  }
0x4c: {  	_ =	shalt  }
0x4d: {  	_ =	shalt  }
0x4e: {  	_ =	shalt  }
0x4f: {  	_ =	shalt  }
0x50: {  	_ =	shalt  }
0x51: {  	_ =	shalt  }
0x52: {  	_ =	shalt  }
0x53: {  	_ =	shalt  }
0x54: {  	_ =	shalt  }
0x55: {  	_ =	shalt  }
0x56: {  	_ =	shalt  }
0x57: {  	_ =	shalt  }
0x58: {  	_ =	shalt  }
0x59: {  	_ =	shalt  }
0x5a: {  	_ =	shalt  }
0x5b: {  	_ =	shalt  }
0x5c: {  	_ =	shalt  }
0x5d: {  	_ =	shalt  }
0x5e: {  	_ =	shalt  }
0x5f: {  	_ =	shalt  }
0x60: {  	_ =	shalt  }
0x61: {  	_ =	shalt  }
0x62: {  	_ =	shalt  }
0x63: {  	_ =	shalt  }
0x64: {  	_ =	shalt  }
0x65: {  	_ =	shalt  }
0x66: {  	_ =	shalt  }
0x67: {  	_ =	shalt  }
0x68: {  	_ =	shalt  }
0x69: {  	_ =	shalt  }
0x6a: {  	_ =	shalt  }
0x6b: {  	_ =	shalt  }
0x6c: {  	_ =	shalt  }
0x6d: {  	_ =	shalt  }
0x6e: {  	_ =	shalt  }
0x6f: {  	_ =	shalt  }
0x70: {  	_ =	shalt  }
0x71: {  	_ =	shalt  }
0x72: {  	_ =	shalt  }
0x73: {  	_ =	shalt  }
0x74: {  	_ =	shalt  }
0x75: {  	_ =	shalt  }
0x76: {  	_ =	shalt  }
0x77: {  	_ =	shalt  }
0x78: {  	_ =	shalt  }
0x79: {  	_ =	shalt  }
0x7a: {  	_ =	shalt  }
0x7b: {  	_ =	shalt  }
0x7c: {  	_ =	shalt  }
0x7d: {  	_ =	shalt  }
0x7e: {  	_ =	shalt  }
0x7f: {  	_ =	shalt  }
0x80: {  	_ =	shalt  }
0x81: {  	_ =	shalt  }
0x82: {  	_ =	shalt  }
0x83: {  	_ =	shalt  }
0x84: {  	_ =	shalt  }
0x85: {  	_ =	shalt  }
0x86: {  	_ =	shalt  }
0x87: {  	_ =	shalt  }
.Lfunc_end0:
.L_simem_size_0:
called_computation.2_lowered:
.L_overlay_start_0:
0x88: {  	s2 =	sld [smem:$0x3FD9]  }
0x89: {  	s3 =	sld [smem:$0x3FFE];
	_ =	sdelay $0x1  }
0x8a: {  	s1 =	srdreg.scid  }
0x8b: {  	s0 =	sand.u32 $0x1, s1  }
0x8c: {  	s17 =	sshll.u32 s0, $0xA;
	s2 =	sadd.s32 s3, s2  }
0x8d: {  	s2 =	sadd.s32 s2, s17  }
0x8e: {  	[smem:$0x3FC1] =	sst s2  }
0x8f: {  	_ = 	snop  }
0x90: {  	s2 =	sld [smem:$0x3FD0];
	(tm) =	ssettm $0x1  }
0x91: {  	s18 =	sld [smem:$0x3FFB];
	_ =	sdelay $0x3  }
0x92: {  	_ =	strace s18  }
0x93: {  	s3 =	sld [smem:$0x3FFC];
	_ =	sdelay $0x3  }
0x94: {  	_ =	strace s3  }
0x95: {  	s3 =	sld [smem:$0x3FFD];
	_ =	sdelay $0x3  }
0x96: {  	_ =	strace s3  }
0x97: {  	_ =	strace $0x8FFFFFFF  }
0x98: {  	s19 =	sld [smem:$0x3FDB];
	_ =	sdelay $0x1  }
0x99: {  	s4 =	simm.s32 $_scs_section_size  }
0x9a: {  	s5 =	simm.s32 $_size__tile_overlayer_lowered;
	s6 =	simm.s32 $_tile_overlayer_lowered  }
0x9b: {  	s22 =	simm.s32 $0x1BFF;
	s21 =	sshll.u32 s6, $0x1;
	s3 =	sadd.s32 s4, s19  }
0x9c: {  	s7 =	simm.s32 $0x0;
	s20 =	sshll.u32 s5, $0x1;
	s5 =	sadd.s32 s21, s3  }
0x9d: {  	[timem:s7], [sflag:s22] =	dma.local [hbm:s5], s20  }
0x9e: {  	_ =	swait.ge [sflag:s22], s20  }
0x9f: {  	s4 =	ssub.s32 $0x0, s20;
	[sflag:s22] =	ssyncset.done $0x0  }
0xa0: {  	[sflag:s22] =	ssyncadd.s32 s4;
	_ =	sdelay $0x1  }
0xa1: {  	s23 =	simm.s32 $0x1B8B  }
0xa2: {  	_ =	swait.ge [sflag:s23], $0x1  }
0xa3: {  	[sflag:s23] =	ssyncset.done $0x0  }
0xa4: {  	s25 =	simm.s32 $0x1B8E;
	s24 =	sld [smem:$0x3FFE];
	[sflag:s23] =	ssyncadd.s32 $0xFFFFFFFF  }
0xa5: {  	s26 =	simm.s32 $execute0_lowered;
	[smem:$0x3FD2] =	sst s25  }
0xa6: {  	s5 =	sshll.u32 s26, $0x1;
	_ =	strace $0x80000052;
	[dreg:$0x1] =	wrdreg $0xFFFFFFFF  }
0xa7: {  	s28 =	simm.s32 $_size_execute0_lowered;
	s3 =	sadd.s32 s3, s5;
	[dreg:$0x0] =	wrdreg $0x0  }
0xa8: {  	s5 =	sshll.u32 s28, $0x1;
	[dreg:$0x2] =	wrdreg s3  }
0xa9: {  	[dreg:$0x3] =	wrdreg s5  }
0xaa: {  	[dreg:$0x4] =	wrdreg $0xC0  }
0xab: {  	_ =	task [dreg:s7], $0x5FFFF  }
0xac: {  	[dreg:$0x1] =	wrdreg $0xFFFFFFFF  }
0xad: {  	[dreg:$0x0] =	wrdreg $0x60  }
0xae: {  	[dreg:$0x2] =	wrdreg s24  }
0xaf: {  	[dreg:$0x3] =	wrdreg s2  }
0xb0: {  	[dreg:$0x4] =	wrdreg $0x0  }
0xb1: {  	[dreg:$0x5] =	wrdreg $0x9  }
0xb2: {  	_ =	task.clear_ibuf [dreg:s7], $0x6FFFF;
	_ =	strace $0x90000052  }
0xb3: {  	s29 =	simm.s32 $0x9;
	_ =	strace $0x8000005A  }
0xb4: {  	_ =	swait.ge [sflag:s29], $0x1  }
0xb5: {  	[sflag:s29] =	ssyncadd.s32 $0xFFFFFFFF  }
0xb6: {  	_ =	strace $0x9000005A  }
0xb7: {  	_ =	sfence  }
0xb8: {  	s30 =	sld [smem:$0x0];
	_ =	sdelay $0x2  }
0xb9: {  	s31 =	sshll.u32 s1, $0xD;
	s1 =	sshrl.u32 s1, $0x2  }
0xba: {  	s3 =	sand.u32 $0x4000, s31;
	s1 =	sadd.s32 s1, s30  }
0xbb: {  	s0 =	sor.u32 s3, s0;
	s1 =	sshll.u32 s1, $0x11  }
0xbc: {  	s0 =	sor.u32 s1, s0  }
0xbd: {  	s0 =	sadd.s32 $0x8F2B, s0  }
0xbe: {  	[sflag:s0] =	ssyncadd.remote.s32 $0x1  }
0xbf: {  	_ =	sfence.sel $0xFFFF  }
0xc0: {  	[dreg:$0x0] =	wrdreg $0xFFFFFFFF;
	(pc) =	sbr.abs _section_cstart, $3  }
0xc1: {  	[dreg:$0x1] =	wrdreg $0xFFFFFFFF  }
0xc2: {  	_ =	task.clear_ibuf [dreg:s7], $0x2FFFF;
	_ =	strace $0x9FFFFFFF  }
0xc3: {  	(tm) =	ssettm $0x7FFFFFFF  }
tec
execute0_lowered:
.L_overlay_start_1:
0x0: {  	(tag) =	ssettag $0x1  }
0x1: {  	s6 =	rddreg [dreg:$0x0]  }
0x2: {  	s1 =	rddreg [dreg:$0x1]  }
0x3: {  	s2 =	rddreg [dreg:$0x2]  }
0x4: {  	s3 =	simm.s32 $0x0;
	s4 =	srdreg.scid;
	s0 =	stileid.u32  }
0x5: {  	s16 =	simm.s32 $0x80;
	s17 =	simm.s32 $0x5;
	s18 =	simm.s32 $0x1  }
0x6: {  	[smem:$0x7FF] =	sst s3;
	s11 =	sand.u32 $0x1, s4;
	s8 =	smul.u32 $0x50000, s0  }
0x7: {  	s5 =	sadd.s32 $0x2DDC00, s6;
	s19 =	smul.u32 $0x2800, s0;
	s26 =	sshll.u32 s0, $0x6  }
0x8: {  	_ =	strace $0x80000053;
	s7 =	smul.u32 $0x28000, s11;
	s9 =	sshll.u32 s11, $0x4  }
0x9: {  	s10 =	ssub.s32 $0x2, s11;
	p0 =	seq.s32 s11, $0x0;
	s30 =	ssub.s32 $0x26, s11  }
0xa: {  	s11 =	sxor.u32 $0x25, s11;
	s9 =	sor.u32 s0, s9;
	s22 =	sshrl.u32 s10, $0x1  }
0xb: {  	s24 =	sshrl.u32 s8, $0x2;
	[dreg:$0x4] =	wrdreg s30;
	s23 =	smul.u32 $0x25, s9  }
0xc: {  	s12 =	sadd.s32 s7, s6;
	s13 =	ssub.s32 s10, s22;
	s8 =	smul.u32 $0x26, s9  }
0xd: {  	s14 =	sadd.s32 s24, s2;
	s25 =	sadd.s32 s19, s12;
	s20 =	sadd.s32 $0x1400, s12  }
0xe: {  	s12 =	smax.u32 s13, $0x1;
	s13 =	sshrl.u32 s14, $0x3;
	s6 =	sadd.s32 $0x10, s23  }
0xf: {  	s28 =	sadd.s32 $0x28DC00, s25;
	s19 =	sadd.s32 s19, s20;
	s6 =	smov.u32 @p0 s8  }
0x10: {  	s20 =	simm.s32 $0x0;
	s29 =	sshll.u32 s6, $0xB;
	s15 =	sshll.u32 s6, $0x4  }
0x11: {  	[dreg:$0x5] =	wrdreg s28;
	s9 =	sand.u32 $0x1FFFF800, s29;
	s31 =	sadd.s32 s15, s1  }
0x12: {  	s8 =	sor.u32 $0x1C01, s26;
	s9 =	sadd.s32 s5, s9;
	s10 =	sadd.s32 $0x5140, s31  }
.LBB2_1:
0x13: {  	s0 =	rddreg [dreg:$0x5]  }
0x14: {  	[spmem:s13], [sflag:s8] =	dma.local [hbm:s0], $0x2800  }
0x15: {  	_ =	swait.ge [sflag:s18], $0x2800  }
0x16: {  	[sflag:s18] =	ssyncset.done $0x0  }
0x17: {  	[sflag:s18] =	ssyncadd.s32 $0xFFFFD800  }
0x18: {  	[bflag:$0x0] =	sbarrier.arrive $0xFFFF  }
0x19: {  	s23 =	simm.s32 $0x14000;
	_ =	strace $0x80000054  }
0x1a: {  	[tilespmem:s23], [sflag:$0x1] =	stream.linear.gather [hbm4b:s9+s3], $0x4000, $0x200038;
	[tilespmem:$0x1C100] =	vst v63  }
0x1b: {  	s24 =	simm.s32 $0x1C000  }
0x1c: {  	[tilespmem:s24], [sflag:$0x3] =	stream.linear.gather [hbm4b:s10+s3], $0x80, $0x200038;
	[tilespmem:$0x1C100] =	vst v63  }
0x1d: {  	_ =	strace $0x90000054  }
0x1e: {  	s22 =	rddreg [dreg:$0x4]  }
0x1f: {  	s21 =	simm.s32 $0x1;
	p0 =	seq.s32 s22, $0x1  }
0x20: {  	s21 =	simm.s32 @p0 $0x0  }
0x21: {  	p0 =	seq.s32 s21, $0x0  }
0x22: {  	s22 =	sand.u32 @!p0 $0x1, s18  }
0x23: {  	s23 =	sadd.s32 @!p0 s6, s21;
	_ =	strace @!p0 $0x80000055;
	s26 =	simm.s32 @!p0 $0x0  }
0x24: {  	s24 =	sshll.u32 @!p0 s22, $0xE;
	s25 =	sshll.u32 @!p0 s23, $0xB;
	s23 =	sshll.u32 @!p0 s23, $0x7  }
0x25: {  	s28 =	sadd.s32 @!p0 $0x1, s22;
	s25 =	sand.u32 @!p0 $0x1FFFF800, s25;
	s23 =	sadd.s32 @!p0 $0x28A00, s23  }
0x26: {  	s24 =	sadd.s32 @!p0 $0x14000, s24;
	s25 =	sadd.s32 @!p0 s5, s25;
	s23 =	sshrl.u32 @!p0 s23, $0x3  }
0x27: {  	[tilespmem:s24], [sflag:s28] =	stream.linear.gather @!p0 [hbm4b:s25+s26], $0x4000, $0x200038;
	[tilespmem:$0x1C100] =	vst v63  }
0x28: {  	s24 =	sshll.u32 @!p0 s22, $0x7;
	s23 =	sadd.s32 @!p0 s1, s23;
	_ =	strace @!p0 $0x90000055  }
0x29: {  	s22 =	sadd.s32 @!p0 $0x3, s22;
	s24 =	sor.u32 @!p0 $0x1C000, s24;
	_ =	strace @!p0 $0x80000056  }
0x2a: {  	[tilespmem:s24], [sflag:s22] =	stream.linear.gather @!p0 [hbm4b:s23+s26], $0x80, $0x200038;
	[tilespmem:$0x1C100] =	vst v63  }
0x2b: {  	s25 =	sand.u32 $0x1, s3;
	_ =	strace @!p0 $0x90000056  }
0x2c: {  	s26 =	sadd.s32 $0x1, s25;
	_ =	strace $0x80000057  }
0x2d: {  	_ =	swait.ge [sflag:s26], $0x4000  }
0x2e: {  	s29 =	simm.s32 $0x0;
	[sflag:s26] =	ssyncset.done $0x0  }
0x2f: {  	s31 =	simm.s32 $0x0;
	p2 =	sne.s32 s21, $0x0;
	[sflag:s26] =	ssyncadd.s32 $0xFFFFC000  }
0x30: {  	s30 =	simm.s32 @!p0 $0x2;
	s28 =	sand.u32 $0x1, s3;
	_ =	strace $0x90000057  }
0x31: {  	s30 =	smov.u32 @p0 s18;
	s24 =	sadd.s32 $0x3, s28;
	_ =	strace $0x80000058  }
0x32: {  	s22 =	sadd.s32 $0xFFFFFFFF, s11;
	s23 =	simm.s32 @!p0 $0x1;
	_ =	swait.ge [sflag:s24], $0x80  }
0x33: {  	s25 =	simm.s32 $0x1;
	p1 =	sne.s32 s22, $0x0;
	[sflag:s24] =	ssyncset.done $0x0  }
0x34: {  	s23 =	simm.s32 @p0 $0x0;
	s26 =	sand.u32 $0x80, s31;
	[sflag:s24] =	ssyncadd.s32 $0xFFFFFF80  }
.Ltmp0:
0x35: {  	s24 =	sand.u32 $0x4000, s29;
	_ =	strace $0x90000058;
	(pc) =	sbr.rel @!p1 .LBB2_3-.Ltmp0, $4  }
0x36: {  	s26 =	sor.u32 $0x1C000, s26;
	s24 =	sadd.s32 $0x14000, s24;
	_ =	strace $0x80000059  }
0x37: {  	[spmem:s2] =	stream.indirect.scatter.add.f32 [tilespmem:s24], [sflag:$0x5], $0x80, s26, s16, $0x2000b8;
	[tilespmem:$0x1C100] =	vst v63  }
0x38: {  	s25 =	simm.s32 @!p2 $0x0;
	s23 =	sadd.s32 $0x1, s23;
	_ =	swait.ge [sflag:s17], $0x4000  }
0x39: {  	s24 =	sadd.s32 $0x0, s25;
	s25 =	sadd.s32 $0x0, s25;
	[sflag:s17] =	ssyncset.done $0x0  }
.LBB2_2:
0x3a: {  	[sflag:s17] =	ssyncadd.s32 $0xFFFFC000  }
0x3b: {  	s29 =	smov.u32 s30;
	_ =	strace $0x90000059  }
0x3c: {  	s30 =	smov.u32 s21;
	s21 =	sadd.s32 $0x1, s21;
	s31 =	rddreg [dreg:$0x4]  }
0x3d: {  	p1 =	seq.s32 s21, s31  }
0x3e: {  	s21 =	simm.s32 @p1 $0x0  }
0x3f: {  	p1 =	seq.s32 s30, s21  }
0x40: {  	p2 =	sne.s32 s30, s21;
	s30 =	sadd.s32 @!p1 s6, s21;
	_ =	strace @!p1 $0x80000055  }
0x41: {  	s31 =	sand.u32 @!p1 $0x1, s29;
	s14 =	simm.s32 @!p1 $0x0;
	s15 =	sand.u32 @!p1 $0x1, s23  }
0x42: {  	s0 =	sshll.u32 @!p1 s31, $0xE;
	s4 =	sshll.u32 @!p1 s30, $0xB;
	s30 =	sshll.u32 @!p1 s30, $0x7  }
0x43: {  	s31 =	sadd.s32 @!p1 $0x1, s31;
	s4 =	sand.u32 @!p1 $0x1FFFF800, s4;
	s30 =	sadd.s32 @!p1 $0x28A00, s30  }
0x44: {  	s0 =	sadd.s32 @!p1 $0x14000, s0;
	s4 =	sadd.s32 @!p1 s5, s4;
	s30 =	sshrl.u32 @!p1 s30, $0x3  }
0x45: {  	[tilespmem:s0], [sflag:s31] =	stream.linear.gather @!p1 [hbm4b:s4+s14], $0x4000, $0x200038;
	[tilespmem:$0x1C100] =	vst v63  }
0x46: {  	s0 =	sshll.u32 @!p1 s15, $0x7;
	s4 =	sadd.s32 @!p1 s1, s30;
	_ =	strace @!p1 $0x90000055  }
0x47: {  	s15 =	sadd.s32 @!p1 $0x3, s15;
	s0 =	sor.u32 @!p1 $0x1C000, s0;
	_ =	strace @!p1 $0x80000056  }
0x48: {  	[tilespmem:s0], [sflag:s15] =	stream.linear.gather @!p1 [hbm4b:s4+s14], $0x80, $0x200038;
	[tilespmem:$0x1C100] =	vst v63  }
0x49: {  	s14 =	sand.u32 $0x1, s24;
	_ =	strace @!p1 $0x90000056  }
0x4a: {  	s0 =	sadd.s32 $0x1, s14;
	_ =	strace $0x80000057  }
0x4b: {  	s22 =	sadd.s32 $0xFFFFFFFF, s22;
	s26 =	smov.u32 s24;
	_ =	swait.ge [sflag:s0], $0x4000  }
0x4c: {  	s28 =	smov.u32 s25;
	p0 =	sne.s32 s22, $0x0;
	[sflag:s0] =	ssyncset.done $0x0  }
0x4d: {  	s7 =	simm.s32 @!p1 $0x1;
	s30 =	sadd.s32 @!p1 $0x1, s29;
	[sflag:s0] =	ssyncadd.s32 $0xFFFFC000  }
0x4e: {  	s31 =	sshll.u32 s28, $0x7;
	s15 =	sand.u32 $0x1, s28;
	_ =	strace $0x90000057  }
0x4f: {  	s4 =	simm.s32 $0x1;
	s0 =	sadd.s32 $0x3, s15;
	_ =	strace $0x80000058  }
0x50: {  	s30 =	smov.u32 @p1 s29;
	s4 =	simm.s32 @!p2 $0x0;
	_ =	swait.ge [sflag:s0], $0x80  }
0x51: {  	s29 =	sshll.u32 s26, $0xE;
	s24 =	sadd.s32 s4, s24;
	[sflag:s0] =	ssyncset.done $0x0  }
0x52: {  	s25 =	sadd.s32 s4, s25;
	s4 =	sand.u32 $0x80, s31;
	[sflag:s0] =	ssyncadd.s32 $0xFFFFFF80  }
.Ltmp1:
0x53: {  	s0 =	sand.u32 $0x4000, s29;
	_ =	strace $0x90000058;
	(pc) =	sbr.rel @p0 .LBB2_2-.Ltmp1, $4  }
0x54: {  	s4 =	sor.u32 $0x1C000, s4;
	s0 =	sadd.s32 $0x14000, s0;
	_ =	strace $0x80000059  }
0x55: {  	[spmem:s2] =	stream.indirect.scatter.add.f32 [tilespmem:s0], [sflag:$0x5], $0x80, s4, s16, $0x2000b8;
	[tilespmem:$0x1C100] =	vst v63  }
0x56: {  	s7 =	simm.s32 @p1 $0x0;
	_ =	swait.ge [sflag:s17], $0x4000  }
0x57: {  	s23 =	sadd.s32 s23, s7;
	[sflag:s17] =	ssyncset.done $0x0  }
.LBB2_3:
0x58: {  	[sflag:s17] =	ssyncadd.s32 $0xFFFFC000  }
0x59: {  	s0 =	sand.u32 $0x1, s24;
	_ =	strace $0x90000059  }
0x5a: {  	s0 =	sadd.s32 $0x1, s0;
	_ =	strace $0x80000057  }
0x5b: {  	_ =	swait.ge [sflag:s0], $0x4000  }
0x5c: {  	[sflag:s0] =	ssyncset.done $0x0  }
0x5d: {  	[sflag:s0] =	ssyncadd.s32 $0xFFFFC000  }
0x5e: {  	s30 =	sand.u32 $0x1, s25;
	_ =	strace $0x90000057  }
0x5f: {  	s0 =	sadd.s32 $0x3, s30;
	_ =	strace $0x80000058  }
0x60: {  	_ =	swait.ge [sflag:s0], $0x80  }
0x61: {  	[sflag:s0] =	ssyncset.done $0x0  }
0x62: {  	s31 =	sshll.u32 s24, $0xE;
	s4 =	sshll.u32 s25, $0x7;
	[sflag:s0] =	ssyncadd.s32 $0xFFFFFF80  }
0x63: {  	s4 =	sand.u32 $0x80, s4;
	s0 =	sand.u32 $0x4000, s31;
	_ =	strace $0x90000058  }
0x64: {  	s4 =	sor.u32 $0x1C000, s4;
	s0 =	sadd.s32 $0x14000, s0;
	_ =	strace $0x80000059  }
0x65: {  	[spmem:s2] =	stream.indirect.scatter.add.f32 [tilespmem:s0], [sflag:$0x5], $0x80, s4, s16, $0x2000b8;
	[tilespmem:$0x1C100] =	vst v63  }
0x66: {  	_ =	swait.ge [sflag:s17], $0x4000  }
0x67: {  	[sflag:s17] =	ssyncset.done $0x0  }
0x68: {  	s20 =	sadd.s32 $0x1, s20;
	[sflag:s17] =	ssyncadd.s32 $0xFFFFC000  }
0x69: {  	p0 =	sne.s32 s20, s12;
	_ =	strace $0x90000059  }
.Ltmp2:
0x6a: {  	[bflag:$0x0] =	sbarrier.arrive $0xFFFF;
	(pc) =	sbr.rel @p0 .LBB2_1-.Ltmp2, $4  }
0x6b: {  	[hbm:s19], [sflag:s8] =	dma.local [spmem:s13], $0x2800  }
0x6c: {  	_ =	swait.ge [sflag:s18], $0x2800  }
0x6d: {  	[sflag:s18] =	ssyncset.done $0x0  }
0x6e: {  	[sflag:s18] =	ssyncadd.s32 $0xFFFFD800  }
0x6f: {  	_ =	sfence.sel $0x180000  }
0x70: {  	[bflag:$0x0] =	sbarrier.arrive $0xFFFF  }
0x71: {  	_ =	strace $0x90000053  }
0x72: {  	s0 =	stileid.u32;
	[bflag:$0x2] =	sbarrier.arrive $0xFFFF  }
0x73: {  	p0 =	sne.s32 s0, $0x0;
	s0 =	rddreg [dreg:$0x3]  }
0x74: {  	s0 =	sadd.s32 @!p0 $0x100000, s0  }
0x75: {  	[sflag:s0] =	ssyncadd.tile.s32 @!p0 $0x1;
	_ =	shalt  }
.Lfunc_end2:
_tile_overlayer_lowered:
.L_overlay_start_2:
0x76: {  	(tag) =	ssettag $0x2  }
0x77: {  	s0 =	rddreg [dreg:$0x0];
	s2 =	stileid.u32  }
0x78: {  	s1 =	rddreg [dreg:$0x1];
	p0 =	sne.s32 s2, $0x0  }
0x79: {  	s3 =	rddreg [dreg:$0x2];
	[bflag:$0x3] =	sbarrier.arrive $0xFFFF;
	s2 =	simm.s32 @!p0 $0x1C01  }
0x7a: {  	[timem:s3], [sflag:s2] =	dma.local @!p0 [hbm:s0], s1  }
0x7b: {  	s0 =	simm.s32 @!p0 $0x1  }
0x7c: {  	_ =	swait.ge @!p0 [sflag:s0], s1  }
0x7d: {  	s1 =	ssub.s32 @!p0 $0x0, s1;
	[sflag:s0] =	ssyncset.done @!p0 $0x0  }
0x7e: {  	[sflag:s0] =	ssyncadd.s32 @!p0 s1  }
0x7f: {  	[bflag:$0x3] =	sbarrier.arrive $0xFFFF  }
0x80: {  	_ =	shalt  }

// kernel: kernel.8.cloned.1.call-start
scs
__scs_entry_jumppad:
0x0: {  	(pc) =	sbr.rel $0x88, $3  }
0x1: {  	(tag) =	ssettag $0x0;
	lr =	simm.s32 $0x1  }
0x2: {  	[smem:$0x3F9A] =	sst lr;
	_ =	strace $0xD0000000  }
0x3: {  	_ = 	snop  }
0x4: {  	_ = 	snop  }
0x5: {  	_ = 	snop  }
0x6: {  	_ = 	snop  }
0x7: {  	_ = 	snop  }
__scs_overlays_trampoline_lowered:
0x8: {  	[smem:$0x3FA9] =	sst s0  }
0x9: {  	[smem:$0x3FAA] =	sst s1  }
0xa: {  	[smem:$0x3FAB] =	sst s2  }
0xb: {  	[smem:$0x3FAC] =	sst s3  }
0xc: {  	[smem:$0x3FAD] =	sst s4  }
0xd: {  	[smem:$0x3FAE] =	sst s5  }
0xe: {  	[smem:$0x3FAF] =	sst s6  }
0xf: {  	[smem:$0x3FB0] =	sst s7  }
0x10: {  	[smem:$0x3FB1] =	sst s8  }
0x11: {  	[smem:$0x3FB2] =	sst s9;
	s0 =	simm.s32 @!p0 $0x0  }
0x12: {  	s1 =	sld [smem:$0x3F98];
	s0 =	simm.s32 @p0 $0x1  }
0x13: {  	[smem:$0x3FB3] =	sst s0;
	s0 =	simm.s32 @!p1 $0x0  }
0x14: {  	s2 =	sld [smem:$0x3F97];
	s0 =	simm.s32 @p1 $0x1  }
0x15: {  	[smem:$0x3FB4] =	sst s0;
	s0 =	simm.s32 @!p2 $0x0  }
0x16: {  	s3 =	sld [smem:$0x3FDB];
	s0 =	simm.s32 @p2 $0x1  }
0x17: {  	s4 =	simm.s32 $0x1BF5;
	[smem:$0x3FB6] =	sst s0  }
0x18: {  	s0 =	sld [smem:$0x3F99];
	_ =	swait.ge [sflag:s4], $0x0  }
0x19: {  	s7 =	sld [smem:$0x3F9A]  }
0x1a: {  	s8 =	sadd.s32 $0xFFFFE003, lr  }
0x1b: {  	s9 =	sadd.s32 $0xFFFFFEF7, lr;
	s5 =	simm.s32 $0xFFFFFFFF;
	p2 =	slt.u32 s8, $0xFFFFF086  }
0x1c: {  	p1 =	slt.u32 s9, $0xF7A;
	s5 =	simm.s32 @!p2 $0x0  }
0x1d: {  	s5 =	simm.s32 @p1 $0x1;
	p0 =	seq.s32 s7, s2  }
0x1e: {  	s7 =	smul.u32 @!p0 $0xF7A, s2;
	p2 =	seq.s32 @!p0 s5, $0x0  }
0x1f: {  	s9 =	smul.u32 $0xF7A, s1;
	s8 =	simm.s32 @!p0 $0x1BF5;
	p2 =	por !p2, p0  }
0x20: {  	[sflag:s8] =	ssyncset.s32 @!p0 $0xFFFFF086;
	s6 =	sadd.s32 @!p0 s3, s7;
	s7 =	simm.s32 @!p0 $0x108  }
0x21: {  	s3 =	sadd.s32 s3, s9;
	s6 =	sadd.s32 @!p0 $0x88, s6;
	s7 =	simm.s32 @p2 $0x1082  }
0x22: {  	[simem:s7], [sflag:s8] =	dma.local @!p0 [hbm:s6], $0xF7A  }
0x23: {  	s9 =	sor.u32 $0xD0000000, s2;
	s6 =	simm.s32 $0x108;
	_ =	swait.ge @!p0 [sflag:s8], $0x0  }
0x24: {  	s3 =	sadd.s32 $0x88, s3;
	s6 =	simm.s32 @!p1 $0x1082;
	[sflag:s4] =	ssyncset.s32 $0xFFFFF086  }
0x25: {  	[simem:s6], [sflag:s4] =	dma.local [hbm:s3], $0xF7A  }
0x26: {  	[smem:$0x3F9A] =	sst s1;
	(tag) =	ssettag s2;
	_ =	strace s9  }
0x27: {  	s1 =	sld [smem:$0x3FAA]  }
0x28: {  	s2 =	sld [smem:$0x3FAB]  }
0x29: {  	s4 =	sld [smem:$0x3FAD]  }
0x2a: {  	p0 =	seq.s32 s5, $0x0;
	s5 =	sld [smem:$0x3FAE]  }
0x2b: {  	s6 =	sld [smem:$0x3FAF]  }
0x2c: {  	s7 =	sld [smem:$0x3FB0]  }
0x2d: {  	s3 =	simm.s32 $0x108;
	s8 =	sld [smem:$0x3FB1]  }
0x2e: {  	s3 =	simm.s32 @!p0 $0x1082;
	s9 =	sld [smem:$0x3FB2]  }
0x2f: {  	lr =	sadd.s32 s0, s3;
	s0 =	sld [smem:$0x3FA9]  }
0x30: {  	s3 =	sld [smem:$0x3FAC]  }
0x31: {  	[smem:$0x3FB5] =	sst s10  }
0x32: {  	s10 =	sld [smem:$0x3FB3];
	_ =	sdelay $0x3  }
0x33: {  	p0 =	seq.s32 s10, $0x1;
	s10 =	sld [smem:$0x3FB5];
	_ =	sdelay $0x3  }
0x34: {  	[smem:$0x3FB5] =	sst s10  }
0x35: {  	s10 =	sld [smem:$0x3FB4];
	_ =	sdelay $0x3  }
0x36: {  	p1 =	seq.s32 s10, $0x1;
	s10 =	sld [smem:$0x3FB5];
	_ =	sdelay $0x3  }
0x37: {  	[smem:$0x3FB5] =	sst s10  }
0x38: {  	s10 =	sld [smem:$0x3FB6]  }
0x39: {  	_ = 	snop;
	(pc) =	sbr.ind lr, $3  }
0x3a: {  	_ = 	snop  }
0x3b: {  	_ = 	snop  }
0x3c: {  	p2 =	seq.s32 s10, $0x1;
	s10 =	sld [smem:$0x3FB5]  }
0x3d: {  	_ =	shalt  }
0x3e: {  	_ =	shalt  }
0x3f: {  	_ =	shalt  }
0x40: {  	_ =	shalt  }
0x41: {  	_ =	shalt  }
0x42: {  	_ =	shalt  }
0x43: {  	_ =	shalt  }
0x44: {  	_ =	shalt  }
0x45: {  	_ =	shalt  }
0x46: {  	_ =	shalt  }
0x47: {  	_ =	shalt  }
0x48: {  	_ =	shalt  }
0x49: {  	_ =	shalt  }
0x4a: {  	_ =	shalt  }
0x4b: {  	_ =	shalt  }
0x4c: {  	_ =	shalt  }
0x4d: {  	_ =	shalt  }
0x4e: {  	_ =	shalt  }
0x4f: {  	_ =	shalt  }
0x50: {  	_ =	shalt  }
0x51: {  	_ =	shalt  }
0x52: {  	_ =	shalt  }
0x53: {  	_ =	shalt  }
0x54: {  	_ =	shalt  }
0x55: {  	_ =	shalt  }
0x56: {  	_ =	shalt  }
0x57: {  	_ =	shalt  }
0x58: {  	_ =	shalt  }
0x59: {  	_ =	shalt  }
0x5a: {  	_ =	shalt  }
0x5b: {  	_ =	shalt  }
0x5c: {  	_ =	shalt  }
0x5d: {  	_ =	shalt  }
0x5e: {  	_ =	shalt  }
0x5f: {  	_ =	shalt  }
0x60: {  	_ =	shalt  }
0x61: {  	_ =	shalt  }
0x62: {  	_ =	shalt  }
0x63: {  	_ =	shalt  }
0x64: {  	_ =	shalt  }
0x65: {  	_ =	shalt  }
0x66: {  	_ =	shalt  }
0x67: {  	_ =	shalt  }
0x68: {  	_ =	shalt  }
0x69: {  	_ =	shalt  }
0x6a: {  	_ =	shalt  }
0x6b: {  	_ =	shalt  }
0x6c: {  	_ =	shalt  }
0x6d: {  	_ =	shalt  }
0x6e: {  	_ =	shalt  }
0x6f: {  	_ =	shalt  }
0x70: {  	_ =	shalt  }
0x71: {  	_ =	shalt  }
0x72: {  	_ =	shalt  }
0x73: {  	_ =	shalt  }
0x74: {  	_ =	shalt  }
0x75: {  	_ =	shalt  }
0x76: {  	_ =	shalt  }
0x77: {  	_ =	shalt  }
0x78: {  	_ =	shalt  }
0x79: {  	_ =	shalt  }
0x7a: {  	_ =	shalt  }
0x7b: {  	_ =	shalt  }
0x7c: {  	_ =	shalt  }
0x7d: {  	_ =	shalt  }
0x7e: {  	_ =	shalt  }
0x7f: {  	_ =	shalt  }
0x80: {  	_ =	shalt  }
0x81: {  	_ =	shalt  }
0x82: {  	_ =	shalt  }
0x83: {  	_ =	shalt  }
0x84: {  	_ =	shalt  }
0x85: {  	_ =	shalt  }
0x86: {  	_ =	shalt  }
0x87: {  	_ =	shalt  }
.Lfunc_end0:
.L_simem_size_0:
called_computation_lowered:
.L_overlay_start_0:
0x88: {  	s2 =	sld [smem:$0x3FD9]  }
0x89: {  	s3 =	sld [smem:$0x3FFE];
	_ =	sdelay $0x1  }
0x8a: {  	s1 =	srdreg.scid  }
0x8b: {  	s0 =	sand.u32 $0x1, s1  }
0x8c: {  	s17 =	sshll.u32 s0, $0xA;
	s2 =	sadd.s32 s3, s2  }
0x8d: {  	s2 =	sadd.s32 s2, s17  }
0x8e: {  	[smem:$0x3FC1] =	sst s2  }
0x8f: {  	_ = 	snop  }
0x90: {  	s2 =	sld [smem:$0x3FC9];
	(tm) =	ssettm $0x1  }
0x91: {  	s18 =	sld [smem:$0x3FFB];
	_ =	sdelay $0x3  }
0x92: {  	_ =	strace s18  }
0x93: {  	s3 =	sld [smem:$0x3FFC];
	_ =	sdelay $0x3  }
0x94: {  	_ =	strace s3  }
0x95: {  	s3 =	sld [smem:$0x3FFD];
	_ =	sdelay $0x3  }
0x96: {  	_ =	strace s3  }
0x97: {  	_ =	strace $0x8FFFFFFF  }
0x98: {  	s19 =	sld [smem:$0x3FDB];
	_ =	sdelay $0x1  }
0x99: {  	s4 =	simm.s32 $_scs_section_size  }
0x9a: {  	s5 =	simm.s32 $_size__tile_overlayer_lowered;
	s6 =	simm.s32 $_tile_overlayer_lowered  }
0x9b: {  	s22 =	simm.s32 $0x1BFF;
	s21 =	sshll.u32 s6, $0x1;
	s3 =	sadd.s32 s4, s19  }
0x9c: {  	s7 =	simm.s32 $0x0;
	s20 =	sshll.u32 s5, $0x1;
	s5 =	sadd.s32 s21, s3  }
0x9d: {  	[timem:s7], [sflag:s22] =	dma.local [hbm:s5], s20  }
0x9e: {  	_ =	swait.ge [sflag:s22], s20  }
0x9f: {  	s4 =	ssub.s32 $0x0, s20;
	[sflag:s22] =	ssyncset.done $0x0  }
0xa0: {  	[sflag:s22] =	ssyncadd.s32 s4;
	_ =	sdelay $0x1  }
0xa1: {  	s23 =	simm.s32 $0x1B8B  }
0xa2: {  	_ =	swait.ge [sflag:s23], $0x1  }
0xa3: {  	[sflag:s23] =	ssyncset.done $0x0  }
0xa4: {  	s25 =	simm.s32 $0x1B8E;
	s24 =	sld [smem:$0x3FFE];
	[sflag:s23] =	ssyncadd.s32 $0xFFFFFFFF  }
0xa5: {  	s26 =	simm.s32 $execute0_lowered;
	[smem:$0x3FD2] =	sst s25  }
0xa6: {  	s5 =	sshll.u32 s26, $0x1;
	_ =	strace $0x80000046;
	[dreg:$0x1] =	wrdreg $0xFFFFFFFF  }
0xa7: {  	s28 =	simm.s32 $_size_execute0_lowered;
	s3 =	sadd.s32 s3, s5;
	[dreg:$0x0] =	wrdreg $0x0  }
0xa8: {  	s5 =	sshll.u32 s28, $0x1;
	[dreg:$0x2] =	wrdreg s3  }
0xa9: {  	[dreg:$0x3] =	wrdreg s5  }
0xaa: {  	[dreg:$0x4] =	wrdreg $0xC0  }
0xab: {  	_ =	task [dreg:s7], $0x5FFFF  }
0xac: {  	[dreg:$0x1] =	wrdreg $0xFFFFFFFF  }
0xad: {  	[dreg:$0x0] =	wrdreg $0x60  }
0xae: {  	[dreg:$0x2] =	wrdreg s2  }
0xaf: {  	[dreg:$0x3] =	wrdreg s24  }
0xb0: {  	[dreg:$0x4] =	wrdreg $0x9  }
0xb1: {  	_ =	task.clear_ibuf [dreg:s7], $0x5FFFF;
	_ =	strace $0x90000046  }
0xb2: {  	s29 =	simm.s32 $0x9;
	_ =	strace $0x80000048  }
0xb3: {  	_ =	swait.ge [sflag:s29], $0x1  }
0xb4: {  	[sflag:s29] =	ssyncadd.s32 $0xFFFFFFFF  }
0xb5: {  	_ =	strace $0x90000048  }
0xb6: {  	_ =	sfence  }
0xb7: {  	s30 =	sld [smem:$0x0];
	_ =	sdelay $0x2  }
0xb8: {  	s31 =	sshll.u32 s1, $0xD;
	s1 =	sshrl.u32 s1, $0x2  }
0xb9: {  	s3 =	sand.u32 $0x4000, s31;
	s1 =	sadd.s32 s1, s30  }
0xba: {  	s0 =	sor.u32 s3, s0;
	s1 =	sshll.u32 s1, $0x11  }
0xbb: {  	s0 =	sor.u32 s1, s0  }
0xbc: {  	s0 =	sadd.s32 $0x8F2B, s0  }
0xbd: {  	[sflag:s0] =	ssyncadd.remote.s32 $0x1  }
0xbe: {  	_ =	sfence.sel $0xFFFF  }
0xbf: {  	[dreg:$0x0] =	wrdreg $0xFFFFFFFF;
	(pc) =	sbr.abs _section_cstart, $3  }
0xc0: {  	[dreg:$0x1] =	wrdreg $0xFFFFFFFF  }
0xc1: {  	_ =	task.clear_ibuf [dreg:s7], $0x2FFFF;
	_ =	strace $0x9FFFFFFF  }
0xc2: {  	(tm) =	ssettm $0x7FFFFFFF  }
0xc3: {  	_ =	shalt  }
tec
execute0_lowered:
.L_overlay_start_1:
0x0: {  	(tag) =	ssettag $0x1  }
0x1: {  	s1 =	srdreg.scid;
	s2 =	rddreg [dreg:$0x0]  }
0x2: {  	s0 =	stileid.u32;
	s5 =	rddreg [dreg:$0x1];
	s3 =	simm.s32 $0x0  }
0x3: {  	s7 =	simm.s32 $0x1;
	s4 =	sand.u32 $0x1, s1;
	s30 =	sshll.u32 s0, $0x1  }
0x4: {  	s8 =	simm.s32 $0x2780;
	s9 =	simm.s32 $0x4F00;
	s1 =	sor.u32 s4, s30  }
0x5: {  	[smem:$0x7FF] =	sst s3;
	s4 =	ssub.s32 $0x2, s4;
	s6 =	smul.u32 $0x4E2, s1  }
0x6: {  	s10 =	simm.s32 $0x0;
	s1 =	rddreg [dreg:$0x2];
	s31 =	sshrl.u32 s4, $0x1  }
0x7: {  	_ =	strace $0x80000047;
	s5 =	sadd.s32 s6, s5;
	s6 =	ssub.s32 s4, s31  }
0x8: {  	s4 =	sadd.s32 $0x1400, s5;
	s5 =	sadd.s32 $0xB200, s5;
	s6 =	smax.u32 s6, $0x1  }
.LBB2_1:
0x9: {  	[tilespmem:s3], [sflag:$0x1] =	stream.linear.gather [hbm4b:s2+s3], $0x2780, $0x38;
	[tilespmem:$0x7680] =	vst v63  }
0xa: {  	_ =	swait.ge [sflag:s7], $0x2780  }
0xb: {  	[sflag:s7] =	ssyncset.done $0x0  }
0xc: {  	[sflag:s7] =	ssyncadd.s32 $0xFFFFD880  }
0xd: {  	[tilespmem:s8], [sflag:$0x1] =	stream.linear.gather [hbm4b:s4+s3], $0x2710, $0x38;
	[tilespmem:$0x7680] =	vst v63  }
0xe: {  	_ =	swait.ge [sflag:s7], $0x2710  }
0xf: {  	[sflag:s7] =	ssyncset.done $0x0  }
0x10: {  	s11 =	simm.s32 $0x0;
	[sflag:s7] =	ssyncadd.s32 $0xFFFFD8F0  }
0x11: {  	v0 =	vld [tilespmem:s11+$0x2780];
	_ =	sdelay $0x7  }
0x12: {  	s12 =	simm.s32 $0x10;
	s13 =	simm.s32 $0x80;
	v0 =	vld.idx.msk [tilespmem:v0+s3+$0x0], $0xffff  }
.LBB2_2:
0x13: {  	p0 =	sne.s32 s13, $0x9C00;
	v1 =	vld [tilespmem:s12+$0x2780];
	_ =	sdelay $0x3  }
.Ltmp0:
0x14: {  	(pc) =	sbr.rel @p0 .LBB2_2-.Ltmp0, $2  }
0x15: {  	[tilespmem:s11+$0x4F00] =	vst v0;
	s11 =	smov.u32 s12;
	_ =	sdelay $0x2  }
0x16: {  	s12 =	sshra.s32 s13, $0x2;
	s13 =	sadd.s32 $0x40, s13;
	v0 =	vld.idx.msk [tilespmem:v1+s3+$0x0], $0xffff  }
0x17: {  	v1 =	vld [tilespmem:s12+$0x2780];
	_ =	sdelay $0x6  }
0x18: {  	[tilespmem:s11+$0x4F00] =	vst v0  }
0x19: {  	v0 =	vld.idx.msk [tilespmem:v1+s3+$0x0], $0xffff;
	_ =	sdelay $0x2  }
0x1a: {  	s10 =	sadd.s32 $0x1, s10  }
0x1b: {  	p0 =	sne.s32 s10, s6  }
.Ltmp1:
0x1c: {  	[tilespmem:s12+$0x4F00] =	vst v0;
	(pc) =	sbr.rel @p0 .LBB2_1-.Ltmp1, $4  }
0x1d: {  	[hbm4b:s5+s3] =	stream.linear.scatter [tilespmem:s9], [sflag:$0x1], $0x2710, $0x38;
	[tilespmem:$0x7680] =	vst v63  }
0x1e: {  	_ =	swait.ge [sflag:s7], $0x2710  }
0x1f: {  	[sflag:s7] =	ssyncset.done $0x0  }
0x20: {  	[sflag:s7] =	ssyncadd.s32 $0xFFFFD8F0  }
0x21: {  	_ =	sfence.sel $0x180000  }
0x22: {  	[bflag:$0x0] =	sbarrier.arrive $0xFFFF  }
0x23: {  	p0 =	sne.s32 s0, $0x0;
	_ =	strace $0x90000047  }
0x24: {  	s0 =	sadd.s32 @!p0 $0x100000, s1;
	[bflag:$0x2] =	sbarrier.arrive $0xFFFF  }
0x25: {  	[sflag:s0] =	ssyncadd.tile.s32 @!p0 $0x1;
	_ =	shalt  }
.Lfunc_end2:
_tile_overlayer_lowered:
.L_overlay_start_2:
0x26: {  	(tag) =	ssettag $0x2  }
0x27: {  	s0 =	rddreg [dreg:$0x0];
	s2 =	stileid.u32  }
0x28: {  	s1 =	rddreg [dreg:$0x1];
	p0 =	sne.s32 s2, $0x0  }
0x29: {  	s3 =	rddreg [dreg:$0x2];
	[bflag:$0x3] =	sbarrier.arrive $0xFFFF;
	s2 =	simm.s32 @!p0 $0x1C01  }
0x2a: {  	[timem:s3], [sflag:s2] =	dma.local @!p0 [hbm:s0], s1  }
0x2b: {  	s0 =	simm.s32 @!p0 $0x1  }
0x2c: {  	_ =	swait.ge @!p0 [sflag:s0], s1  }
0x2d: {  	s1 =	ssub.s32 @!p0 $0x0, s1;
	[sflag:s0] =	ssyncset.done @!p0 $0x0  }
0x2e: {  	[sflag:s0] =	ssyncadd.s32 @!p0 s1  }
0x2f: {  	[bflag:$0x3] =	sbarrier.arrive $0xFFFF  }
0x30: {  	_ =	shalt  }

</sc_bundles>
